<compile_context>
chip_gen: v7x
topology: tpu7x:2x2x1
jax: 0.10.2.dev20260603
libtpu: 0.0.44.dev20260713+nightly
codegen_flags: <defaults>
</compile_context>

<pallas_src>
import functools

import jax
import jax.numpy as jnp
from jax import lax
from jax.experimental import pallas as pl
from jax.experimental.pallas import tpu as pltpu
from jax.experimental.pallas import tpu_sc as plsc

_N = 10000
_E = 320000
_D = 128
_G = 64
_NC = 2
_NS = 16
_NW = _NC * _NS
_EPW = _E // _NW
_CHUNK = 80
_NCH = _EPW // _CHUNK
_RCH = 80
_IBK = 25
_NBK = _NCH // _IBK
_NRC = _N // _RCH
_BN = 1000


def _segsum_sc(h, src3d, dst3d):
    mesh = plsc.VectorSubcoreMesh(core_axis_name="c", subcore_axis_name="s")

    @functools.partial(
        pl.kernel,
        mesh=mesh,
        out_type=jax.ShapeDtypeStruct((_NC, _N, _D), jnp.float32),
        scratch_types=[
            pltpu.VMEM((_IBK, _CHUNK), jnp.int32),
            pltpu.VMEM((_IBK, _CHUNK), jnp.int32),
            pltpu.VMEM((_CHUNK, _D), jnp.float32),
            pltpu.VMEM((_CHUNK, _D), jnp.float32),
            pltpu.VMEM_SHARED((_N, _D), jnp.float32),
            pltpu.SemaphoreType.DMA,
            pltpu.SemaphoreType.DMA,
        ],
    )
    def k(h_hbm, src_hbm, dst_hbm, out_hbm, src_v, dst_v, rows_a, rows_b,
          acc_sh, sem_a, sem_b):
        cid = lax.axis_index("c")
        sid = lax.axis_index("s")
        wid = cid * _NS + sid

        def zb(i, _):
            rows_a[i // 8, pl.ds((i % 8) * 16, 16)] = jnp.zeros(
                (16,), jnp.float32)
            return 0
        lax.fori_loop(0, _RCH * 8, zb, 0)

        def zc(j, _):
            c = sid + j * _NS

            @pl.when(c < _NRC)
            def _():
                pltpu.sync_copy(rows_a, acc_sh.at[pl.ds(c * _RCH, _RCH)])
            return 0
        lax.fori_loop(0, (_NRC + _NS - 1) // _NS, zc, 0)
        plsc.subcore_barrier()

        def blk(b, _):
            pltpu.sync_copy(src_hbm.at[wid, b], src_v)
            pltpu.sync_copy(dst_hbm.at[wid, b], dst_v)
            pltpu.async_copy(h_hbm.at[src_v.at[0]], rows_a, sem_a)

            def body(c, _):
                def step(rows_cur, sem_cur, rows_nxt, sem_nxt):
                    pltpu.make_async_copy(h_hbm.at[src_v.at[c]], rows_cur,
                                          sem_cur).wait()

                    @pl.when(c + 1 < _IBK)
                    def _():
                        pltpu.async_copy(h_hbm.at[src_v.at[c + 1]], rows_nxt,
                                         sem_nxt)
                    pltpu.sync_copy(rows_cur, acc_sh.at[dst_v.at[c]],
                                    add=True)

                @pl.when(c % 2 == 0)
                def _():
                    step(rows_a, sem_a, rows_b, sem_b)

                @pl.when(c % 2 == 1)
                def _():
                    step(rows_b, sem_b, rows_a, sem_a)
                return 0
            lax.fori_loop(0, _IBK, body, 0)
            return 0
        lax.fori_loop(0, _NBK, blk, 0)
        plsc.subcore_barrier()

        def dr(j, _):
            c = sid + j * _NS

            @pl.when(c < _NRC)
            def _():
                off = c * _RCH
                pltpu.sync_copy(acc_sh.at[pl.ds(off, _RCH)], rows_a)
                pltpu.sync_copy(rows_a, out_hbm.at[cid, pl.ds(off, _RCH)])
            return 0
        lax.fori_loop(0, (_NRC + _NS - 1) // _NS, dr, 0)

    return k(h, src3d, dst3d)


def _row_spec(shape=(_BN, _D)):
    return pl.BlockSpec(shape, lambda i: (i, 0))


def _full_spec(shape):
    return pl.BlockSpec(shape, lambda i: tuple(0 for _ in shape))


def _mlp_stage1(h, p0, p1, w1, b1):
    def kern(h_ref, p0_ref, p1_ref, w1_ref, b1_ref, t_ref, s_ref):
        z = h_ref[...] + p0_ref[...] + p1_ref[...]
        t = jnp.dot(z, w1_ref[...], preferred_element_type=jnp.float32)
        t = t + b1_ref[...]
        t_ref[...] = t

        @pl.when(pl.program_id(0) == 0)
        def _():
            s_ref[...] = jnp.zeros_like(s_ref)

        s_ref[...] += jnp.sum(t, axis=0, keepdims=True)

    return pl.pallas_call(
        kern,
        grid=(_N // _BN,),
        in_specs=[
            _row_spec(), _row_spec(), _row_spec(),
            _full_spec((_D, _D)), _full_spec((1, _D)),
        ],
        out_specs=[
            _row_spec(),
            _full_spec((1, _D)),
        ],
        out_shape=[
            jax.ShapeDtypeStruct((_N, _D), jnp.float32),
            jax.ShapeDtypeStruct((1, _D), jnp.float32),
        ],
    )(h, p0, p1, w1, b1.reshape(1, _D))


def _colvar(t, s):
    def kern(t_ref, s_ref, q_ref):
        d = t_ref[...] - s_ref[...] * (1.0 / _N)

        @pl.when(pl.program_id(0) == 0)
        def _():
            q_ref[...] = jnp.zeros_like(q_ref)

        q_ref[...] += jnp.sum(d * d, axis=0, keepdims=True)

    return pl.pallas_call(
        kern,
        grid=(_N // _BN,),
        in_specs=[_row_spec(), _full_spec((1, _D))],
        out_specs=_full_spec((1, _D)),
        out_shape=jax.ShapeDtypeStruct((1, _D), jnp.float32),
    )(t, s)


def _bn_relu(t, s_ref, q_ref, g_ref, be_ref):
    mean = s_ref[...] * (1.0 / _N)
    var = q_ref[...] * (1.0 / _N)
    inv = lax.rsqrt(var + 1e-5) * g_ref[...]
    return jnp.maximum((t - mean) * inv + be_ref[...], 0.0)


def _mlp_stage2(t, s, q, gamma, beta, w2, b2):
    def kern(t_ref, s_ref, q_ref, g_ref, be_ref, w2_ref, b2_ref, o_ref):
        nrm = _bn_relu(t_ref[...], s_ref, q_ref, g_ref, be_ref)
        y = jnp.dot(nrm, w2_ref[...], preferred_element_type=jnp.float32)
        o_ref[...] = jnp.maximum(y + b2_ref[...], 0.0)

    return pl.pallas_call(
        kern,
        grid=(_N // _BN,),
        in_specs=[
            _row_spec(),
            _full_spec((1, _D)), _full_spec((1, _D)),
            _full_spec((1, _D)), _full_spec((1, _D)),
            _full_spec((_D, _D)), _full_spec((1, _D)),
        ],
        out_specs=_row_spec(),
        out_shape=jax.ShapeDtypeStruct((_N, _D), jnp.float32),
    )(t, s, q, gamma.reshape(1, _D), beta.reshape(1, _D), w2,
      b2.reshape(1, _D))


def _mlp_stage2_pool(t, s, q, gamma, beta, w2, b2, batch3d):
    def kern(t_ref, s_ref, q_ref, g_ref, be_ref, w2_ref, b2_ref, b_ref,
             ps_ref, ct_ref):
        nrm = _bn_relu(t_ref[...], s_ref, q_ref, g_ref, be_ref)
        y = jnp.dot(nrm, w2_ref[...], preferred_element_type=jnp.float32)
        h3 = jnp.maximum(y + b2_ref[...], 0.0)
        b = b_ref[...][0, 0]
        gid = lax.broadcasted_iota(jnp.int32, (_G, _BN), 0)
        oh = (b[None, :] == gid).astype(jnp.float32)

        @pl.when(pl.program_id(0) == 0)
        def _():
            ps_ref[...] = jnp.zeros_like(ps_ref)
            ct_ref[...] = jnp.zeros_like(ct_ref)

        ps_ref[...] += jnp.dot(oh, h3, preferred_element_type=jnp.float32)
        ct_ref[...] += jnp.sum(oh, axis=1, keepdims=True)

    return pl.pallas_call(
        kern,
        grid=(_N // _BN,),
        in_specs=[
            _row_spec(),
            _full_spec((1, _D)), _full_spec((1, _D)),
            _full_spec((1, _D)), _full_spec((1, _D)),
            _full_spec((_D, _D)), _full_spec((1, _D)),
            pl.BlockSpec((1, 1, _BN), lambda i: (i, 0, 0)),
        ],
        out_specs=[
            _full_spec((_G, _D)),
            _full_spec((_G, 1)),
        ],
        out_shape=[
            jax.ShapeDtypeStruct((_G, _D), jnp.float32),
            jax.ShapeDtypeStruct((_G, 1), jnp.float32),
        ],
    )(t, s, q, gamma.reshape(1, _D), beta.reshape(1, _D), w2,
      b2.reshape(1, _D), batch3d)


def _final_mlp(ps, ct, p):
    def kern(ps_ref, ct_ref, w1_ref, b1_ref, g_ref, be_ref, w2_ref, b2_ref,
             o_ref):
        pooled = ps_ref[...] / jnp.maximum(ct_ref[...], 1.0)
        t = jnp.dot(pooled, w1_ref[...], preferred_element_type=jnp.float32)
        t = t + b1_ref[...]
        mean = jnp.mean(t, axis=0, keepdims=True)
        var = jnp.mean((t - mean) * (t - mean), axis=0, keepdims=True)
        nrm = (t - mean) * lax.rsqrt(var + 1e-5) * g_ref[...] + be_ref[...]
        nrm = jnp.maximum(nrm, 0.0)
        y = jnp.dot(nrm, w2_ref[...], preferred_element_type=jnp.float32)
        o_ref[...] = y + b2_ref[...]

    return pl.pallas_call(
        kern,
        grid=(1,),
        in_specs=[
            _full_spec((_G, _D)), _full_spec((_G, 1)),
            _full_spec((_D, _D)), _full_spec((1, _D)),
            _full_spec((1, _D)), _full_spec((1, _D)),
            _full_spec((_D, _D)), _full_spec((1, _D)),
        ],
        out_specs=_full_spec((_G, _D)),
        out_shape=jax.ShapeDtypeStruct((_G, _D), jnp.float32),
    )(ps, ct, p['W1'], p['b1'].reshape(1, _D), p['gamma'].reshape(1, _D),
      p['beta'].reshape(1, _D), p['W2'], p['b2'].reshape(1, _D))


def kernel(x, edge_index, batch, params):
    src3d = edge_index[0].reshape(_NW, _NBK, _IBK, _CHUNK)
    dst3d = edge_index[1].reshape(_NW, _NBK, _IBK, _CHUNK)
    batch3d = batch.reshape(_N // _BN, 1, _BN)
    h = x
    for i in range(3):
        p = _segsum_sc(h, src3d, dst3d)
        t, s = _mlp_stage1(h, p[0], p[1], params[i]['W1'], params[i]['b1'])
        q = _colvar(t, s)
        if i < 2:
            h = _mlp_stage2(t, s, q, params[i]['gamma'], params[i]['beta'],
                            params[i]['W2'], params[i]['b2'])
        else:
            ps, ct = _mlp_stage2_pool(t, s, q, params[i]['gamma'],
                                      params[i]['beta'], params[i]['W2'],
                                      params[i]['b2'], batch3d)
    return _final_mlp(ps, ct, params[3])

# --- scband reference (transcript-rebuilt; emitter-appended) ---
"""Pipeline reference for scband-ginnet-2783138808359 (READ-ONLY COPY).

The authoritative reference and input builder live on the scoring server;
editing this copy changes nothing except your own understanding.
"""

import jax, jax.numpy as jnp
import numpy as np

N_NODES = 10000
N_EDGES = 320000
D_IN = 128
H = 128
OUT = 128
G = 64
NUM_LAYERS = 3


def _make_mlp_params(k, din, dh, dout):
    k1, k2 = jax.random.split(k)
    s1 = 1.0 / np.sqrt(din)
    s2 = 1.0 / np.sqrt(dh)
    return {
        'W1': jax.random.uniform(k1, (din, dh), jnp.float32, -s1, s1),
        'b1': jnp.zeros((dh,), jnp.float32),
        'gamma': jnp.ones((dh,), jnp.float32),
        'beta': jnp.zeros((dh,), jnp.float32),
        'W2': jax.random.uniform(k2, (dh, dout), jnp.float32, -s2, s2),
        'b2': jnp.zeros((dout,), jnp.float32),
    }


def _mlp(x, p):
    # PyG-style MLP: Linear -> BatchNorm (batch stats) -> ReLU -> Linear (plain last)
    h = x @ p['W1'] + p['b1']
    mean = jnp.mean(h, axis=0, keepdims=True)
    var = jnp.var(h, axis=0, keepdims=True)
    h = (h - mean) / jnp.sqrt(var + 1e-5) * p['gamma'] + p['beta']
    h = jax.nn.relu(h)
    return h @ p['W2'] + p['b2']


def setup_inputs(seed: int = 0) -> dict:
    key = jax.random.key(seed)
    ks = jax.random.split(key, 8)
    x = jax.random.normal(ks[0], (N_NODES, D_IN), jnp.float32)
    edge_index = jax.random.randint(ks[1], (2, N_EDGES), 0, N_NODES, dtype=jnp.int32)
    batch = jnp.sort(jax.random.randint(ks[2], (N_NODES,), 0, G, dtype=jnp.int32))
    params = [
        _make_mlp_params(ks[3], D_IN, H, H),
        _make_mlp_params(ks[4], H, H, H),
        _make_mlp_params(ks[5], H, H, H),
        _make_mlp_params(ks[6], H, H, OUT),  # out_mlp
    ]
    return {'x': x, 'edge_index': edge_index, 'batch': batch, 'params': params}


def reference(x, edge_index, batch, params):
    src = edge_index[0]
    dst = edge_index[1]
    h = x
    for i in range(NUM_LAYERS):
        # GINConv (train_eps=False, eps=0): mlp((1+eps)*x + sum_{j in N(i)} x_j)
        agg = jax.ops.segment_sum(h[src], dst, num_segments=N_NODES)
        h = _mlp(h + agg, params[i])
        h = jax.nn.relu(h)
        # dropout p=0.0 -> no-op
    # global_mean_pool over batch ids
    sums = jax.ops.segment_sum(h, batch, num_segments=G)
    counts = jax.ops.segment_sum(jnp.ones((N_NODES, 1), jnp.float32), batch, num_segments=G)
    pooled = sums / jnp.maximum(counts, 1.0)
    out = _mlp(pooled, params[NUM_LAYERS])
    return out

if __name__ == "__main__":
    import jax
    _d = setup_inputs()
    print(jax.jit(kernel)(*tuple(_d.values())))

</pallas_src>

<mosaic_0001>
#map = affine_map<(d0, d1) -> (0, 0)>
#map1 = affine_map<(d0, d1) -> (0, 0, 0, 0)>
#map2 = affine_map<(d0, d1) -> (0, 0, 0)>
module attributes {stable_mosaic.version = 14 : i64} {
  func.func @k(%arg0: i32, %arg1: i32, %arg2: memref<10000x128xf32, #tpu.memory_space<hbm>>, %arg3: memref<32x5x25x80xi32, #tpu.memory_space<hbm>>, %arg4: memref<32x5x25x80xi32, #tpu.memory_space<hbm>>, %arg5: memref<2x10000x128xf32, #tpu.memory_space<hbm>>, %arg6: memref<25x80xi32, #tpu.memory_space<vmem>>, %arg7: memref<25x80xi32, #tpu.memory_space<vmem>>, %arg8: memref<80x128xf32, #tpu.memory_space<vmem>>, %arg9: memref<80x128xf32, #tpu.memory_space<vmem>>, %arg10: memref<10000x128xf32, #tpu.memory_space<vmem_shared>>, %arg11: memref<!tpu.dma_semaphore, #tpu.memory_space<semaphore_mem>>, %arg12: memref<!tpu.dma_semaphore, #tpu.memory_space<semaphore_mem>>) attributes {dimension_semantics = [#tpu.dimension_semantics<core_parallel>, #tpu.dimension_semantics<subcore_parallel>], iteration_bounds = array<i64: 2, 16>, scalar_prefetch = 0 : i64, scratch_operands = 7 : i64, tpu.core_type = #tpu.core_type<sc_vector_subcore>, window_params = [{transform_indices = #map}, {transform_indices = #map1}, {transform_indices = #map1}, {transform_indices = #map2}]} {
    %mul3A = arith.constant 16 : i32
    %mul3A_0 = arith.muli %arg0, %mul3A : i32
    %add3A = arith.addi %mul3A_0, %arg1 : i32
    %scan3A = arith.constant 0 : i32
    %scan3A_1 = arith.constant 0 : i32
    %scan3A_2 = arith.constant 640 : i32
    %scan3A_3 = arith.addi %scan3A_1, %scan3A_2 : i32
    %scan3A_4 = arith.constant 1 : i32
    %scan3A_5 = scf.for %scan3A_29 = %scan3A_1 to %scan3A_3 step %scan3A_4 iter_args(%scan3A_30 = %scan3A) -> (i32)  : i32 {
      %broadcast_in_dim3A = arith.constant 0.000000e+00 : f32
      %broadcast_in_dim3A_31 = vector.broadcast %broadcast_in_dim3A : f32 to vector<16xf32>
      %jit3A = arith.constant 8 : i32
      %div3A = arith.divsi %scan3A_29, %jit3A : i32
      %sign3A = arith.constant 0 : i32
      %sign3A_32 = arith.cmpi sgt, %scan3A_29, %sign3A : i32
      %sign3A_33 = arith.extui %sign3A_32 : i1 to i32
      %sign3A_34 = arith.constant 0 : i32
      %sign3A_35 = arith.cmpi slt, %scan3A_29, %sign3A_34 : i32
      %sign3A_36 = arith.extui %sign3A_35 : i1 to i32
      %sign3A_37 = arith.subi %sign3A_33, %sign3A_36 : i32
      %sign3A_38 = arith.constant 0 : i32
      %sign3A_39 = arith.cmpi sgt, %jit3A, %sign3A_38 : i32
      %sign3A_40 = arith.extui %sign3A_39 : i1 to i32
      %sign3A_41 = arith.constant 0 : i32
      %sign3A_42 = arith.cmpi slt, %jit3A, %sign3A_41 : i32
      %sign3A_43 = arith.extui %sign3A_42 : i1 to i32
      %sign3A_44 = arith.subi %sign3A_40, %sign3A_43 : i32
      %ne3A = arith.cmpi ne, %sign3A_37, %sign3A_44 : i32
      %rem3A = arith.remsi %scan3A_29, %jit3A : i32
      %ne3A_45 = arith.constant 0 : i32
      %ne3A_46 = arith.cmpi ne, %rem3A, %ne3A_45 : i32
      %and3A = arith.andi %ne3A, %ne3A_46 : i1
      %sub3A = arith.constant 1 : i32
      %sub3A_47 = arith.subi %div3A, %sub3A : i32
      %select_n3A = arith.select %and3A, %sub3A_47, %div3A : i32
      %jit3A_48 = arith.constant 8 : i32
      %eq3A = arith.constant 0 : i32
      %eq3A_49 = arith.cmpi eq, %jit3A_48, %eq3A : i32
      %jit3A_50 = arith.constant 1 : i32
      %select_n3A_51 = arith.select %eq3A_49, %jit3A_50, %jit3A_48 : i32
      %rem3A_52 = arith.remsi %scan3A_29, %select_n3A_51 : i32
      %ne3A_53 = arith.constant 0 : i32
      %ne3A_54 = arith.cmpi ne, %rem3A_52, %ne3A_53 : i32
      %lt3A = arith.constant 0 : i32
      %lt3A_55 = arith.cmpi slt, %rem3A_52, %lt3A : i32
      %lt3A_56 = arith.constant 0 : i32
      %lt3A_57 = arith.cmpi slt, %select_n3A_51, %lt3A_56 : i32
      %ne3A_58 = arith.xori %lt3A_55, %lt3A_57 : i1
      %and3A_59 = arith.andi %ne3A_58, %ne3A_54 : i1
      %add3A_60 = arith.addi %rem3A_52, %select_n3A_51 : i32
      %select_n3A_61 = arith.select %and3A_59, %add3A_60, %rem3A_52 : i32
      %mul3A_62 = arith.constant 16 : i32
      %mul3A_63 = arith.muli %select_n3A_61, %mul3A_62 : i32
      %swap3A = arith.index_cast %select_n3A : i32 to index
      %swap3A_64 = arith.index_cast %mul3A_63 : i32 to index
      %swap3A_65 = tpu.vector_load %arg8[%swap3A, %swap3A_64] {strides = array<i32>} : memref<80x128xf32, #tpu.memory_space<vmem>>, vector<1x16xf32>,
      %swap3A_66 = vector.shape_cast %swap3A_65 : vector<1x16xf32> to vector<16xf32>
      %swap3A_67 = vector.shape_cast %broadcast_in_dim3A_31 : vector<16xf32> to vector<1x16xf32>
      tpu.vector_store %arg8[%swap3A, %swap3A_64], %swap3A_67 {strides = array<i32>} : memref<80x128xf32, #tpu.memory_space<vmem>>, vector<1x16xf32>,
      %scan3A_68 = arith.constant 0 : i32
      scf.yield %scan3A_68 : i32
    }
    %scan3A_6 = arith.constant 640 : i32
    %scan3A_7 = arith.constant 0 : i32
    %scan3A_8 = arith.constant 0 : i32
    %scan3A_9 = arith.constant 8 : i32
    %scan3A_10 = arith.addi %scan3A_8, %scan3A_9 : i32
    %scan3A_11 = arith.constant 1 : i32
    %scan3A_12 = scf.for %scan3A_29 = %scan3A_8 to %scan3A_10 step %scan3A_11 iter_args(%scan3A_30 = %scan3A_7) -> (i32)  : i32 {
      %mul3A_31 = arith.constant 16 : i32
      %mul3A_32 = arith.muli %scan3A_29, %mul3A_31 : i32
      %add3A_33 = arith.addi %arg1, %mul3A_32 : i32
      %lt3A = arith.constant 125 : i32
      %lt3A_34 = arith.cmpi slt, %add3A_33, %lt3A : i32
      %convert_element_type3A = arith.extui %lt3A_34 : i1 to i32
      %cond3A = arith.constant 0 : i32
      %cond3A_35 = arith.cmpi ne, %convert_element_type3A, %cond3A : i32
      scf.if %cond3A_35 {
        %mul3A_37 = arith.constant 80 : i32
        %mul3A_38 = arith.muli %add3A_33, %mul3A_37 : i32
        "tpu.region"() ({
          %run_scoped3A = tpu.sem_alloc : memref<!tpu.dma_semaphore, #tpu.memory_space<semaphore_mem>>
          %dma_start3A = arith.constant 0 : i32
          %dma_start3A_39 = tpu.memref_slice %arg10[%mul3A_38, %dma_start3A] : memref<10000x128xf32, #tpu.memory_space<vmem_shared>> -> memref<80x128xf32, #tpu.memory_space<vmem_shared>>
          %dma_start3A_40 = arith.constant 0 : i32
          %dma_start3A_41 = tpu.memref_slice %arg10[%mul3A_38, %dma_start3A_40] : memref<10000x128xf32, #tpu.memory_space<vmem_shared>> -> memref<80x128xf32, #tpu.memory_space<vmem_shared>>
          tpu.enqueue_dma source(%arg8 : memref<80x128xf32, #tpu.memory_space<vmem>>) target(%dma_start3A_41 : memref<80x128xf32, #tpu.memory_space<vmem_shared>>) target_semaphore(%run_scoped3A : memref<!tpu.dma_semaphore, #tpu.memory_space<semaphore_mem>>)
          %dma_wait3A = arith.constant 0 : i32
          %dma_wait3A_42 = tpu.memref_slice %arg10[%mul3A_38, %dma_wait3A] : memref<10000x128xf32, #tpu.memory_space<vmem_shared>> -> memref<80x128xf32, #tpu.memory_space<vmem_shared>>
          %dma_wait3A_43 = arith.constant 0 : i32
          %dma_wait3A_44 = tpu.memref_slice %arg10[%mul3A_38, %dma_wait3A_43] : memref<10000x128xf32, #tpu.memory_space<vmem_shared>> -> memref<80x128xf32, #tpu.memory_space<vmem_shared>>
          tpu.wait_dma2 semaphore(%run_scoped3A : memref<!tpu.dma_semaphore, #tpu.memory_space<semaphore_mem>>) src(%arg8 : memref<80x128xf32, #tpu.memory_space<vmem>>) dst(%dma_wait3A_44 : memref<80x128xf32, #tpu.memory_space<vmem_shared>>)
          tpu.yield
        }) : () -> ()
      } else {
      }
      %scan3A_36 = arith.constant 0 : i32
      scf.yield %scan3A_36 : i32
    }
    %scan3A_13 = arith.constant 8 : i32
    %barrier3A = arith.constant 0 : index
    tpu.barrier barrier_id(%barrier3A)
    %scan3A_14 = arith.constant 0 : i32
    %scan3A_15 = arith.constant 0 : i32
    %scan3A_16 = arith.constant 5 : i32
    %scan3A_17 = arith.addi %scan3A_15, %scan3A_16 : i32
    %scan3A_18 = arith.constant 1 : i32
    %scan3A_19 = scf.for %scan3A_29 = %scan3A_15 to %scan3A_17 step %scan3A_18 iter_args(%scan3A_30 = %scan3A_14) -> (i32)  : i32 {
      "tpu.region"() ({
        %run_scoped3A = tpu.sem_alloc : memref<!tpu.dma_semaphore, #tpu.memory_space<semaphore_mem>>
        %dma_start3A_45 = arith.constant 0 : i32
        %dma_start3A_46 = arith.constant 0 : i32
        %dma_start3A_47 = tpu.memref_slice %arg3[%add3A, %scan3A_29, %dma_start3A_45, %dma_start3A_46] : memref<32x5x25x80xi32, #tpu.memory_space<hbm>> -> memref<1x1x25x80xi32, #tpu.memory_space<hbm>>
        %dma_start3A_48 = tpu.memref_squeeze %dma_start3A_47 : memref<1x1x25x80xi32, #tpu.memory_space<hbm>> -> memref<25x80xi32, #tpu.memory_space<hbm>>
        %dma_start3A_49 = arith.constant 0 : i32
        %dma_start3A_50 = arith.constant 0 : i32
        %dma_start3A_51 = tpu.memref_slice %arg3[%add3A, %scan3A_29, %dma_start3A_49, %dma_start3A_50] : memref<32x5x25x80xi32, #tpu.memory_space<hbm>> -> memref<1x1x25x80xi32, #tpu.memory_space<hbm>>
        %dma_start3A_52 = tpu.memref_squeeze %dma_start3A_51 : memref<1x1x25x80xi32, #tpu.memory_space<hbm>> -> memref<25x80xi32, #tpu.memory_space<hbm>>
        tpu.enqueue_dma source(%dma_start3A_52 : memref<25x80xi32, #tpu.memory_space<hbm>>) target(%arg6 : memref<25x80xi32, #tpu.memory_space<vmem>>) target_semaphore(%run_scoped3A : memref<!tpu.dma_semaphore, #tpu.memory_space<semaphore_mem>>)
        %dma_wait3A = arith.constant 0 : i32
        %dma_wait3A_53 = arith.constant 0 : i32
        %dma_wait3A_54 = tpu.memref_slice %arg3[%add3A, %scan3A_29, %dma_wait3A, %dma_wait3A_53] : memref<32x5x25x80xi32, #tpu.memory_space<hbm>> -> memref<1x1x25x80xi32, #tpu.memory_space<hbm>>
        %dma_wait3A_55 = tpu.memref_squeeze %dma_wait3A_54 : memref<1x1x25x80xi32, #tpu.memory_space<hbm>> -> memref<25x80xi32, #tpu.memory_space<hbm>>
        %dma_wait3A_56 = arith.constant 0 : i32
        %dma_wait3A_57 = arith.constant 0 : i32
        %dma_wait3A_58 = tpu.memref_slice %arg3[%add3A, %scan3A_29, %dma_wait3A_56, %dma_wait3A_57] : memref<32x5x25x80xi32, #tpu.memory_space<hbm>> -> memref<1x1x25x80xi32, #tpu.memory_space<hbm>>
        %dma_wait3A_59 = tpu.memref_squeeze %dma_wait3A_58 : memref<1x1x25x80xi32, #tpu.memory_space<hbm>> -> memref<25x80xi32, #tpu.memory_space<hbm>>
        tpu.wait_dma2 semaphore(%run_scoped3A : memref<!tpu.dma_semaphore, #tpu.memory_space<semaphore_mem>>) src(%dma_wait3A_59 : memref<25x80xi32, #tpu.memory_space<hbm>>) dst(%arg6 : memref<25x80xi32, #tpu.memory_space<vmem>>)
        tpu.yield
      }) : () -> ()
      "tpu.region"() ({
        %run_scoped3A = tpu.sem_alloc : memref<!tpu.dma_semaphore, #tpu.memory_space<semaphore_mem>>
        %dma_start3A_45 = arith.constant 0 : i32
        %dma_start3A_46 = arith.constant 0 : i32
        %dma_start3A_47 = tpu.memref_slice %arg4[%add3A, %scan3A_29, %dma_start3A_45, %dma_start3A_46] : memref<32x5x25x80xi32, #tpu.memory_space<hbm>> -> memref<1x1x25x80xi32, #tpu.memory_space<hbm>>
        %dma_start3A_48 = tpu.memref_squeeze %dma_start3A_47 : memref<1x1x25x80xi32, #tpu.memory_space<hbm>> -> memref<25x80xi32, #tpu.memory_space<hbm>>
        %dma_start3A_49 = arith.constant 0 : i32
        %dma_start3A_50 = arith.constant 0 : i32
        %dma_start3A_51 = tpu.memref_slice %arg4[%add3A, %scan3A_29, %dma_start3A_49, %dma_start3A_50] : memref<32x5x25x80xi32, #tpu.memory_space<hbm>> -> memref<1x1x25x80xi32, #tpu.memory_space<hbm>>
        %dma_start3A_52 = tpu.memref_squeeze %dma_start3A_51 : memref<1x1x25x80xi32, #tpu.memory_space<hbm>> -> memref<25x80xi32, #tpu.memory_space<hbm>>
        tpu.enqueue_dma source(%dma_start3A_52 : memref<25x80xi32, #tpu.memory_space<hbm>>) target(%arg7 : memref<25x80xi32, #tpu.memory_space<vmem>>) target_semaphore(%run_scoped3A : memref<!tpu.dma_semaphore, #tpu.memory_space<semaphore_mem>>)
        %dma_wait3A = arith.constant 0 : i32
        %dma_wait3A_53 = arith.constant 0 : i32
        %dma_wait3A_54 = tpu.memref_slice %arg4[%add3A, %scan3A_29, %dma_wait3A, %dma_wait3A_53] : memref<32x5x25x80xi32, #tpu.memory_space<hbm>> -> memref<1x1x25x80xi32, #tpu.memory_space<hbm>>
        %dma_wait3A_55 = tpu.memref_squeeze %dma_wait3A_54 : memref<1x1x25x80xi32, #tpu.memory_space<hbm>> -> memref<25x80xi32, #tpu.memory_space<hbm>>
        %dma_wait3A_56 = arith.constant 0 : i32
        %dma_wait3A_57 = arith.constant 0 : i32
        %dma_wait3A_58 = tpu.memref_slice %arg4[%add3A, %scan3A_29, %dma_wait3A_56, %dma_wait3A_57] : memref<32x5x25x80xi32, #tpu.memory_space<hbm>> -> memref<1x1x25x80xi32, #tpu.memory_space<hbm>>
        %dma_wait3A_59 = tpu.memref_squeeze %dma_wait3A_58 : memref<1x1x25x80xi32, #tpu.memory_space<hbm>> -> memref<25x80xi32, #tpu.memory_space<hbm>>
        tpu.wait_dma2 semaphore(%run_scoped3A : memref<!tpu.dma_semaphore, #tpu.memory_space<semaphore_mem>>) src(%dma_wait3A_59 : memref<25x80xi32, #tpu.memory_space<hbm>>) dst(%arg7 : memref<25x80xi32, #tpu.memory_space<vmem>>)
        tpu.yield
      }) : () -> ()
      %dma_start3A = arith.constant 0 : i32
      %dma_start3A_31 = arith.constant 0 : i32
      %dma_start3A_32 = tpu.memref_slice %arg6[%dma_start3A, %dma_start3A_31] : memref<25x80xi32, #tpu.memory_space<vmem>> -> memref<1x80xi32, #tpu.memory_space<vmem>>
      %dma_start3A_33 = tpu.memref_squeeze %dma_start3A_32 : memref<1x80xi32, #tpu.memory_space<vmem>> -> memref<80xi32, #tpu.memory_space<vmem>>
      %dma_start3A_34 = arith.constant 0 : i32
      %dma_start3A_35 = arith.constant 0 : i32
      %dma_start3A_36 = tpu.memref_slice %arg2[%dma_start3A_34, %dma_start3A_35] : memref<10000x128xf32, #tpu.memory_space<hbm>> -> memref<10000x128xf32, #tpu.memory_space<hbm>>
      tpu.enqueue_indirect_dma source(%dma_start3A_36 : memref<10000x128xf32, #tpu.memory_space<hbm>>) target(%arg8 : memref<80x128xf32, #tpu.memory_space<vmem>>) offsets(%dma_start3A_33 : memref<80xi32, #tpu.memory_space<vmem>>) semaphore(%arg11 : memref<!tpu.dma_semaphore, #tpu.memory_space<semaphore_mem>>)
      %scan3A_37 = arith.constant 0 : i32
      %scan3A_38 = arith.constant 0 : i32
      %scan3A_39 = arith.constant 25 : i32
      %scan3A_40 = arith.addi %scan3A_38, %scan3A_39 : i32
      %scan3A_41 = arith.constant 1 : i32
      %scan3A_42 = scf.for %scan3A_45 = %scan3A_38 to %scan3A_40 step %scan3A_41 iter_args(%scan3A_46 = %scan3A_37) -> (i32)  : i32 {
        %jit3A = arith.constant 2 : i32
        %eq3A = arith.constant 0 : i32
        %eq3A_47 = arith.cmpi eq, %jit3A, %eq3A : i32
        %jit3A_48 = arith.constant 1 : i32
        %select_n3A = arith.select %eq3A_47, %jit3A_48, %jit3A : i32
        %rem3A = arith.remsi %scan3A_45, %select_n3A : i32
        %ne3A = arith.constant 0 : i32
        %ne3A_49 = arith.cmpi ne, %rem3A, %ne3A : i32
        %lt3A = arith.constant 0 : i32
        %lt3A_50 = arith.cmpi slt, %rem3A, %lt3A : i32
        %lt3A_51 = arith.constant 0 : i32
        %lt3A_52 = arith.cmpi slt, %select_n3A, %lt3A_51 : i32
        %ne3A_53 = arith.xori %lt3A_50, %lt3A_52 : i1
        %and3A = arith.andi %ne3A_53, %ne3A_49 : i1
        %add3A_54 = arith.addi %rem3A, %select_n3A : i32
        %select_n3A_55 = arith.select %and3A, %add3A_54, %rem3A : i32
        %eq3A_56 = arith.constant 0 : i32
        %eq3A_57 = arith.cmpi eq, %select_n3A_55, %eq3A_56 : i32
        %convert_element_type3A = arith.extui %eq3A_57 : i1 to i32
        %cond3A = arith.constant 0 : i32
        %cond3A_58 = arith.cmpi ne, %convert_element_type3A, %cond3A : i32
        scf.if %cond3A_58 {
          %dma_wait3A = arith.constant 0 : i32
          %dma_wait3A_81 = tpu.memref_slice %arg6[%scan3A_45, %dma_wait3A] : memref<25x80xi32, #tpu.memory_space<vmem>> -> memref<1x80xi32, #tpu.memory_space<vmem>>
          %dma_wait3A_82 = tpu.memref_squeeze %dma_wait3A_81 : memref<1x80xi32, #tpu.memory_space<vmem>> -> memref<80xi32, #tpu.memory_space<vmem>>
          %dma_wait3A_83 = arith.constant 0 : i32
          %dma_wait3A_84 = arith.constant 0 : i32
          %dma_wait3A_85 = tpu.memref_slice %arg2[%dma_wait3A_83, %dma_wait3A_84] : memref<10000x128xf32, #tpu.memory_space<hbm>> -> memref<10000x128xf32, #tpu.memory_space<hbm>>
          tpu.wait_indirect_dma semaphore(%arg11 : memref<!tpu.dma_semaphore, #tpu.memory_space<semaphore_mem>>) src(%dma_wait3A_85 : memref<10000x128xf32, #tpu.memory_space<hbm>>) dst(%arg8 : memref<80x128xf32, #tpu.memory_space<vmem>>)
          %add3A_86 = arith.constant 1 : i32
          %add3A_87 = arith.addi %scan3A_45, %add3A_86 : i32
          %lt3A_88 = arith.constant 25 : i32
          %lt3A_89 = arith.cmpi slt, %add3A_87, %lt3A_88 : i32
          %convert_element_type3A_90 = arith.extui %lt3A_89 : i1 to i32
          %cond3A_91 = arith.constant 0 : i32
          %cond3A_92 = arith.cmpi ne, %convert_element_type3A_90, %cond3A_91 : i32
          scf.if %cond3A_92 {
            %add3A_93 = arith.constant 1 : i32
            %add3A_94 = arith.addi %scan3A_45, %add3A_93 : i32
            %dma_start3A_95 = arith.constant 0 : i32
            %dma_start3A_96 = tpu.memref_slice %arg6[%add3A_94, %dma_start3A_95] : memref<25x80xi32, #tpu.memory_space<vmem>> -> memref<1x80xi32, #tpu.memory_space<vmem>>
            %dma_start3A_97 = tpu.memref_squeeze %dma_start3A_96 : memref<1x80xi32, #tpu.memory_space<vmem>> -> memref<80xi32, #tpu.memory_space<vmem>>
            %dma_start3A_98 = arith.constant 0 : i32
            %dma_start3A_99 = arith.constant 0 : i32
            %dma_start3A_100 = tpu.memref_slice %arg2[%dma_start3A_98, %dma_start3A_99] : memref<10000x128xf32, #tpu.memory_space<hbm>> -> memref<10000x128xf32, #tpu.memory_space<hbm>>
            tpu.enqueue_indirect_dma source(%dma_start3A_100 : memref<10000x128xf32, #tpu.memory_space<hbm>>) target(%arg9 : memref<80x128xf32, #tpu.memory_space<vmem>>) offsets(%dma_start3A_97 : memref<80xi32, #tpu.memory_space<vmem>>) semaphore(%arg12 : memref<!tpu.dma_semaphore, #tpu.memory_space<semaphore_mem>>)
          } else {
          }
          "tpu.region"() ({
            %run_scoped3A = tpu.sem_alloc : memref<!tpu.dma_semaphore, #tpu.memory_space<semaphore_mem>>
            %dma_start3A_93 = arith.constant 0 : i32
            %dma_start3A_94 = tpu.memref_slice %arg7[%scan3A_45, %dma_start3A_93] : memref<25x80xi32, #tpu.memory_space<vmem>> -> memref<1x80xi32, #tpu.memory_space<vmem>>
            %dma_start3A_95 = tpu.memref_squeeze %dma_start3A_94 : memref<1x80xi32, #tpu.memory_space<vmem>> -> memref<80xi32, #tpu.memory_space<vmem>>
            %dma_start3A_96 = arith.constant 0 : i32
            %dma_start3A_97 = arith.constant 0 : i32
            %dma_start3A_98 = tpu.memref_slice %arg10[%dma_start3A_96, %dma_start3A_97] : memref<10000x128xf32, #tpu.memory_space<vmem_shared>> -> memref<10000x128xf32, #tpu.memory_space<vmem_shared>>
            tpu.enqueue_indirect_dma source(%arg8 : memref<80x128xf32, #tpu.memory_space<vmem>>) target(%dma_start3A_98 : memref<10000x128xf32, #tpu.memory_space<vmem_shared>>) offsets(%dma_start3A_95 : memref<80xi32, #tpu.memory_space<vmem>>) semaphore(%run_scoped3A : memref<!tpu.dma_semaphore, #tpu.memory_space<semaphore_mem>>) {add = true}
            %dma_wait3A_99 = arith.constant 0 : i32
            %dma_wait3A_100 = tpu.memref_slice %arg7[%scan3A_45, %dma_wait3A_99] : memref<25x80xi32, #tpu.memory_space<vmem>> -> memref<1x80xi32, #tpu.memory_space<vmem>>
            %dma_wait3A_101 = tpu.memref_squeeze %dma_wait3A_100 : memref<1x80xi32, #tpu.memory_space<vmem>> -> memref<80xi32, #tpu.memory_space<vmem>>
            %dma_wait3A_102 = arith.constant 0 : i32
            %dma_wait3A_103 = arith.constant 0 : i32
            %dma_wait3A_104 = tpu.memref_slice %arg10[%dma_wait3A_102, %dma_wait3A_103] : memref<10000x128xf32, #tpu.memory_space<vmem_shared>> -> memref<10000x128xf32, #tpu.memory_space<vmem_shared>>
            tpu.wait_indirect_dma semaphore(%run_scoped3A : memref<!tpu.dma_semaphore, #tpu.memory_space<semaphore_mem>>) src(%arg8 : memref<80x128xf32, #tpu.memory_space<vmem>>) dst(%dma_wait3A_104 : memref<10000x128xf32, #tpu.memory_space<vmem_shared>>)
            tpu.yield
          }) : () -> ()
        } else {
        }
        %jit3A_59 = arith.constant 2 : i32
        %eq3A_60 = arith.constant 0 : i32
        %eq3A_61 = arith.cmpi eq, %jit3A_59, %eq3A_60 : i32
        %jit3A_62 = arith.constant 1 : i32
        %select_n3A_63 = arith.select %eq3A_61, %jit3A_62, %jit3A_59 : i32
        %rem3A_64 = arith.remsi %scan3A_45, %select_n3A_63 : i32
        %ne3A_65 = arith.constant 0 : i32
        %ne3A_66 = arith.cmpi ne, %rem3A_64, %ne3A_65 : i32
        %lt3A_67 = arith.constant 0 : i32
        %lt3A_68 = arith.cmpi slt, %rem3A_64, %lt3A_67 : i32
        %lt3A_69 = arith.constant 0 : i32
        %lt3A_70 = arith.cmpi slt, %select_n3A_63, %lt3A_69 : i32
        %ne3A_71 = arith.xori %lt3A_68, %lt3A_70 : i1
        %and3A_72 = arith.andi %ne3A_71, %ne3A_66 : i1
        %add3A_73 = arith.addi %rem3A_64, %select_n3A_63 : i32
        %select_n3A_74 = arith.select %and3A_72, %add3A_73, %rem3A_64 : i32
        %eq3A_75 = arith.constant 1 : i32
        %eq3A_76 = arith.cmpi eq, %select_n3A_74, %eq3A_75 : i32
        %convert_element_type3A_77 = arith.extui %eq3A_76 : i1 to i32
        %cond3A_78 = arith.constant 0 : i32
        %cond3A_79 = arith.cmpi ne, %convert_element_type3A_77, %cond3A_78 : i32
        scf.if %cond3A_79 {
          %dma_wait3A = arith.constant 0 : i32
          %dma_wait3A_81 = tpu.memref_slice %arg6[%scan3A_45, %dma_wait3A] : memref<25x80xi32, #tpu.memory_space<vmem>> -> memref<1x80xi32, #tpu.memory_space<vmem>>
          %dma_wait3A_82 = tpu.memref_squeeze %dma_wait3A_81 : memref<1x80xi32, #tpu.memory_space<vmem>> -> memref<80xi32, #tpu.memory_space<vmem>>
          %dma_wait3A_83 = arith.constant 0 : i32
          %dma_wait3A_84 = arith.constant 0 : i32
          %dma_wait3A_85 = tpu.memref_slice %arg2[%dma_wait3A_83, %dma_wait3A_84] : memref<10000x128xf32, #tpu.memory_space<hbm>> -> memref<10000x128xf32, #tpu.memory_space<hbm>>
          tpu.wait_indirect_dma semaphore(%arg12 : memref<!tpu.dma_semaphore, #tpu.memory_space<semaphore_mem>>) src(%dma_wait3A_85 : memref<10000x128xf32, #tpu.memory_space<hbm>>) dst(%arg9 : memref<80x128xf32, #tpu.memory_space<vmem>>)
          %add3A_86 = arith.constant 1 : i32
          %add3A_87 = arith.addi %scan3A_45, %add3A_86 : i32
          %lt3A_88 = arith.constant 25 : i32
          %lt3A_89 = arith.cmpi slt, %add3A_87, %lt3A_88 : i32
          %convert_element_type3A_90 = arith.extui %lt3A_89 : i1 to i32
          %cond3A_91 = arith.constant 0 : i32
          %cond3A_92 = arith.cmpi ne, %convert_element_type3A_90, %cond3A_91 : i32
          scf.if %cond3A_92 {
            %add3A_93 = arith.constant 1 : i32
            %add3A_94 = arith.addi %scan3A_45, %add3A_93 : i32
            %dma_start3A_95 = arith.constant 0 : i32
            %dma_start3A_96 = tpu.memref_slice %arg6[%add3A_94, %dma_start3A_95] : memref<25x80xi32, #tpu.memory_space<vmem>> -> memref<1x80xi32, #tpu.memory_space<vmem>>
            %dma_start3A_97 = tpu.memref_squeeze %dma_start3A_96 : memref<1x80xi32, #tpu.memory_space<vmem>> -> memref<80xi32, #tpu.memory_space<vmem>>
            %dma_start3A_98 = arith.constant 0 : i32
            %dma_start3A_99 = arith.constant 0 : i32
            %dma_start3A_100 = tpu.memref_slice %arg2[%dma_start3A_98, %dma_start3A_99] : memref<10000x128xf32, #tpu.memory_space<hbm>> -> memref<10000x128xf32, #tpu.memory_space<hbm>>
            tpu.enqueue_indirect_dma source(%dma_start3A_100 : memref<10000x128xf32, #tpu.memory_space<hbm>>) target(%arg8 : memref<80x128xf32, #tpu.memory_space<vmem>>) offsets(%dma_start3A_97 : memref<80xi32, #tpu.memory_space<vmem>>) semaphore(%arg11 : memref<!tpu.dma_semaphore, #tpu.memory_space<semaphore_mem>>)
          } else {
          }
          "tpu.region"() ({
            %run_scoped3A = tpu.sem_alloc : memref<!tpu.dma_semaphore, #tpu.memory_space<semaphore_mem>>
            %dma_start3A_93 = arith.constant 0 : i32
            %dma_start3A_94 = tpu.memref_slice %arg7[%scan3A_45, %dma_start3A_93] : memref<25x80xi32, #tpu.memory_space<vmem>> -> memref<1x80xi32, #tpu.memory_space<vmem>>
            %dma_start3A_95 = tpu.memref_squeeze %dma_start3A_94 : memref<1x80xi32, #tpu.memory_space<vmem>> -> memref<80xi32, #tpu.memory_space<vmem>>
            %dma_start3A_96 = arith.constant 0 : i32
            %dma_start3A_97 = arith.constant 0 : i32
            %dma_start3A_98 = tpu.memref_slice %arg10[%dma_start3A_96, %dma_start3A_97] : memref<10000x128xf32, #tpu.memory_space<vmem_shared>> -> memref<10000x128xf32, #tpu.memory_space<vmem_shared>>
            tpu.enqueue_indirect_dma source(%arg9 : memref<80x128xf32, #tpu.memory_space<vmem>>) target(%dma_start3A_98 : memref<10000x128xf32, #tpu.memory_space<vmem_shared>>) offsets(%dma_start3A_95 : memref<80xi32, #tpu.memory_space<vmem>>) semaphore(%run_scoped3A : memref<!tpu.dma_semaphore, #tpu.memory_space<semaphore_mem>>) {add = true}
            %dma_wait3A_99 = arith.constant 0 : i32
            %dma_wait3A_100 = tpu.memref_slice %arg7[%scan3A_45, %dma_wait3A_99] : memref<25x80xi32, #tpu.memory_space<vmem>> -> memref<1x80xi32, #tpu.memory_space<vmem>>
            %dma_wait3A_101 = tpu.memref_squeeze %dma_wait3A_100 : memref<1x80xi32, #tpu.memory_space<vmem>> -> memref<80xi32, #tpu.memory_space<vmem>>
            %dma_wait3A_102 = arith.constant 0 : i32
            %dma_wait3A_103 = arith.constant 0 : i32
            %dma_wait3A_104 = tpu.memref_slice %arg10[%dma_wait3A_102, %dma_wait3A_103] : memref<10000x128xf32, #tpu.memory_space<vmem_shared>> -> memref<10000x128xf32, #tpu.memory_space<vmem_shared>>
            tpu.wait_indirect_dma semaphore(%run_scoped3A : memref<!tpu.dma_semaphore, #tpu.memory_space<semaphore_mem>>) src(%arg9 : memref<80x128xf32, #tpu.memory_space<vmem>>) dst(%dma_wait3A_104 : memref<10000x128xf32, #tpu.memory_space<vmem_shared>>)
            tpu.yield
          }) : () -> ()
        } else {
        }
        %scan3A_80 = arith.constant 0 : i32
        scf.yield %scan3A_80 : i32
      }
      %scan3A_43 = arith.constant 25 : i32
      %scan3A_44 = arith.constant 0 : i32
      scf.yield %scan3A_44 : i32
    }
    %scan3A_20 = arith.constant 5 : i32
    %barrier3A_21 = arith.constant 0 : index
    tpu.barrier barrier_id(%barrier3A_21)
    %scan3A_22 = arith.constant 0 : i32
    %scan3A_23 = arith.constant 0 : i32
    %scan3A_24 = arith.constant 8 : i32
    %scan3A_25 = arith.addi %scan3A_23, %scan3A_24 : i32
    %scan3A_26 = arith.constant 1 : i32
    %scan3A_27 = scf.for %scan3A_29 = %scan3A_23 to %scan3A_25 step %scan3A_26 iter_args(%scan3A_30 = %scan3A_22) -> (i32)  : i32 {
      %mul3A_31 = arith.constant 16 : i32
      %mul3A_32 = arith.muli %scan3A_29, %mul3A_31 : i32
      %add3A_33 = arith.addi %arg1, %mul3A_32 : i32
      %lt3A = arith.constant 125 : i32
      %lt3A_34 = arith.cmpi slt, %add3A_33, %lt3A : i32
      %convert_element_type3A = arith.extui %lt3A_34 : i1 to i32
      %cond3A = arith.constant 0 : i32
      %cond3A_35 = arith.cmpi ne, %convert_element_type3A, %cond3A : i32
      scf.if %cond3A_35 {
        %mul3A_37 = arith.constant 80 : i32
        %mul3A_38 = arith.muli %add3A_33, %mul3A_37 : i32
        "tpu.region"() ({
          %run_scoped3A = tpu.sem_alloc : memref<!tpu.dma_semaphore, #tpu.memory_space<semaphore_mem>>
          %dma_start3A = arith.constant 0 : i32
          %dma_start3A_39 = tpu.memref_slice %arg10[%mul3A_38, %dma_start3A] : memref<10000x128xf32, #tpu.memory_space<vmem_shared>> -> memref<80x128xf32, #tpu.memory_space<vmem_shared>>
          %dma_start3A_40 = arith.constant 0 : i32
          %dma_start3A_41 = tpu.memref_slice %arg10[%mul3A_38, %dma_start3A_40] : memref<10000x128xf32, #tpu.memory_space<vmem_shared>> -> memref<80x128xf32, #tpu.memory_space<vmem_shared>>
          tpu.enqueue_dma source(%dma_start3A_41 : memref<80x128xf32, #tpu.memory_space<vmem_shared>>) target(%arg8 : memref<80x128xf32, #tpu.memory_space<vmem>>) target_semaphore(%run_scoped3A : memref<!tpu.dma_semaphore, #tpu.memory_space<semaphore_mem>>)
          %dma_wait3A = arith.constant 0 : i32
          %dma_wait3A_42 = tpu.memref_slice %arg10[%mul3A_38, %dma_wait3A] : memref<10000x128xf32, #tpu.memory_space<vmem_shared>> -> memref<80x128xf32, #tpu.memory_space<vmem_shared>>
          %dma_wait3A_43 = arith.constant 0 : i32
          %dma_wait3A_44 = tpu.memref_slice %arg10[%mul3A_38, %dma_wait3A_43] : memref<10000x128xf32, #tpu.memory_space<vmem_shared>> -> memref<80x128xf32, #tpu.memory_space<vmem_shared>>
          tpu.wait_dma2 semaphore(%run_scoped3A : memref<!tpu.dma_semaphore, #tpu.memory_space<semaphore_mem>>) src(%dma_wait3A_44 : memref<80x128xf32, #tpu.memory_space<vmem_shared>>) dst(%arg8 : memref<80x128xf32, #tpu.memory_space<vmem>>)
          tpu.yield
        }) : () -> ()
        "tpu.region"() ({
          %run_scoped3A = tpu.sem_alloc : memref<!tpu.dma_semaphore, #tpu.memory_space<semaphore_mem>>
          %dma_start3A = arith.constant 0 : i32
          %dma_start3A_39 = tpu.memref_slice %arg5[%arg0, %mul3A_38, %dma_start3A] : memref<2x10000x128xf32, #tpu.memory_space<hbm>> -> memref<1x80x128xf32, #tpu.memory_space<hbm>>
          %dma_start3A_40 = tpu.memref_squeeze %dma_start3A_39 : memref<1x80x128xf32, #tpu.memory_space<hbm>> -> memref<80x128xf32, #tpu.memory_space<hbm>>
          %dma_start3A_41 = arith.constant 0 : i32
          %dma_start3A_42 = tpu.memref_slice %arg5[%arg0, %mul3A_38, %dma_start3A_41] : memref<2x10000x128xf32, #tpu.memory_space<hbm>> -> memref<1x80x128xf32, #tpu.memory_space<hbm>>
          %dma_start3A_43 = tpu.memref_squeeze %dma_start3A_42 : memref<1x80x128xf32, #tpu.memory_space<hbm>> -> memref<80x128xf32, #tpu.memory_space<hbm>>
          tpu.enqueue_dma source(%arg8 : memref<80x128xf32, #tpu.memory_space<vmem>>) target(%dma_start3A_43 : memref<80x128xf32, #tpu.memory_space<hbm>>) target_semaphore(%run_scoped3A : memref<!tpu.dma_semaphore, #tpu.memory_space<semaphore_mem>>)
          %dma_wait3A = arith.constant 0 : i32
          %dma_wait3A_44 = tpu.memref_slice %arg5[%arg0, %mul3A_38, %dma_wait3A] : memref<2x10000x128xf32, #tpu.memory_space<hbm>> -> memref<1x80x128xf32, #tpu.memory_space<hbm>>
          %dma_wait3A_45 = tpu.memref_squeeze %dma_wait3A_44 : memref<1x80x128xf32, #tpu.memory_space<hbm>> -> memref<80x128xf32, #tpu.memory_space<hbm>>
          %dma_wait3A_46 = arith.constant 0 : i32
          %dma_wait3A_47 = tpu.memref_slice %arg5[%arg0, %mul3A_38, %dma_wait3A_46] : memref<2x10000x128xf32, #tpu.memory_space<hbm>> -> memref<1x80x128xf32, #tpu.memory_space<hbm>>
          %dma_wait3A_48 = tpu.memref_squeeze %dma_wait3A_47 : memref<1x80x128xf32, #tpu.memory_space<hbm>> -> memref<80x128xf32, #tpu.memory_space<hbm>>
          tpu.wait_dma2 semaphore(%run_scoped3A : memref<!tpu.dma_semaphore, #tpu.memory_space<semaphore_mem>>) src(%arg8 : memref<80x128xf32, #tpu.memory_space<vmem>>) dst(%dma_wait3A_48 : memref<80x128xf32, #tpu.memory_space<hbm>>)
          tpu.yield
        }) : () -> ()
      } else {
      }
      %scan3A_36 = arith.constant 0 : i32
      scf.yield %scan3A_36 : i32
    }
    %scan3A_28 = arith.constant 8 : i32
    return
  }
}

#map = affine_map<(d0, d1) -> (0, 0)>
#map1 = affine_map<(d0, d1) -> (0, 0, 0, 0)>
#map2 = affine_map<(d0, d1) -> (0, 0, 0)>
module attributes {stable_mosaic.version = 14 : i64} {
  func.func @k(%arg0: i32, %arg1: i32, %arg2: memref<10000x128xf32, #tpu.memory_space<hbm>>, %arg3: memref<32x5x25x80xi32, #tpu.memory_space<hbm>>, %arg4: memref<32x5x25x80xi32, #tpu.memory_space<hbm>>, %arg5: memref<2x10000x128xf32, #tpu.memory_space<hbm>>, %arg6: memref<25x80xi32, #tpu.memory_space<vmem>>, %arg7: memref<25x80xi32, #tpu.memory_space<vmem>>, %arg8: memref<80x128xf32, #tpu.memory_space<vmem>>, %arg9: memref<80x128xf32, #tpu.memory_space<vmem>>, %arg10: memref<10000x128xf32, #tpu.memory_space<vmem_shared>>, %arg11: memref<!tpu.dma_semaphore, #tpu.memory_space<semaphore_mem>>, %arg12: memref<!tpu.dma_semaphore, #tpu.memory_space<semaphore_mem>>) attributes {dimension_semantics = [#tpu.dimension_semantics<core_parallel>, #tpu.dimension_semantics<subcore_parallel>], iteration_bounds = array<i64: 2, 16>, scalar_prefetch = 0 : i64, scratch_operands = 7 : i64, tpu.core_type = #tpu.core_type<sc_vector_subcore>, window_params = [{transform_indices = #map}, {transform_indices = #map1}, {transform_indices = #map1}, {transform_indices = #map2}]} {
    %mul3A = arith.constant 16 : i32
    %mul3A_0 = arith.muli %arg0, %mul3A : i32
    %add3A = arith.addi %mul3A_0, %arg1 : i32
    %scan3A = arith.constant 0 : i32
    %scan3A_1 = arith.constant 0 : i32
    %scan3A_2 = arith.constant 640 : i32
    %scan3A_3 = arith.addi %scan3A_1, %scan3A_2 : i32
    %scan3A_4 = arith.constant 1 : i32
    %scan3A_5 = scf.for %scan3A_29 = %scan3A_1 to %scan3A_3 step %scan3A_4 iter_args(%scan3A_30 = %scan3A) -> (i32)  : i32 {
      %broadcast_in_dim3A = arith.constant 0.000000e+00 : f32
      %broadcast_in_dim3A_31 = vector.broadcast %broadcast_in_dim3A : f32 to vector<16xf32>
      %jit3A = arith.constant 8 : i32
      %div3A = arith.divsi %scan3A_29, %jit3A : i32
      %sign3A = arith.constant 0 : i32
      %sign3A_32 = arith.cmpi sgt, %scan3A_29, %sign3A : i32
      %sign3A_33 = arith.extui %sign3A_32 : i1 to i32
      %sign3A_34 = arith.constant 0 : i32
      %sign3A_35 = arith.cmpi slt, %scan3A_29, %sign3A_34 : i32
      %sign3A_36 = arith.extui %sign3A_35 : i1 to i32
      %sign3A_37 = arith.subi %sign3A_33, %sign3A_36 : i32
      %sign3A_38 = arith.constant 0 : i32
      %sign3A_39 = arith.cmpi sgt, %jit3A, %sign3A_38 : i32
      %sign3A_40 = arith.extui %sign3A_39 : i1 to i32
      %sign3A_41 = arith.constant 0 : i32
      %sign3A_42 = arith.cmpi slt, %jit3A, %sign3A_41 : i32
      %sign3A_43 = arith.extui %sign3A_42 : i1 to i32
      %sign3A_44 = arith.subi %sign3A_40, %sign3A_43 : i32
      %ne3A = arith.cmpi ne, %sign3A_37, %sign3A_44 : i32
      %rem3A = arith.remsi %scan3A_29, %jit3A : i32
      %ne3A_45 = arith.constant 0 : i32
      %ne3A_46 = arith.cmpi ne, %rem3A, %ne3A_45 : i32
      %and3A = arith.andi %ne3A, %ne3A_46 : i1
      %sub3A = arith.constant 1 : i32
      %sub3A_47 = arith.subi %div3A, %sub3A : i32
      %select_n3A = arith.select %and3A, %sub3A_47, %div3A : i32
      %jit3A_48 = arith.constant 8 : i32
      %eq3A = arith.constant 0 : i32
      %eq3A_49 = arith.cmpi eq, %jit3A_48, %eq3A : i32
      %jit3A_50 = arith.constant 1 : i32
      %select_n3A_51 = arith.select %eq3A_49, %jit3A_50, %jit3A_48 : i32
      %rem3A_52 = arith.remsi %scan3A_29, %select_n3A_51 : i32
      %ne3A_53 = arith.constant 0 : i32
      %ne3A_54 = arith.cmpi ne, %rem3A_52, %ne3A_53 : i32
      %lt3A = arith.constant 0 : i32
      %lt3A_55 = arith.cmpi slt, %rem3A_52, %lt3A : i32
      %lt3A_56 = arith.constant 0 : i32
      %lt3A_57 = arith.cmpi slt, %select_n3A_51, %lt3A_56 : i32
      %ne3A_58 = arith.xori %lt3A_55, %lt3A_57 : i1
      %and3A_59 = arith.andi %ne3A_58, %ne3A_54 : i1
      %add3A_60 = arith.addi %rem3A_52, %select_n3A_51 : i32
      %select_n3A_61 = arith.select %and3A_59, %add3A_60, %rem3A_52 : i32
      %mul3A_62 = arith.constant 16 : i32
      %mul3A_63 = arith.muli %select_n3A_61, %mul3A_62 : i32
      %swap3A = arith.index_cast %select_n3A : i32 to index
      %swap3A_64 = arith.index_cast %mul3A_63 : i32 to index
      %swap3A_65 = tpu.vector_load %arg8[%swap3A, %swap3A_64] {strides = array<i32>} : memref<80x128xf32, #tpu.memory_space<vmem>>, vector<1x16xf32>,
      %swap3A_66 = vector.shape_cast %swap3A_65 : vector<1x16xf32> to vector<16xf32>
      %swap3A_67 = vector.shape_cast %broadcast_in_dim3A_31 : vector<16xf32> to vector<1x16xf32>
      tpu.vector_store %arg8[%swap3A, %swap3A_64], %swap3A_67 {strides = array<i32>} : memref<80x128xf32, #tpu.memory_space<vmem>>, vector<1x16xf32>,
      %scan3A_68 = arith.constant 0 : i32
      scf.yield %scan3A_68 : i32
    }
    %scan3A_6 = arith.constant 640 : i32
    %scan3A_7 = arith.constant 0 : i32
    %scan3A_8 = arith.constant 0 : i32
    %scan3A_9 = arith.constant 8 : i32
    %scan3A_10 = arith.addi %scan3A_8, %scan3A_9 : i32
    %scan3A_11 = arith.constant 1 : i32
    %scan3A_12 = scf.for %scan3A_29 = %scan3A_8 to %scan3A_10 step %scan3A_11 iter_args(%scan3A_30 = %scan3A_7) -> (i32)  : i32 {
      %mul3A_31 = arith.constant 16 : i32
      %mul3A_32 = arith.muli %scan3A_29, %mul3A_31 : i32
      %add3A_33 = arith.addi %arg1, %mul3A_32 : i32
      %lt3A = arith.constant 125 : i32
      %lt3A_34 = arith.cmpi slt, %add3A_33, %lt3A : i32
      %convert_element_type3A = arith.extui %lt3A_34 : i1 to i32
      %cond3A = arith.constant 0 : i32
      %cond3A_35 = arith.cmpi ne, %convert_element_type3A, %cond3A : i32
      scf.if %cond3A_35 {
        %mul3A_37 = arith.constant 80 : i32
        %mul3A_38 = arith.muli %add3A_33, %mul3A_37 : i32
        "tpu.region"() ({
          %run_scoped3A = tpu.sem_alloc : memref<!tpu.dma_semaphore, #tpu.memory_space<semaphore_mem>>
          %dma_start3A = arith.constant 0 : i32
          %dma_start3A_39 = tpu.memref_slice %arg10[%mul3A_38, %dma_start3A] : memref<10000x128xf32, #tpu.memory_space<vmem_shared>> -> memref<80x128xf32, #tpu.memory_space<vmem_shared>>
          %dma_start3A_40 = arith.constant 0 : i32
          %dma_start3A_41 = tpu.memref_slice %arg10[%mul3A_38, %dma_start3A_40] : memref<10000x128xf32, #tpu.memory_space<vmem_shared>> -> memref<80x128xf32, #tpu.memory_space<vmem_shared>>
          tpu.enqueue_dma source(%arg8 : memref<80x128xf32, #tpu.memory_space<vmem>>) target(%dma_start3A_41 : memref<80x128xf32, #tpu.memory_space<vmem_shared>>) target_semaphore(%run_scoped3A : memref<!tpu.dma_semaphore, #tpu.memory_space<semaphore_mem>>)
          %dma_wait3A = arith.constant 0 : i32
          %dma_wait3A_42 = tpu.memref_slice %arg10[%mul3A_38, %dma_wait3A] : memref<10000x128xf32, #tpu.memory_space<vmem_shared>> -> memref<80x128xf32, #tpu.memory_space<vmem_shared>>
          %dma_wait3A_43 = arith.constant 0 : i32
          %dma_wait3A_44 = tpu.memref_slice %arg10[%mul3A_38, %dma_wait3A_43] : memref<10000x128xf32, #tpu.memory_space<vmem_shared>> -> memref<80x128xf32, #tpu.memory_space<vmem_shared>>
          tpu.wait_dma2 semaphore(%run_scoped3A : memref<!tpu.dma_semaphore, #tpu.memory_space<semaphore_mem>>) src(%arg8 : memref<80x128xf32, #tpu.memory_space<vmem>>) dst(%dma_wait3A_44 : memref<80x128xf32, #tpu.memory_space<vmem_shared>>)
          tpu.yield
        }) : () -> ()
      } else {
      }
      %scan3A_36 = arith.constant 0 : i32
      scf.yield %scan3A_36 : i32
    }
    %scan3A_13 = arith.constant 8 : i32
    %barrier3A = arith.constant 0 : index
    tpu.barrier barrier_id(%barrier3A)
    %scan3A_14 = arith.constant 0 : i32
    %scan3A_15 = arith.constant 0 : i32
    %scan3A_16 = arith.constant 5 : i32
    %scan3A_17 = arith.addi %scan3A_15, %scan3A_16 : i32
    %scan3A_18 = arith.constant 1 : i32
    %scan3A_19 = scf.for %scan3A_29 = %scan3A_15 to %scan3A_17 step %scan3A_18 iter_args(%scan3A_30 = %scan3A_14) -> (i32)  : i32 {
      "tpu.region"() ({
        %run_scoped3A = tpu.sem_alloc : memref<!tpu.dma_semaphore, #tpu.memory_space<semaphore_mem>>
        %dma_start3A_45 = arith.constant 0 : i32
        %dma_start3A_46 = arith.constant 0 : i32
        %dma_start3A_47 = tpu.memref_slice %arg3[%add3A, %scan3A_29, %dma_start3A_45, %dma_start3A_46] : memref<32x5x25x80xi32, #tpu.memory_space<hbm>> -> memref<1x1x25x80xi32, #tpu.memory_space<hbm>>
        %dma_start3A_48 = tpu.memref_squeeze %dma_start3A_47 : memref<1x1x25x80xi32, #tpu.memory_space<hbm>> -> memref<25x80xi32, #tpu.memory_space<hbm>>
        %dma_start3A_49 = arith.constant 0 : i32
        %dma_start3A_50 = arith.constant 0 : i32
        %dma_start3A_51 = tpu.memref_slice %arg3[%add3A, %scan3A_29, %dma_start3A_49, %dma_start3A_50] : memref<32x5x25x80xi32, #tpu.memory_space<hbm>> -> memref<1x1x25x80xi32, #tpu.memory_space<hbm>>
        %dma_start3A_52 = tpu.memref_squeeze %dma_start3A_51 : memref<1x1x25x80xi32, #tpu.memory_space<hbm>> -> memref<25x80xi32, #tpu.memory_space<hbm>>
        tpu.enqueue_dma source(%dma_start3A_52 : memref<25x80xi32, #tpu.memory_space<hbm>>) target(%arg6 : memref<25x80xi32, #tpu.memory_space<vmem>>) target_semaphore(%run_scoped3A : memref<!tpu.dma_semaphore, #tpu.memory_space<semaphore_mem>>)
        %dma_wait3A = arith.constant 0 : i32
        %dma_wait3A_53 = arith.constant 0 : i32
        %dma_wait3A_54 = tpu.memref_slice %arg3[%add3A, %scan3A_29, %dma_wait3A, %dma_wait3A_53] : memref<32x5x25x80xi32, #tpu.memory_space<hbm>> -> memref<1x1x25x80xi32, #tpu.memory_space<hbm>>
        %dma_wait3A_55 = tpu.memref_squeeze %dma_wait3A_54 : memref<1x1x25x80xi32, #tpu.memory_space<hbm>> -> memref<25x80xi32, #tpu.memory_space<hbm>>
        %dma_wait3A_56 = arith.constant 0 : i32
        %dma_wait3A_57 = arith.constant 0 : i32
        %dma_wait3A_58 = tpu.memref_slice %arg3[%add3A, %scan3A_29, %dma_wait3A_56, %dma_wait3A_57] : memref<32x5x25x80xi32, #tpu.memory_space<hbm>> -> memref<1x1x25x80xi32, #tpu.memory_space<hbm>>
        %dma_wait3A_59 = tpu.memref_squeeze %dma_wait3A_58 : memref<1x1x25x80xi32, #tpu.memory_space<hbm>> -> memref<25x80xi32, #tpu.memory_space<hbm>>
        tpu.wait_dma2 semaphore(%run_scoped3A : memref<!tpu.dma_semaphore, #tpu.memory_space<semaphore_mem>>) src(%dma_wait3A_59 : memref<25x80xi32, #tpu.memory_space<hbm>>) dst(%arg6 : memref<25x80xi32, #tpu.memory_space<vmem>>)
        tpu.yield
      }) : () -> ()
      "tpu.region"() ({
        %run_scoped3A = tpu.sem_alloc : memref<!tpu.dma_semaphore, #tpu.memory_space<semaphore_mem>>
        %dma_start3A_45 = arith.constant 0 : i32
        %dma_start3A_46 = arith.constant 0 : i32
        %dma_start3A_47 = tpu.memref_slice %arg4[%add3A, %scan3A_29, %dma_start3A_45, %dma_start3A_46] : memref<32x5x25x80xi32, #tpu.memory_space<hbm>> -> memref<1x1x25x80xi32, #tpu.memory_space<hbm>>
        %dma_start3A_48 = tpu.memref_squeeze %dma_start3A_47 : memref<1x1x25x80xi32, #tpu.memory_space<hbm>> -> memref<25x80xi32, #tpu.memory_space<hbm>>
        %dma_start3A_49 = arith.constant 0 : i32
        %dma_start3A_50 = arith.constant 0 : i32
        %dma_start3A_51 = tpu.memref_slice %arg4[%add3A, %scan3A_29, %dma_start3A_49, %dma_start3A_50] : memref<32x5x25x80xi32, #tpu.memory_space<hbm>> -> memref<1x1x25x80xi32, #tpu.memory_space<hbm>>
        %dma_start3A_52 = tpu.memref_squeeze %dma_start3A_51 : memref<1x1x25x80xi32, #tpu.memory_space<hbm>> -> memref<25x80xi32, #tpu.memory_space<hbm>>
        tpu.enqueue_dma source(%dma_start3A_52 : memref<25x80xi32, #tpu.memory_space<hbm>>) target(%arg7 : memref<25x80xi32, #tpu.memory_space<vmem>>) target_semaphore(%run_scoped3A : memref<!tpu.dma_semaphore, #tpu.memory_space<semaphore_mem>>)
        %dma_wait3A = arith.constant 0 : i32
        %dma_wait3A_53 = arith.constant 0 : i32
        %dma_wait3A_54 = tpu.memref_slice %arg4[%add3A, %scan3A_29, %dma_wait3A, %dma_wait3A_53] : memref<32x5x25x80xi32, #tpu.memory_space<hbm>> -> memref<1x1x25x80xi32, #tpu.memory_space<hbm>>
        %dma_wait3A_55 = tpu.memref_squeeze %dma_wait3A_54 : memref<1x1x25x80xi32, #tpu.memory_space<hbm>> -> memref<25x80xi32, #tpu.memory_space<hbm>>
        %dma_wait3A_56 = arith.constant 0 : i32
        %dma_wait3A_57 = arith.constant 0 : i32
        %dma_wait3A_58 = tpu.memref_slice %arg4[%add3A, %scan3A_29, %dma_wait3A_56, %dma_wait3A_57] : memref<32x5x25x80xi32, #tpu.memory_space<hbm>> -> memref<1x1x25x80xi32, #tpu.memory_space<hbm>>
        %dma_wait3A_59 = tpu.memref_squeeze %dma_wait3A_58 : memref<1x1x25x80xi32, #tpu.memory_space<hbm>> -> memref<25x80xi32, #tpu.memory_space<hbm>>
        tpu.wait_dma2 semaphore(%run_scoped3A : memref<!tpu.dma_semaphore, #tpu.memory_space<semaphore_mem>>) src(%dma_wait3A_59 : memref<25x80xi32, #tpu.memory_space<hbm>>) dst(%arg7 : memref<25x80xi32, #tpu.memory_space<vmem>>)
        tpu.yield
      }) : () -> ()
      %dma_start3A = arith.constant 0 : i32
      %dma_start3A_31 = arith.constant 0 : i32
      %dma_start3A_32 = tpu.memref_slice %arg6[%dma_start3A, %dma_start3A_31] : memref<25x80xi32, #tpu.memory_space<vmem>> -> memref<1x80xi32, #tpu.memory_space<vmem>>
      %dma_start3A_33 = tpu.memref_squeeze %dma_start3A_32 : memref<1x80xi32, #tpu.memory_space<vmem>> -> memref<80xi32, #tpu.memory_space<vmem>>
      %dma_start3A_34 = arith.constant 0 : i32
      %dma_start3A_35 = arith.constant 0 : i32
      %dma_start3A_36 = tpu.memref_slice %arg2[%dma_start3A_34, %dma_start3A_35] : memref<10000x128xf32, #tpu.memory_space<hbm>> -> memref<10000x128xf32, #tpu.memory_space<hbm>>
      tpu.enqueue_indirect_dma source(%dma_start3A_36 : memref<10000x128xf32, #tpu.memory_space<hbm>>) target(%arg8 : memref<80x128xf32, #tpu.memory_space<vmem>>) offsets(%dma_start3A_33 : memref<80xi32, #tpu.memory_space<vmem>>) semaphore(%arg11 : memref<!tpu.dma_semaphore, #tpu.memory_space<semaphore_mem>>)
      %scan3A_37 = arith.constant 0 : i32
      %scan3A_38 = arith.constant 0 : i32
      %scan3A_39 = arith.constant 25 : i32
      %scan3A_40 = arith.addi %scan3A_38, %scan3A_39 : i32
      %scan3A_41 = arith.constant 1 : i32
      %scan3A_42 = scf.for %scan3A_45 = %scan3A_38 to %scan3A_40 step %scan3A_41 iter_args(%scan3A_46 = %scan3A_37) -> (i32)  : i32 {
        %jit3A = arith.constant 2 : i32
        %eq3A = arith.constant 0 : i32
        %eq3A_47 = arith.cmpi eq, %jit3A, %eq3A : i32
        %jit3A_48 = arith.constant 1 : i32
        %select_n3A = arith.select %eq3A_47, %jit3A_48, %jit3A : i32
        %rem3A = arith.remsi %scan3A_45, %select_n3A : i32
        %ne3A = arith.constant 0 : i32
        %ne3A_49 = arith.cmpi ne, %rem3A, %ne3A : i32
        %lt3A = arith.constant 0 : i32
        %lt3A_50 = arith.cmpi slt, %rem3A, %lt3A : i32
        %lt3A_51 = arith.constant 0 : i32
        %lt3A_52 = arith.cmpi slt, %select_n3A, %lt3A_51 : i32
        %ne3A_53 = arith.xori %lt3A_50, %lt3A_52 : i1
        %and3A = arith.andi %ne3A_53, %ne3A_49 : i1
        %add3A_54 = arith.addi %rem3A, %select_n3A : i32
        %select_n3A_55 = arith.select %and3A, %add3A_54, %rem3A : i32
        %eq3A_56 = arith.constant 0 : i32
        %eq3A_57 = arith.cmpi eq, %select_n3A_55, %eq3A_56 : i32
        %convert_element_type3A = arith.extui %eq3A_57 : i1 to i32
        %cond3A = arith.constant 0 : i32
        %cond3A_58 = arith.cmpi ne, %convert_element_type3A, %cond3A : i32
        scf.if %cond3A_58 {
          %dma_wait3A = arith.constant 0 : i32
          %dma_wait3A_81 = tpu.memref_slice %arg6[%scan3A_45, %dma_wait3A] : memref<25x80xi32, #tpu.memory_space<vmem>> -> memref<1x80xi32, #tpu.memory_space<vmem>>
          %dma_wait3A_82 = tpu.memref_squeeze %dma_wait3A_81 : memref<1x80xi32, #tpu.memory_space<vmem>> -> memref<80xi32, #tpu.memory_space<vmem>>
          %dma_wait3A_83 = arith.constant 0 : i32
          %dma_wait3A_84 = arith.constant 0 : i32
          %dma_wait3A_85 = tpu.memref_slice %arg2[%dma_wait3A_83, %dma_wait3A_84] : memref<10000x128xf32, #tpu.memory_space<hbm>> -> memref<10000x128xf32, #tpu.memory_space<hbm>>
          tpu.wait_indirect_dma semaphore(%arg11 : memref<!tpu.dma_semaphore, #tpu.memory_space<semaphore_mem>>) src(%dma_wait3A_85 : memref<10000x128xf32, #tpu.memory_space<hbm>>) dst(%arg8 : memref<80x128xf32, #tpu.memory_space<vmem>>)
          %add3A_86 = arith.constant 1 : i32
          %add3A_87 = arith.addi %scan3A_45, %add3A_86 : i32
          %lt3A_88 = arith.constant 25 : i32
          %lt3A_89 = arith.cmpi slt, %add3A_87, %lt3A_88 : i32
          %convert_element_type3A_90 = arith.extui %lt3A_89 : i1 to i32
          %cond3A_91 = arith.constant 0 : i32
          %cond3A_92 = arith.cmpi ne, %convert_element_type3A_90, %cond3A_91 : i32
          scf.if %cond3A_92 {
            %add3A_93 = arith.constant 1 : i32
            %add3A_94 = arith.addi %scan3A_45, %add3A_93 : i32
            %dma_start3A_95 = arith.constant 0 : i32
            %dma_start3A_96 = tpu.memref_slice %arg6[%add3A_94, %dma_start3A_95] : memref<25x80xi32, #tpu.memory_space<vmem>> -> memref<1x80xi32, #tpu.memory_space<vmem>>
            %dma_start3A_97 = tpu.memref_squeeze %dma_start3A_96 : memref<1x80xi32, #tpu.memory_space<vmem>> -> memref<80xi32, #tpu.memory_space<vmem>>
            %dma_start3A_98 = arith.constant 0 : i32
            %dma_start3A_99 = arith.constant 0 : i32
            %dma_start3A_100 = tpu.memref_slice %arg2[%dma_start3A_98, %dma_start3A_99] : memref<10000x128xf32, #tpu.memory_space<hbm>> -> memref<10000x128xf32, #tpu.memory_space<hbm>>
            tpu.enqueue_indirect_dma source(%dma_start3A_100 : memref<10000x128xf32, #tpu.memory_space<hbm>>) target(%arg9 : memref<80x128xf32, #tpu.memory_space<vmem>>) offsets(%dma_start3A_97 : memref<80xi32, #tpu.memory_space<vmem>>) semaphore(%arg12 : memref<!tpu.dma_semaphore, #tpu.memory_space<semaphore_mem>>)
          } else {
          }
          "tpu.region"() ({
            %run_scoped3A = tpu.sem_alloc : memref<!tpu.dma_semaphore, #tpu.memory_space<semaphore_mem>>
            %dma_start3A_93 = arith.constant 0 : i32
            %dma_start3A_94 = tpu.memref_slice %arg7[%scan3A_45, %dma_start3A_93] : memref<25x80xi32, #tpu.memory_space<vmem>> -> memref<1x80xi32, #tpu.memory_space<vmem>>
            %dma_start3A_95 = tpu.memref_squeeze %dma_start3A_94 : memref<1x80xi32, #tpu.memory_space<vmem>> -> memref<80xi32, #tpu.memory_space<vmem>>
            %dma_start3A_96 = arith.constant 0 : i32
            %dma_start3A_97 = arith.constant 0 : i32
            %dma_start3A_98 = tpu.memref_slice %arg10[%dma_start3A_96, %dma_start3A_97] : memref<10000x128xf32, #tpu.memory_space<vmem_shared>> -> memref<10000x128xf32, #tpu.memory_space<vmem_shared>>
            tpu.enqueue_indirect_dma source(%arg8 : memref<80x128xf32, #tpu.memory_space<vmem>>) target(%dma_start3A_98 : memref<10000x128xf32, #tpu.memory_space<vmem_shared>>) offsets(%dma_start3A_95 : memref<80xi32, #tpu.memory_space<vmem>>) semaphore(%run_scoped3A : memref<!tpu.dma_semaphore, #tpu.memory_space<semaphore_mem>>) {add = true}
            %dma_wait3A_99 = arith.constant 0 : i32
            %dma_wait3A_100 = tpu.memref_slice %arg7[%scan3A_45, %dma_wait3A_99] : memref<25x80xi32, #tpu.memory_space<vmem>> -> memref<1x80xi32, #tpu.memory_space<vmem>>
            %dma_wait3A_101 = tpu.memref_squeeze %dma_wait3A_100 : memref<1x80xi32, #tpu.memory_space<vmem>> -> memref<80xi32, #tpu.memory_space<vmem>>
            %dma_wait3A_102 = arith.constant 0 : i32
            %dma_wait3A_103 = arith.constant 0 : i32
            %dma_wait3A_104 = tpu.memref_slice %arg10[%dma_wait3A_102, %dma_wait3A_103] : memref<10000x128xf32, #tpu.memory_space<vmem_shared>> -> memref<10000x128xf32, #tpu.memory_space<vmem_shared>>
            tpu.wait_indirect_dma semaphore(%run_scoped3A : memref<!tpu.dma_semaphore, #tpu.memory_space<semaphore_mem>>) src(%arg8 : memref<80x128xf32, #tpu.memory_space<vmem>>) dst(%dma_wait3A_104 : memref<10000x128xf32, #tpu.memory_space<vmem_shared>>)
            tpu.yield
          }) : () -> ()
        } else {
        }
        %jit3A_59 = arith.constant 2 : i32
        %eq3A_60 = arith.constant 0 : i32
        %eq3A_61 = arith.cmpi eq, %jit3A_59, %eq3A_60 : i32
        %jit3A_62 = arith.constant 1 : i32
        %select_n3A_63 = arith.select %eq3A_61, %jit3A_62, %jit3A_59 : i32
        %rem3A_64 = arith.remsi %scan3A_45, %select_n3A_63 : i32
        %ne3A_65 = arith.constant 0 : i32
        %ne3A_66 = arith.cmpi ne, %rem3A_64, %ne3A_65 : i32
        %lt3A_67 = arith.constant 0 : i32
        %lt3A_68 = arith.cmpi slt, %rem3A_64, %lt3A_67 : i32
        %lt3A_69 = arith.constant 0 : i32
        %lt3A_70 = arith.cmpi slt, %select_n3A_63, %lt3A_69 : i32
        %ne3A_71 = arith.xori %lt3A_68, %lt3A_70 : i1
        %and3A_72 = arith.andi %ne3A_71, %ne3A_66 : i1
        %add3A_73 = arith.addi %rem3A_64, %select_n3A_63 : i32
        %select_n3A_74 = arith.select %and3A_72, %add3A_73, %rem3A_64 : i32
        %eq3A_75 = arith.constant 1 : i32
        %eq3A_76 = arith.cmpi eq, %select_n3A_74, %eq3A_75 : i32
        %convert_element_type3A_77 = arith.extui %eq3A_76 : i1 to i32
        %cond3A_78 = arith.constant 0 : i32
        %cond3A_79 = arith.cmpi ne, %convert_element_type3A_77, %cond3A_78 : i32
        scf.if %cond3A_79 {
          %dma_wait3A = arith.constant 0 : i32
          %dma_wait3A_81 = tpu.memref_slice %arg6[%scan3A_45, %dma_wait3A] : memref<25x80xi32, #tpu.memory_space<vmem>> -> memref<1x80xi32, #tpu.memory_space<vmem>>
          %dma_wait3A_82 = tpu.memref_squeeze %dma_wait3A_81 : memref<1x80xi32, #tpu.memory_space<vmem>> -> memref<80xi32, #tpu.memory_space<vmem>>
          %dma_wait3A_83 = arith.constant 0 : i32
          %dma_wait3A_84 = arith.constant 0 : i32
          %dma_wait3A_85 = tpu.memref_slice %arg2[%dma_wait3A_83, %dma_wait3A_84] : memref<10000x128xf32, #tpu.memory_space<hbm>> -> memref<10000x128xf32, #tpu.memory_space<hbm>>
          tpu.wait_indirect_dma semaphore(%arg12 : memref<!tpu.dma_semaphore, #tpu.memory_space<semaphore_mem>>) src(%dma_wait3A_85 : memref<10000x128xf32, #tpu.memory_space<hbm>>) dst(%arg9 : memref<80x128xf32, #tpu.memory_space<vmem>>)
          %add3A_86 = arith.constant 1 : i32
          %add3A_87 = arith.addi %scan3A_45, %add3A_86 : i32
          %lt3A_88 = arith.constant 25 : i32
          %lt3A_89 = arith.cmpi slt, %add3A_87, %lt3A_88 : i32
          %convert_element_type3A_90 = arith.extui %lt3A_89 : i1 to i32
          %cond3A_91 = arith.constant 0 : i32
          %cond3A_92 = arith.cmpi ne, %convert_element_type3A_90, %cond3A_91 : i32
          scf.if %cond3A_92 {
            %add3A_93 = arith.constant 1 : i32
            %add3A_94 = arith.addi %scan3A_45, %add3A_93 : i32
            %dma_start3A_95 = arith.constant 0 : i32
            %dma_start3A_96 = tpu.memref_slice %arg6[%add3A_94, %dma_start3A_95] : memref<25x80xi32, #tpu.memory_space<vmem>> -> memref<1x80xi32, #tpu.memory_space<vmem>>
            %dma_start3A_97 = tpu.memref_squeeze %dma_start3A_96 : memref<1x80xi32, #tpu.memory_space<vmem>> -> memref<80xi32, #tpu.memory_space<vmem>>
            %dma_start3A_98 = arith.constant 0 : i32
            %dma_start3A_99 = arith.constant 0 : i32
            %dma_start3A_100 = tpu.memref_slice %arg2[%dma_start3A_98, %dma_start3A_99] : memref<10000x128xf32, #tpu.memory_space<hbm>> -> memref<10000x128xf32, #tpu.memory_space<hbm>>
            tpu.enqueue_indirect_dma source(%dma_start3A_100 : memref<10000x128xf32, #tpu.memory_space<hbm>>) target(%arg8 : memref<80x128xf32, #tpu.memory_space<vmem>>) offsets(%dma_start3A_97 : memref<80xi32, #tpu.memory_space<vmem>>) semaphore(%arg11 : memref<!tpu.dma_semaphore, #tpu.memory_space<semaphore_mem>>)
          } else {
          }
          "tpu.region"() ({
            %run_scoped3A = tpu.sem_alloc : memref<!tpu.dma_semaphore, #tpu.memory_space<semaphore_mem>>
            %dma_start3A_93 = arith.constant 0 : i32
            %dma_start3A_94 = tpu.memref_slice %arg7[%scan3A_45, %dma_start3A_93] : memref<25x80xi32, #tpu.memory_space<vmem>> -> memref<1x80xi32, #tpu.memory_space<vmem>>
            %dma_start3A_95 = tpu.memref_squeeze %dma_start3A_94 : memref<1x80xi32, #tpu.memory_space<vmem>> -> memref<80xi32, #tpu.memory_space<vmem>>
            %dma_start3A_96 = arith.constant 0 : i32
            %dma_start3A_97 = arith.constant 0 : i32
            %dma_start3A_98 = tpu.memref_slice %arg10[%dma_start3A_96, %dma_start3A_97] : memref<10000x128xf32, #tpu.memory_space<vmem_shared>> -> memref<10000x128xf32, #tpu.memory_space<vmem_shared>>
            tpu.enqueue_indirect_dma source(%arg9 : memref<80x128xf32, #tpu.memory_space<vmem>>) target(%dma_start3A_98 : memref<10000x128xf32, #tpu.memory_space<vmem_shared>>) offsets(%dma_start3A_95 : memref<80xi32, #tpu.memory_space<vmem>>) semaphore(%run_scoped3A : memref<!tpu.dma_semaphore, #tpu.memory_space<semaphore_mem>>) {add = true}
            %dma_wait3A_99 = arith.constant 0 : i32
            %dma_wait3A_100 = tpu.memref_slice %arg7[%scan3A_45, %dma_wait3A_99] : memref<25x80xi32, #tpu.memory_space<vmem>> -> memref<1x80xi32, #tpu.memory_space<vmem>>
            %dma_wait3A_101 = tpu.memref_squeeze %dma_wait3A_100 : memref<1x80xi32, #tpu.memory_space<vmem>> -> memref<80xi32, #tpu.memory_space<vmem>>
            %dma_wait3A_102 = arith.constant 0 : i32
            %dma_wait3A_103 = arith.constant 0 : i32
            %dma_wait3A_104 = tpu.memref_slice %arg10[%dma_wait3A_102, %dma_wait3A_103] : memref<10000x128xf32, #tpu.memory_space<vmem_shared>> -> memref<10000x128xf32, #tpu.memory_space<vmem_shared>>
            tpu.wait_indirect_dma semaphore(%run_scoped3A : memref<!tpu.dma_semaphore, #tpu.memory_space<semaphore_mem>>) src(%arg9 : memref<80x128xf32, #tpu.memory_space<vmem>>) dst(%dma_wait3A_104 : memref<10000x128xf32, #tpu.memory_space<vmem_shared>>)
            tpu.yield
          }) : () -> ()
        } else {
        }
        %scan3A_80 = arith.constant 0 : i32
        scf.yield %scan3A_80 : i32
      }
      %scan3A_43 = arith.constant 25 : i32
      %scan3A_44 = arith.constant 0 : i32
      scf.yield %scan3A_44 : i32
    }
    %scan3A_20 = arith.constant 5 : i32
    %barrier3A_21 = arith.constant 0 : index
    tpu.barrier barrier_id(%barrier3A_21)
    %scan3A_22 = arith.constant 0 : i32
    %scan3A_23 = arith.constant 0 : i32
    %scan3A_24 = arith.constant 8 : i32
    %scan3A_25 = arith.addi %scan3A_23, %scan3A_24 : i32
    %scan3A_26 = arith.constant 1 : i32
    %scan3A_27 = scf.for %scan3A_29 = %scan3A_23 to %scan3A_25 step %scan3A_26 iter_args(%scan3A_30 = %scan3A_22) -> (i32)  : i32 {
      %mul3A_31 = arith.constant 16 : i32
      %mul3A_32 = arith.muli %scan3A_29, %mul3A_31 : i32
      %add3A_33 = arith.addi %arg1, %mul3A_32 : i32
      %lt3A = arith.constant 125 : i32
      %lt3A_34 = arith.cmpi slt, %add3A_33, %lt3A : i32
      %convert_element_type3A = arith.extui %lt3A_34 : i1 to i32
      %cond3A = arith.constant 0 : i32
      %cond3A_35 = arith.cmpi ne, %convert_element_type3A, %cond3A : i32
      scf.if %cond3A_35 {
        %mul3A_37 = arith.constant 80 : i32
        %mul3A_38 = arith.muli %add3A_33, %mul3A_37 : i32
        "tpu.region"() ({
          %run_scoped3A = tpu.sem_alloc : memref<!tpu.dma_semaphore, #tpu.memory_space<semaphore_mem>>
          %dma_start3A = arith.constant 0 : i32
          %dma_start3A_39 = tpu.memref_slice %arg10[%mul3A_38, %dma_start3A] : memref<10000x128xf32, #tpu.memory_space<vmem_shared>> -> memref<80x128xf32, #tpu.memory_space<vmem_shared>>
          %dma_start3A_40 = arith.constant 0 : i32
          %dma_start3A_41 = tpu.memref_slice %arg10[%mul3A_38, %dma_start3A_40] : memref<10000x128xf32, #tpu.memory_space<vmem_shared>> -> memref<80x128xf32, #tpu.memory_space<vmem_shared>>
          tpu.enqueue_dma source(%dma_start3A_41 : memref<80x128xf32, #tpu.memory_space<vmem_shared>>) target(%arg8 : memref<80x128xf32, #tpu.memory_space<vmem>>) target_semaphore(%run_scoped3A : memref<!tpu.dma_semaphore, #tpu.memory_space<semaphore_mem>>)
          %dma_wait3A = arith.constant 0 : i32
          %dma_wait3A_42 = tpu.memref_slice %arg10[%mul3A_38, %dma_wait3A] : memref<10000x128xf32, #tpu.memory_space<vmem_shared>> -> memref<80x128xf32, #tpu.memory_space<vmem_shared>>
          %dma_wait3A_43 = arith.constant 0 : i32
          %dma_wait3A_44 = tpu.memref_slice %arg10[%mul3A_38, %dma_wait3A_43] : memref<10000x128xf32, #tpu.memory_space<vmem_shared>> -> memref<80x128xf32, #tpu.memory_space<vmem_shared>>
          tpu.wait_dma2 semaphore(%run_scoped3A : memref<!tpu.dma_semaphore, #tpu.memory_space<semaphore_mem>>) src(%dma_wait3A_44 : memref<80x128xf32, #tpu.memory_space<vmem_shared>>) dst(%arg8 : memref<80x128xf32, #tpu.memory_space<vmem>>)
          tpu.yield
        }) : () -> ()
        "tpu.region"() ({
          %run_scoped3A = tpu.sem_alloc : memref<!tpu.dma_semaphore, #tpu.memory_space<semaphore_mem>>
          %dma_start3A = arith.constant 0 : i32
          %dma_start3A_39 = tpu.memref_slice %arg5[%arg0, %mul3A_38, %dma_start3A] : memref<2x10000x128xf32, #tpu.memory_space<hbm>> -> memref<1x80x128xf32, #tpu.memory_space<hbm>>
          %dma_start3A_40 = tpu.memref_squeeze %dma_start3A_39 : memref<1x80x128xf32, #tpu.memory_space<hbm>> -> memref<80x128xf32, #tpu.memory_space<hbm>>
          %dma_start3A_41 = arith.constant 0 : i32
          %dma_start3A_42 = tpu.memref_slice %arg5[%arg0, %mul3A_38, %dma_start3A_41] : memref<2x10000x128xf32, #tpu.memory_space<hbm>> -> memref<1x80x128xf32, #tpu.memory_space<hbm>>
          %dma_start3A_43 = tpu.memref_squeeze %dma_start3A_42 : memref<1x80x128xf32, #tpu.memory_space<hbm>> -> memref<80x128xf32, #tpu.memory_space<hbm>>
          tpu.enqueue_dma source(%arg8 : memref<80x128xf32, #tpu.memory_space<vmem>>) target(%dma_start3A_43 : memref<80x128xf32, #tpu.memory_space<hbm>>) target_semaphore(%run_scoped3A : memref<!tpu.dma_semaphore, #tpu.memory_space<semaphore_mem>>)
          %dma_wait3A = arith.constant 0 : i32
          %dma_wait3A_44 = tpu.memref_slice %arg5[%arg0, %mul3A_38, %dma_wait3A] : memref<2x10000x128xf32, #tpu.memory_space<hbm>> -> memref<1x80x128xf32, #tpu.memory_space<hbm>>
          %dma_wait3A_45 = tpu.memref_squeeze %dma_wait3A_44 : memref<1x80x128xf32, #tpu.memory_space<hbm>> -> memref<80x128xf32, #tpu.memory_space<hbm>>
          %dma_wait3A_46 = arith.constant 0 : i32
          %dma_wait3A_47 = tpu.memref_slice %arg5[%arg0, %mul3A_38, %dma_wait3A_46] : memref<2x10000x128xf32, #tpu.memory_space<hbm>> -> memref<1x80x128xf32, #tpu.memory_space<hbm>>
          %dma_wait3A_48 = tpu.memref_squeeze %dma_wait3A_47 : memref<1x80x128xf32, #tpu.memory_space<hbm>> -> memref<80x128xf32, #tpu.memory_space<hbm>>
          tpu.wait_dma2 semaphore(%run_scoped3A : memref<!tpu.dma_semaphore, #tpu.memory_space<semaphore_mem>>) src(%arg8 : memref<80x128xf32, #tpu.memory_space<vmem>>) dst(%dma_wait3A_48 : memref<80x128xf32, #tpu.memory_space<hbm>>)
          tpu.yield
        }) : () -> ()
      } else {
      }
      %scan3A_36 = arith.constant 0 : i32
      scf.yield %scan3A_36 : i32
    }
    %scan3A_28 = arith.constant 8 : i32
    return
  }
}

#map = affine_map<(d0, d1) -> (0, 0)>
#map1 = affine_map<(d0, d1) -> (0, 0, 0, 0)>
#map2 = affine_map<(d0, d1) -> (0, 0, 0)>
module attributes {stable_mosaic.version = 14 : i64} {
  func.func @k(%arg0: i32, %arg1: i32, %arg2: memref<10000x128xf32, #tpu.memory_space<hbm>>, %arg3: memref<32x5x25x80xi32, #tpu.memory_space<hbm>>, %arg4: memref<32x5x25x80xi32, #tpu.memory_space<hbm>>, %arg5: memref<2x10000x128xf32, #tpu.memory_space<hbm>>, %arg6: memref<25x80xi32, #tpu.memory_space<vmem>>, %arg7: memref<25x80xi32, #tpu.memory_space<vmem>>, %arg8: memref<80x128xf32, #tpu.memory_space<vmem>>, %arg9: memref<80x128xf32, #tpu.memory_space<vmem>>, %arg10: memref<10000x128xf32, #tpu.memory_space<vmem_shared>>, %arg11: memref<!tpu.dma_semaphore, #tpu.memory_space<semaphore_mem>>, %arg12: memref<!tpu.dma_semaphore, #tpu.memory_space<semaphore_mem>>) attributes {dimension_semantics = [#tpu.dimension_semantics<core_parallel>, #tpu.dimension_semantics<subcore_parallel>], iteration_bounds = array<i64: 2, 16>, scalar_prefetch = 0 : i64, scratch_operands = 7 : i64, tpu.core_type = #tpu.core_type<sc_vector_subcore>, window_params = [{transform_indices = #map}, {transform_indices = #map1}, {transform_indices = #map1}, {transform_indices = #map2}]} {
    %mul3A = arith.constant 16 : i32
    %mul3A_0 = arith.muli %arg0, %mul3A : i32
    %add3A = arith.addi %mul3A_0, %arg1 : i32
    %scan3A = arith.constant 0 : i32
    %scan3A_1 = arith.constant 0 : i32
    %scan3A_2 = arith.constant 640 : i32
    %scan3A_3 = arith.addi %scan3A_1, %scan3A_2 : i32
    %scan3A_4 = arith.constant 1 : i32
    %scan3A_5 = scf.for %scan3A_29 = %scan3A_1 to %scan3A_3 step %scan3A_4 iter_args(%scan3A_30 = %scan3A) -> (i32)  : i32 {
      %broadcast_in_dim3A = arith.constant 0.000000e+00 : f32
      %broadcast_in_dim3A_31 = vector.broadcast %broadcast_in_dim3A : f32 to vector<16xf32>
      %jit3A = arith.constant 8 : i32
      %div3A = arith.divsi %scan3A_29, %jit3A : i32
      %sign3A = arith.constant 0 : i32
      %sign3A_32 = arith.cmpi sgt, %scan3A_29, %sign3A : i32
      %sign3A_33 = arith.extui %sign3A_32 : i1 to i32
      %sign3A_34 = arith.constant 0 : i32
      %sign3A_35 = arith.cmpi slt, %scan3A_29, %sign3A_34 : i32
      %sign3A_36 = arith.extui %sign3A_35 : i1 to i32
      %sign3A_37 = arith.subi %sign3A_33, %sign3A_36 : i32
      %sign3A_38 = arith.constant 0 : i32
      %sign3A_39 = arith.cmpi sgt, %jit3A, %sign3A_38 : i32
      %sign3A_40 = arith.extui %sign3A_39 : i1 to i32
      %sign3A_41 = arith.constant 0 : i32
      %sign3A_42 = arith.cmpi slt, %jit3A, %sign3A_41 : i32
      %sign3A_43 = arith.extui %sign3A_42 : i1 to i32
      %sign3A_44 = arith.subi %sign3A_40, %sign3A_43 : i32
      %ne3A = arith.cmpi ne, %sign3A_37, %sign3A_44 : i32
      %rem3A = arith.remsi %scan3A_29, %jit3A : i32
      %ne3A_45 = arith.constant 0 : i32
      %ne3A_46 = arith.cmpi ne, %rem3A, %ne3A_45 : i32
      %and3A = arith.andi %ne3A, %ne3A_46 : i1
      %sub3A = arith.constant 1 : i32
      %sub3A_47 = arith.subi %div3A, %sub3A : i32
      %select_n3A = arith.select %and3A, %sub3A_47, %div3A : i32
      %jit3A_48 = arith.constant 8 : i32
      %eq3A = arith.constant 0 : i32
      %eq3A_49 = arith.cmpi eq, %jit3A_48, %eq3A : i32
      %jit3A_50 = arith.constant 1 : i32
      %select_n3A_51 = arith.select %eq3A_49, %jit3A_50, %jit3A_48 : i32
      %rem3A_52 = arith.remsi %scan3A_29, %select_n3A_51 : i32
      %ne3A_53 = arith.constant 0 : i32
      %ne3A_54 = arith.cmpi ne, %rem3A_52, %ne3A_53 : i32
      %lt3A = arith.constant 0 : i32
      %lt3A_55 = arith.cmpi slt, %rem3A_52, %lt3A : i32
      %lt3A_56 = arith.constant 0 : i32
      %lt3A_57 = arith.cmpi slt, %select_n3A_51, %lt3A_56 : i32
      %ne3A_58 = arith.xori %lt3A_55, %lt3A_57 : i1
      %and3A_59 = arith.andi %ne3A_58, %ne3A_54 : i1
      %add3A_60 = arith.addi %rem3A_52, %select_n3A_51 : i32
      %select_n3A_61 = arith.select %and3A_59, %add3A_60, %rem3A_52 : i32
      %mul3A_62 = arith.constant 16 : i32
      %mul3A_63 = arith.muli %select_n3A_61, %mul3A_62 : i32
      %swap3A = arith.index_cast %select_n3A : i32 to index
      %swap3A_64 = arith.index_cast %mul3A_63 : i32 to index
      %swap3A_65 = tpu.vector_load %arg8[%swap3A, %swap3A_64] {strides = array<i32>} : memref<80x128xf32, #tpu.memory_space<vmem>>, vector<1x16xf32>,
      %swap3A_66 = vector.shape_cast %swap3A_65 : vector<1x16xf32> to vector<16xf32>
      %swap3A_67 = vector.shape_cast %broadcast_in_dim3A_31 : vector<16xf32> to vector<1x16xf32>
      tpu.vector_store %arg8[%swap3A, %swap3A_64], %swap3A_67 {strides = array<i32>} : memref<80x128xf32, #tpu.memory_space<vmem>>, vector<1x16xf32>,
      %scan3A_68 = arith.constant 0 : i32
      scf.yield %scan3A_68 : i32
    }
    %scan3A_6 = arith.constant 640 : i32
    %scan3A_7 = arith.constant 0 : i32
    %scan3A_8 = arith.constant 0 : i32
    %scan3A_9 = arith.constant 8 : i32
    %scan3A_10 = arith.addi %scan3A_8, %scan3A_9 : i32
    %scan3A_11 = arith.constant 1 : i32
    %scan3A_12 = scf.for %scan3A_29 = %scan3A_8 to %scan3A_10 step %scan3A_11 iter_args(%scan3A_30 = %scan3A_7) -> (i32)  : i32 {
      %mul3A_31 = arith.constant 16 : i32
      %mul3A_32 = arith.muli %scan3A_29, %mul3A_31 : i32
      %add3A_33 = arith.addi %arg1, %mul3A_32 : i32
      %lt3A = arith.constant 125 : i32
      %lt3A_34 = arith.cmpi slt, %add3A_33, %lt3A : i32
      %convert_element_type3A = arith.extui %lt3A_34 : i1 to i32
      %cond3A = arith.constant 0 : i32
      %cond3A_35 = arith.cmpi ne, %convert_element_type3A, %cond3A : i32
      scf.if %cond3A_35 {
        %mul3A_37 = arith.constant 80 : i32
        %mul3A_38 = arith.muli %add3A_33, %mul3A_37 : i32
        "tpu.region"() ({
          %run_scoped3A = tpu.sem_alloc : memref<!tpu.dma_semaphore, #tpu.memory_space<semaphore_mem>>
          %dma_start3A = arith.constant 0 : i32
          %dma_start3A_39 = tpu.memref_slice %arg10[%mul3A_38, %dma_start3A] : memref<10000x128xf32, #tpu.memory_space<vmem_shared>> -> memref<80x128xf32, #tpu.memory_space<vmem_shared>>
          %dma_start3A_40 = arith.constant 0 : i32
          %dma_start3A_41 = tpu.memref_slice %arg10[%mul3A_38, %dma_start3A_40] : memref<10000x128xf32, #tpu.memory_space<vmem_shared>> -> memref<80x128xf32, #tpu.memory_space<vmem_shared>>
          tpu.enqueue_dma source(%arg8 : memref<80x128xf32, #tpu.memory_space<vmem>>) target(%dma_start3A_41 : memref<80x128xf32, #tpu.memory_space<vmem_shared>>) target_semaphore(%run_scoped3A : memref<!tpu.dma_semaphore, #tpu.memory_space<semaphore_mem>>)
          %dma_wait3A = arith.constant 0 : i32
          %dma_wait3A_42 = tpu.memref_slice %arg10[%mul3A_38, %dma_wait3A] : memref<10000x128xf32, #tpu.memory_space<vmem_shared>> -> memref<80x128xf32, #tpu.memory_space<vmem_shared>>
          %dma_wait3A_43 = arith.constant 0 : i32
          %dma_wait3A_44 = tpu.memref_slice %arg10[%mul3A_38, %dma_wait3A_43] : memref<10000x128xf32, #tpu.memory_space<vmem_shared>> -> memref<80x128xf32, #tpu.memory_space<vmem_shared>>
          tpu.wait_dma2 semaphore(%run_scoped3A : memref<!tpu.dma_semaphore, #tpu.memory_space<semaphore_mem>>) src(%arg8 : memref<80x128xf32, #tpu.memory_space<vmem>>) dst(%dma_wait3A_44 : memref<80x128xf32, #tpu.memory_space<vmem_shared>>)
          tpu.yield
        }) : () -> ()
      } else {
      }
      %scan3A_36 = arith.constant 0 : i32
      scf.yield %scan3A_36 : i32
    }
    %scan3A_13 = arith.constant 8 : i32
    %barrier3A = arith.constant 0 : index
    tpu.barrier barrier_id(%barrier3A)
    %scan3A_14 = arith.constant 0 : i32
    %scan3A_15 = arith.constant 0 : i32
    %scan3A_16 = arith.constant 5 : i32
    %scan3A_17 = arith.addi %scan3A_15, %scan3A_16 : i32
    %scan3A_18 = arith.constant 1 : i32
    %scan3A_19 = scf.for %scan3A_29 = %scan3A_15 to %scan3A_17 step %scan3A_18 iter_args(%scan3A_30 = %scan3A_14) -> (i32)  : i32 {
      "tpu.region"() ({
        %run_scoped3A = tpu.sem_alloc : memref<!tpu.dma_semaphore, #tpu.memory_space<semaphore_mem>>
        %dma_start3A_45 = arith.constant 0 : i32
        %dma_start3A_46 = arith.constant 0 : i32
        %dma_start3A_47 = tpu.memref_slice %arg3[%add3A, %scan3A_29, %dma_start3A_45, %dma_start3A_46] : memref<32x5x25x80xi32, #tpu.memory_space<hbm>> -> memref<1x1x25x80xi32, #tpu.memory_space<hbm>>
        %dma_start3A_48 = tpu.memref_squeeze %dma_start3A_47 : memref<1x1x25x80xi32, #tpu.memory_space<hbm>> -> memref<25x80xi32, #tpu.memory_space<hbm>>
        %dma_start3A_49 = arith.constant 0 : i32
        %dma_start3A_50 = arith.constant 0 : i32
        %dma_start3A_51 = tpu.memref_slice %arg3[%add3A, %scan3A_29, %dma_start3A_49, %dma_start3A_50] : memref<32x5x25x80xi32, #tpu.memory_space<hbm>> -> memref<1x1x25x80xi32, #tpu.memory_space<hbm>>
        %dma_start3A_52 = tpu.memref_squeeze %dma_start3A_51 : memref<1x1x25x80xi32, #tpu.memory_space<hbm>> -> memref<25x80xi32, #tpu.memory_space<hbm>>
        tpu.enqueue_dma source(%dma_start3A_52 : memref<25x80xi32, #tpu.memory_space<hbm>>) target(%arg6 : memref<25x80xi32, #tpu.memory_space<vmem>>) target_semaphore(%run_scoped3A : memref<!tpu.dma_semaphore, #tpu.memory_space<semaphore_mem>>)
        %dma_wait3A = arith.constant 0 : i32
        %dma_wait3A_53 = arith.constant 0 : i32
        %dma_wait3A_54 = tpu.memref_slice %arg3[%add3A, %scan3A_29, %dma_wait3A, %dma_wait3A_53] : memref<32x5x25x80xi32, #tpu.memory_space<hbm>> -> memref<1x1x25x80xi32, #tpu.memory_space<hbm>>
        %dma_wait3A_55 = tpu.memref_squeeze %dma_wait3A_54 : memref<1x1x25x80xi32, #tpu.memory_space<hbm>> -> memref<25x80xi32, #tpu.memory_space<hbm>>
        %dma_wait3A_56 = arith.constant 0 : i32
        %dma_wait3A_57 = arith.constant 0 : i32
        %dma_wait3A_58 = tpu.memref_slice %arg3[%add3A, %scan3A_29, %dma_wait3A_56, %dma_wait3A_57] : memref<32x5x25x80xi32, #tpu.memory_space<hbm>> -> memref<1x1x25x80xi32, #tpu.memory_space<hbm>>
        %dma_wait3A_59 = tpu.memref_squeeze %dma_wait3A_58 : memref<1x1x25x80xi32, #tpu.memory_space<hbm>> -> memref<25x80xi32, #tpu.memory_space<hbm>>
        tpu.wait_dma2 semaphore(%run_scoped3A : memref<!tpu.dma_semaphore, #tpu.memory_space<semaphore_mem>>) src(%dma_wait3A_59 : memref<25x80xi32, #tpu.memory_space<hbm>>) dst(%arg6 : memref<25x80xi32, #tpu.memory_space<vmem>>)
        tpu.yield
      }) : () -> ()
      "tpu.region"() ({
        %run_scoped3A = tpu.sem_alloc : memref<!tpu.dma_semaphore, #tpu.memory_space<semaphore_mem>>
        %dma_start3A_45 = arith.constant 0 : i32
        %dma_start3A_46 = arith.constant 0 : i32
        %dma_start3A_47 = tpu.memref_slice %arg4[%add3A, %scan3A_29, %dma_start3A_45, %dma_start3A_46] : memref<32x5x25x80xi32, #tpu.memory_space<hbm>> -> memref<1x1x25x80xi32, #tpu.memory_space<hbm>>
        %dma_start3A_48 = tpu.memref_squeeze %dma_start3A_47 : memref<1x1x25x80xi32, #tpu.memory_space<hbm>> -> memref<25x80xi32, #tpu.memory_space<hbm>>
        %dma_start3A_49 = arith.constant 0 : i32
        %dma_start3A_50 = arith.constant 0 : i32
        %dma_start3A_51 = tpu.memref_slice %arg4[%add3A, %scan3A_29, %dma_start3A_49, %dma_start3A_50] : memref<32x5x25x80xi32, #tpu.memory_space<hbm>> -> memref<1x1x25x80xi32, #tpu.memory_space<hbm>>
        %dma_start3A_52 = tpu.memref_squeeze %dma_start3A_51 : memref<1x1x25x80xi32, #tpu.memory_space<hbm>> -> memref<25x80xi32, #tpu.memory_space<hbm>>
        tpu.enqueue_dma source(%dma_start3A_52 : memref<25x80xi32, #tpu.memory_space<hbm>>) target(%arg7 : memref<25x80xi32, #tpu.memory_space<vmem>>) target_semaphore(%run_scoped3A : memref<!tpu.dma_semaphore, #tpu.memory_space<semaphore_mem>>)
        %dma_wait3A = arith.constant 0 : i32
        %dma_wait3A_53 = arith.constant 0 : i32
        %dma_wait3A_54 = tpu.memref_slice %arg4[%add3A, %scan3A_29, %dma_wait3A, %dma_wait3A_53] : memref<32x5x25x80xi32, #tpu.memory_space<hbm>> -> memref<1x1x25x80xi32, #tpu.memory_space<hbm>>
        %dma_wait3A_55 = tpu.memref_squeeze %dma_wait3A_54 : memref<1x1x25x80xi32, #tpu.memory_space<hbm>> -> memref<25x80xi32, #tpu.memory_space<hbm>>
        %dma_wait3A_56 = arith.constant 0 : i32
        %dma_wait3A_57 = arith.constant 0 : i32
        %dma_wait3A_58 = tpu.memref_slice %arg4[%add3A, %scan3A_29, %dma_wait3A_56, %dma_wait3A_57] : memref<32x5x25x80xi32, #tpu.memory_space<hbm>> -> memref<1x1x25x80xi32, #tpu.memory_space<hbm>>
        %dma_wait3A_59 = tpu.memref_squeeze %dma_wait3A_58 : memref<1x1x25x80xi32, #tpu.memory_space<hbm>> -> memref<25x80xi32, #tpu.memory_space<hbm>>
        tpu.wait_dma2 semaphore(%run_scoped3A : memref<!tpu.dma_semaphore, #tpu.memory_space<semaphore_mem>>) src(%dma_wait3A_59 : memref<25x80xi32, #tpu.memory_space<hbm>>) dst(%arg7 : memref<25x80xi32, #tpu.memory_space<vmem>>)
        tpu.yield
      }) : () -> ()
      %dma_start3A = arith.constant 0 : i32
      %dma_start3A_31 = arith.constant 0 : i32
      %dma_start3A_32 = tpu.memref_slice %arg6[%dma_start3A, %dma_start3A_31] : memref<25x80xi32, #tpu.memory_space<vmem>> -> memref<1x80xi32, #tpu.memory_space<vmem>>
      %dma_start3A_33 = tpu.memref_squeeze %dma_start3A_32 : memref<1x80xi32, #tpu.memory_space<vmem>> -> memref<80xi32, #tpu.memory_space<vmem>>
      %dma_start3A_34 = arith.constant 0 : i32
      %dma_start3A_35 = arith.constant 0 : i32
      %dma_start3A_36 = tpu.memref_slice %arg2[%dma_start3A_34, %dma_start3A_35] : memref<10000x128xf32, #tpu.memory_space<hbm>> -> memref<10000x128xf32, #tpu.memory_space<hbm>>
      tpu.enqueue_indirect_dma source(%dma_start3A_36 : memref<10000x128xf32, #tpu.memory_space<hbm>>) target(%arg8 : memref<80x128xf32, #tpu.memory_space<vmem>>) offsets(%dma_start3A_33 : memref<80xi32, #tpu.memory_space<vmem>>) semaphore(%arg11 : memref<!tpu.dma_semaphore, #tpu.memory_space<semaphore_mem>>)
      %scan3A_37 = arith.constant 0 : i32
      %scan3A_38 = arith.constant 0 : i32
      %scan3A_39 = arith.constant 25 : i32
      %scan3A_40 = arith.addi %scan3A_38, %scan3A_39 : i32
      %scan3A_41 = arith.constant 1 : i32
      %scan3A_42 = scf.for %scan3A_45 = %scan3A_38 to %scan3A_40 step %scan3A_41 iter_args(%scan3A_46 = %scan3A_37) -> (i32)  : i32 {
        %jit3A = arith.constant 2 : i32
        %eq3A = arith.constant 0 : i32
        %eq3A_47 = arith.cmpi eq, %jit3A, %eq3A : i32
        %jit3A_48 = arith.constant 1 : i32
        %select_n3A = arith.select %eq3A_47, %jit3A_48, %jit3A : i32
        %rem3A = arith.remsi %scan3A_45, %select_n3A : i32
        %ne3A = arith.constant 0 : i32
        %ne3A_49 = arith.cmpi ne, %rem3A, %ne3A : i32
        %lt3A = arith.constant 0 : i32
        %lt3A_50 = arith.cmpi slt, %rem3A, %lt3A : i32
        %lt3A_51 = arith.constant 0 : i32
        %lt3A_52 = arith.cmpi slt, %select_n3A, %lt3A_51 : i32
        %ne3A_53 = arith.xori %lt3A_50, %lt3A_52 : i1
        %and3A = arith.andi %ne3A_53, %ne3A_49 : i1
        %add3A_54 = arith.addi %rem3A, %select_n3A : i32
        %select_n3A_55 = arith.select %and3A, %add3A_54, %rem3A : i32
        %eq3A_56 = arith.constant 0 : i32
        %eq3A_57 = arith.cmpi eq, %select_n3A_55, %eq3A_56 : i32
        %convert_element_type3A = arith.extui %eq3A_57 : i1 to i32
        %cond3A = arith.constant 0 : i32
        %cond3A_58 = arith.cmpi ne, %convert_element_type3A, %cond3A : i32
        scf.if %cond3A_58 {
          %dma_wait3A = arith.constant 0 : i32
          %dma_wait3A_81 = tpu.memref_slice %arg6[%scan3A_45, %dma_wait3A] : memref<25x80xi32, #tpu.memory_space<vmem>> -> memref<1x80xi32, #tpu.memory_space<vmem>>
          %dma_wait3A_82 = tpu.memref_squeeze %dma_wait3A_81 : memref<1x80xi32, #tpu.memory_space<vmem>> -> memref<80xi32, #tpu.memory_space<vmem>>
          %dma_wait3A_83 = arith.constant 0 : i32
          %dma_wait3A_84 = arith.constant 0 : i32
          %dma_wait3A_85 = tpu.memref_slice %arg2[%dma_wait3A_83, %dma_wait3A_84] : memref<10000x128xf32, #tpu.memory_space<hbm>> -> memref<10000x128xf32, #tpu.memory_space<hbm>>
          tpu.wait_indirect_dma semaphore(%arg11 : memref<!tpu.dma_semaphore, #tpu.memory_space<semaphore_mem>>) src(%dma_wait3A_85 : memref<10000x128xf32, #tpu.memory_space<hbm>>) dst(%arg8 : memref<80x128xf32, #tpu.memory_space<vmem>>)
          %add3A_86 = arith.constant 1 : i32
          %add3A_87 = arith.addi %scan3A_45, %add3A_86 : i32
          %lt3A_88 = arith.constant 25 : i32
          %lt3A_89 = arith.cmpi slt, %add3A_87, %lt3A_88 : i32
          %convert_element_type3A_90 = arith.extui %lt3A_89 : i1 to i32
          %cond3A_91 = arith.constant 0 : i32
          %cond3A_92 = arith.cmpi ne, %convert_element_type3A_90, %cond3A_91 : i32
          scf.if %cond3A_92 {
            %add3A_93 = arith.constant 1 : i32
            %add3A_94 = arith.addi %scan3A_45, %add3A_93 : i32
            %dma_start3A_95 = arith.constant 0 : i32
            %dma_start3A_96 = tpu.memref_slice %arg6[%add3A_94, %dma_start3A_95] : memref<25x80xi32, #tpu.memory_space<vmem>> -> memref<1x80xi32, #tpu.memory_space<vmem>>
            %dma_start3A_97 = tpu.memref_squeeze %dma_start3A_96 : memref<1x80xi32, #tpu.memory_space<vmem>> -> memref<80xi32, #tpu.memory_space<vmem>>
            %dma_start3A_98 = arith.constant 0 : i32
            %dma_start3A_99 = arith.constant 0 : i32
            %dma_start3A_100 = tpu.memref_slice %arg2[%dma_start3A_98, %dma_start3A_99] : memref<10000x128xf32, #tpu.memory_space<hbm>> -> memref<10000x128xf32, #tpu.memory_space<hbm>>
            tpu.enqueue_indirect_dma source(%dma_start3A_100 : memref<10000x128xf32, #tpu.memory_space<hbm>>) target(%arg9 : memref<80x128xf32, #tpu.memory_space<vmem>>) offsets(%dma_start3A_97 : memref<80xi32, #tpu.memory_space<vmem>>) semaphore(%arg12 : memref<!tpu.dma_semaphore, #tpu.memory_space<semaphore_mem>>)
          } else {
          }
          "tpu.region"() ({
            %run_scoped3A = tpu.sem_alloc : memref<!tpu.dma_semaphore, #tpu.memory_space<semaphore_mem>>
            %dma_start3A_93 = arith.constant 0 : i32
            %dma_start3A_94 = tpu.memref_slice %arg7[%scan3A_45, %dma_start3A_93] : memref<25x80xi32, #tpu.memory_space<vmem>> -> memref<1x80xi32, #tpu.memory_space<vmem>>
            %dma_start3A_95 = tpu.memref_squeeze %dma_start3A_94 : memref<1x80xi32, #tpu.memory_space<vmem>> -> memref<80xi32, #tpu.memory_space<vmem>>
            %dma_start3A_96 = arith.constant 0 : i32
            %dma_start3A_97 = arith.constant 0 : i32
            %dma_start3A_98 = tpu.memref_slice %arg10[%dma_start3A_96, %dma_start3A_97] : memref<10000x128xf32, #tpu.memory_space<vmem_shared>> -> memref<10000x128xf32, #tpu.memory_space<vmem_shared>>
            tpu.enqueue_indirect_dma source(%arg8 : memref<80x128xf32, #tpu.memory_space<vmem>>) target(%dma_start3A_98 : memref<10000x128xf32, #tpu.memory_space<vmem_shared>>) offsets(%dma_start3A_95 : memref<80xi32, #tpu.memory_space<vmem>>) semaphore(%run_scoped3A : memref<!tpu.dma_semaphore, #tpu.memory_space<semaphore_mem>>) {add = true}
            %dma_wait3A_99 = arith.constant 0 : i32
            %dma_wait3A_100 = tpu.memref_slice %arg7[%scan3A_45, %dma_wait3A_99] : memref<25x80xi32, #tpu.memory_space<vmem>> -> memref<1x80xi32, #tpu.memory_space<vmem>>
            %dma_wait3A_101 = tpu.memref_squeeze %dma_wait3A_100 : memref<1x80xi32, #tpu.memory_space<vmem>> -> memref<80xi32, #tpu.memory_space<vmem>>
            %dma_wait3A_102 = arith.constant 0 : i32
            %dma_wait3A_103 = arith.constant 0 : i32
            %dma_wait3A_104 = tpu.memref_slice %arg10[%dma_wait3A_102, %dma_wait3A_103] : memref<10000x128xf32, #tpu.memory_space<vmem_shared>> -> memref<10000x128xf32, #tpu.memory_space<vmem_shared>>
            tpu.wait_indirect_dma semaphore(%run_scoped3A : memref<!tpu.dma_semaphore, #tpu.memory_space<semaphore_mem>>) src(%arg8 : memref<80x128xf32, #tpu.memory_space<vmem>>) dst(%dma_wait3A_104 : memref<10000x128xf32, #tpu.memory_space<vmem_shared>>)
            tpu.yield
          }) : () -> ()
        } else {
        }
        %jit3A_59 = arith.constant 2 : i32
        %eq3A_60 = arith.constant 0 : i32
        %eq3A_61 = arith.cmpi eq, %jit3A_59, %eq3A_60 : i32
        %jit3A_62 = arith.constant 1 : i32
        %select_n3A_63 = arith.select %eq3A_61, %jit3A_62, %jit3A_59 : i32
        %rem3A_64 = arith.remsi %scan3A_45, %select_n3A_63 : i32
        %ne3A_65 = arith.constant 0 : i32
        %ne3A_66 = arith.cmpi ne, %rem3A_64, %ne3A_65 : i32
        %lt3A_67 = arith.constant 0 : i32
        %lt3A_68 = arith.cmpi slt, %rem3A_64, %lt3A_67 : i32
        %lt3A_69 = arith.constant 0 : i32
        %lt3A_70 = arith.cmpi slt, %select_n3A_63, %lt3A_69 : i32
        %ne3A_71 = arith.xori %lt3A_68, %lt3A_70 : i1
        %and3A_72 = arith.andi %ne3A_71, %ne3A_66 : i1
        %add3A_73 = arith.addi %rem3A_64, %select_n3A_63 : i32
        %select_n3A_74 = arith.select %and3A_72, %add3A_73, %rem3A_64 : i32
        %eq3A_75 = arith.constant 1 : i32
        %eq3A_76 = arith.cmpi eq, %select_n3A_74, %eq3A_75 : i32
        %convert_element_type3A_77 = arith.extui %eq3A_76 : i1 to i32
        %cond3A_78 = arith.constant 0 : i32
        %cond3A_79 = arith.cmpi ne, %convert_element_type3A_77, %cond3A_78 : i32
        scf.if %cond3A_79 {
          %dma_wait3A = arith.constant 0 : i32
          %dma_wait3A_81 = tpu.memref_slice %arg6[%scan3A_45, %dma_wait3A] : memref<25x80xi32, #tpu.memory_space<vmem>> -> memref<1x80xi32, #tpu.memory_space<vmem>>
          %dma_wait3A_82 = tpu.memref_squeeze %dma_wait3A_81 : memref<1x80xi32, #tpu.memory_space<vmem>> -> memref<80xi32, #tpu.memory_space<vmem>>
          %dma_wait3A_83 = arith.constant 0 : i32
          %dma_wait3A_84 = arith.constant 0 : i32
          %dma_wait3A_85 = tpu.memref_slice %arg2[%dma_wait3A_83, %dma_wait3A_84] : memref<10000x128xf32, #tpu.memory_space<hbm>> -> memref<10000x128xf32, #tpu.memory_space<hbm>>
          tpu.wait_indirect_dma semaphore(%arg12 : memref<!tpu.dma_semaphore, #tpu.memory_space<semaphore_mem>>) src(%dma_wait3A_85 : memref<10000x128xf32, #tpu.memory_space<hbm>>) dst(%arg9 : memref<80x128xf32, #tpu.memory_space<vmem>>)
          %add3A_86 = arith.constant 1 : i32
          %add3A_87 = arith.addi %scan3A_45, %add3A_86 : i32
          %lt3A_88 = arith.constant 25 : i32
          %lt3A_89 = arith.cmpi slt, %add3A_87, %lt3A_88 : i32
          %convert_element_type3A_90 = arith.extui %lt3A_89 : i1 to i32
          %cond3A_91 = arith.constant 0 : i32
          %cond3A_92 = arith.cmpi ne, %convert_element_type3A_90, %cond3A_91 : i32
          scf.if %cond3A_92 {
            %add3A_93 = arith.constant 1 : i32
            %add3A_94 = arith.addi %scan3A_45, %add3A_93 : i32
            %dma_start3A_95 = arith.constant 0 : i32
            %dma_start3A_96 = tpu.memref_slice %arg6[%add3A_94, %dma_start3A_95] : memref<25x80xi32, #tpu.memory_space<vmem>> -> memref<1x80xi32, #tpu.memory_space<vmem>>
            %dma_start3A_97 = tpu.memref_squeeze %dma_start3A_96 : memref<1x80xi32, #tpu.memory_space<vmem>> -> memref<80xi32, #tpu.memory_space<vmem>>
            %dma_start3A_98 = arith.constant 0 : i32
            %dma_start3A_99 = arith.constant 0 : i32
            %dma_start3A_100 = tpu.memref_slice %arg2[%dma_start3A_98, %dma_start3A_99] : memref<10000x128xf32, #tpu.memory_space<hbm>> -> memref<10000x128xf32, #tpu.memory_space<hbm>>
            tpu.enqueue_indirect_dma source(%dma_start3A_100 : memref<10000x128xf32, #tpu.memory_space<hbm>>) target(%arg8 : memref<80x128xf32, #tpu.memory_space<vmem>>) offsets(%dma_start3A_97 : memref<80xi32, #tpu.memory_space<vmem>>) semaphore(%arg11 : memref<!tpu.dma_semaphore, #tpu.memory_space<semaphore_mem>>)
          } else {
          }
          "tpu.region"() ({
            %run_scoped3A = tpu.sem_alloc : memref<!tpu.dma_semaphore, #tpu.memory_space<semaphore_mem>>
            %dma_start3A_93 = arith.constant 0 : i32
            %dma_start3A_94 = tpu.memref_slice %arg7[%scan3A_45, %dma_start3A_93] : memref<25x80xi32, #tpu.memory_space<vmem>> -> memref<1x80xi32, #tpu.memory_space<vmem>>
            %dma_start3A_95 = tpu.memref_squeeze %dma_start3A_94 : memref<1x80xi32, #tpu.memory_space<vmem>> -> memref<80xi32, #tpu.memory_space<vmem>>
            %dma_start3A_96 = arith.constant 0 : i32
            %dma_start3A_97 = arith.constant 0 : i32
            %dma_start3A_98 = tpu.memref_slice %arg10[%dma_start3A_96, %dma_start3A_97] : memref<10000x128xf32, #tpu.memory_space<vmem_shared>> -> memref<10000x128xf32, #tpu.memory_space<vmem_shared>>
            tpu.enqueue_indirect_dma source(%arg9 : memref<80x128xf32, #tpu.memory_space<vmem>>) target(%dma_start3A_98 : memref<10000x128xf32, #tpu.memory_space<vmem_shared>>) offsets(%dma_start3A_95 : memref<80xi32, #tpu.memory_space<vmem>>) semaphore(%run_scoped3A : memref<!tpu.dma_semaphore, #tpu.memory_space<semaphore_mem>>) {add = true}
            %dma_wait3A_99 = arith.constant 0 : i32
            %dma_wait3A_100 = tpu.memref_slice %arg7[%scan3A_45, %dma_wait3A_99] : memref<25x80xi32, #tpu.memory_space<vmem>> -> memref<1x80xi32, #tpu.memory_space<vmem>>
            %dma_wait3A_101 = tpu.memref_squeeze %dma_wait3A_100 : memref<1x80xi32, #tpu.memory_space<vmem>> -> memref<80xi32, #tpu.memory_space<vmem>>
            %dma_wait3A_102 = arith.constant 0 : i32
            %dma_wait3A_103 = arith.constant 0 : i32
            %dma_wait3A_104 = tpu.memref_slice %arg10[%dma_wait3A_102, %dma_wait3A_103] : memref<10000x128xf32, #tpu.memory_space<vmem_shared>> -> memref<10000x128xf32, #tpu.memory_space<vmem_shared>>
            tpu.wait_indirect_dma semaphore(%run_scoped3A : memref<!tpu.dma_semaphore, #tpu.memory_space<semaphore_mem>>) src(%arg9 : memref<80x128xf32, #tpu.memory_space<vmem>>) dst(%dma_wait3A_104 : memref<10000x128xf32, #tpu.memory_space<vmem_shared>>)
            tpu.yield
          }) : () -> ()
        } else {
        }
        %scan3A_80 = arith.constant 0 : i32
        scf.yield %scan3A_80 : i32
      }
      %scan3A_43 = arith.constant 25 : i32
      %scan3A_44 = arith.constant 0 : i32
      scf.yield %scan3A_44 : i32
    }
    %scan3A_20 = arith.constant 5 : i32
    %barrier3A_21 = arith.constant 0 : index
    tpu.barrier barrier_id(%barrier3A_21)
    %scan3A_22 = arith.constant 0 : i32
    %scan3A_23 = arith.constant 0 : i32
    %scan3A_24 = arith.constant 8 : i32
    %scan3A_25 = arith.addi %scan3A_23, %scan3A_24 : i32
    %scan3A_26 = arith.constant 1 : i32
    %scan3A_27 = scf.for %scan3A_29 = %scan3A_23 to %scan3A_25 step %scan3A_26 iter_args(%scan3A_30 = %scan3A_22) -> (i32)  : i32 {
      %mul3A_31 = arith.constant 16 : i32
      %mul3A_32 = arith.muli %scan3A_29, %mul3A_31 : i32
      %add3A_33 = arith.addi %arg1, %mul3A_32 : i32
      %lt3A = arith.constant 125 : i32
      %lt3A_34 = arith.cmpi slt, %add3A_33, %lt3A : i32
      %convert_element_type3A = arith.extui %lt3A_34 : i1 to i32
      %cond3A = arith.constant 0 : i32
      %cond3A_35 = arith.cmpi ne, %convert_element_type3A, %cond3A : i32
      scf.if %cond3A_35 {
        %mul3A_37 = arith.constant 80 : i32
        %mul3A_38 = arith.muli %add3A_33, %mul3A_37 : i32
        "tpu.region"() ({
          %run_scoped3A = tpu.sem_alloc : memref<!tpu.dma_semaphore, #tpu.memory_space<semaphore_mem>>
          %dma_start3A = arith.constant 0 : i32
          %dma_start3A_39 = tpu.memref_slice %arg10[%mul3A_38, %dma_start3A] : memref<10000x128xf32, #tpu.memory_space<vmem_shared>> -> memref<80x128xf32, #tpu.memory_space<vmem_shared>>
          %dma_start3A_40 = arith.constant 0 : i32
          %dma_start3A_41 = tpu.memref_slice %arg10[%mul3A_38, %dma_start3A_40] : memref<10000x128xf32, #tpu.memory_space<vmem_shared>> -> memref<80x128xf32, #tpu.memory_space<vmem_shared>>
          tpu.enqueue_dma source(%dma_start3A_41 : memref<80x128xf32, #tpu.memory_space<vmem_shared>>) target(%arg8 : memref<80x128xf32, #tpu.memory_space<vmem>>) target_semaphore(%run_scoped3A : memref<!tpu.dma_semaphore, #tpu.memory_space<semaphore_mem>>)
          %dma_wait3A = arith.constant 0 : i32
          %dma_wait3A_42 = tpu.memref_slice %arg10[%mul3A_38, %dma_wait3A] : memref<10000x128xf32, #tpu.memory_space<vmem_shared>> -> memref<80x128xf32, #tpu.memory_space<vmem_shared>>
          %dma_wait3A_43 = arith.constant 0 : i32
          %dma_wait3A_44 = tpu.memref_slice %arg10[%mul3A_38, %dma_wait3A_43] : memref<10000x128xf32, #tpu.memory_space<vmem_shared>> -> memref<80x128xf32, #tpu.memory_space<vmem_shared>>
          tpu.wait_dma2 semaphore(%run_scoped3A : memref<!tpu.dma_semaphore, #tpu.memory_space<semaphore_mem>>) src(%dma_wait3A_44 : memref<80x128xf32, #tpu.memory_space<vmem_shared>>) dst(%arg8 : memref<80x128xf32, #tpu.memory_space<vmem>>)
          tpu.yield
        }) : () -> ()
        "tpu.region"() ({
          %run_scoped3A = tpu.sem_alloc : memref<!tpu.dma_semaphore, #tpu.memory_space<semaphore_mem>>
          %dma_start3A = arith.constant 0 : i32
          %dma_start3A_39 = tpu.memref_slice %arg5[%arg0, %mul3A_38, %dma_start3A] : memref<2x10000x128xf32, #tpu.memory_space<hbm>> -> memref<1x80x128xf32, #tpu.memory_space<hbm>>
          %dma_start3A_40 = tpu.memref_squeeze %dma_start3A_39 : memref<1x80x128xf32, #tpu.memory_space<hbm>> -> memref<80x128xf32, #tpu.memory_space<hbm>>
          %dma_start3A_41 = arith.constant 0 : i32
          %dma_start3A_42 = tpu.memref_slice %arg5[%arg0, %mul3A_38, %dma_start3A_41] : memref<2x10000x128xf32, #tpu.memory_space<hbm>> -> memref<1x80x128xf32, #tpu.memory_space<hbm>>
          %dma_start3A_43 = tpu.memref_squeeze %dma_start3A_42 : memref<1x80x128xf32, #tpu.memory_space<hbm>> -> memref<80x128xf32, #tpu.memory_space<hbm>>
          tpu.enqueue_dma source(%arg8 : memref<80x128xf32, #tpu.memory_space<vmem>>) target(%dma_start3A_43 : memref<80x128xf32, #tpu.memory_space<hbm>>) target_semaphore(%run_scoped3A : memref<!tpu.dma_semaphore, #tpu.memory_space<semaphore_mem>>)
          %dma_wait3A = arith.constant 0 : i32
          %dma_wait3A_44 = tpu.memref_slice %arg5[%arg0, %mul3A_38, %dma_wait3A] : memref<2x10000x128xf32, #tpu.memory_space<hbm>> -> memref<1x80x128xf32, #tpu.memory_space<hbm>>
          %dma_wait3A_45 = tpu.memref_squeeze %dma_wait3A_44 : memref<1x80x128xf32, #tpu.memory_space<hbm>> -> memref<80x128xf32, #tpu.memory_space<hbm>>
          %dma_wait3A_46 = arith.constant 0 : i32
          %dma_wait3A_47 = tpu.memref_slice %arg5[%arg0, %mul3A_38, %dma_wait3A_46] : memref<2x10000x128xf32, #tpu.memory_space<hbm>> -> memref<1x80x128xf32, #tpu.memory_space<hbm>>
          %dma_wait3A_48 = tpu.memref_squeeze %dma_wait3A_47 : memref<1x80x128xf32, #tpu.memory_space<hbm>> -> memref<80x128xf32, #tpu.memory_space<hbm>>
          tpu.wait_dma2 semaphore(%run_scoped3A : memref<!tpu.dma_semaphore, #tpu.memory_space<semaphore_mem>>) src(%arg8 : memref<80x128xf32, #tpu.memory_space<vmem>>) dst(%dma_wait3A_48 : memref<80x128xf32, #tpu.memory_space<hbm>>)
          tpu.yield
        }) : () -> ()
      } else {
      }
      %scan3A_36 = arith.constant 0 : i32
      scf.yield %scan3A_36 : i32
    }
    %scan3A_28 = arith.constant 8 : i32
    return
  }
}

module attributes {stable_mosaic.version = 14 : i64} {
  func.func @kern(%arg0: i32, %arg1: memref<1000x128xf32, #tpu.memory_space<vmem>>, %arg2: memref<1000x128xf32, #tpu.memory_space<vmem>>, %arg3: memref<1000x128xf32, #tpu.memory_space<vmem>>, %arg4: memref<128x128xf32, #tpu.memory_space<vmem>>, %arg5: memref<1x128xf32, #tpu.memory_space<vmem>>, %arg6: memref<1000x128xf32, #tpu.memory_space<vmem>>, %arg7: memref<1x128xf32, #tpu.memory_space<vmem>>) attributes {dimension_semantics = [#tpu.dimension_semantics<arbitrary>], iteration_bounds = array<i64: 10>, scalar_prefetch = 0 : i64, scratch_operands = 0 : i64, tpu.core_type = #tpu.core_type<tc>, window_params = [{transform_indices = @transform_0, window_bounds = array<i64: 1000, 128>}, {transform_indices = @transform_1, window_bounds = array<i64: 1000, 128>}, {transform_indices = @transform_2, window_bounds = array<i64: 1000, 128>}, {pipeline_mode = #tpu.pipeline_mode<synchronous>, transform_indices = @transform_3, window_bounds = array<i64: 128, 128>}, {pipeline_mode = #tpu.pipeline_mode<synchronous>, transform_indices = @transform_4, window_bounds = array<i64: 1, 128>}, {transform_indices = @transform_5, window_bounds = array<i64: 1000, 128>}, {pipeline_mode = #tpu.pipeline_mode<synchronous>, transform_indices = @transform_6, window_bounds = array<i64: 1, 128>}]} {
    %get3A = arith.constant 0 : index
    %get3A_0 = arith.constant 0 : index
    %get3A_1 = vector.load %arg1[%get3A, %get3A_0] : memref<1000x128xf32, #tpu.memory_space<vmem>>, vector<1000x128xf32>
    %get3A_2 = arith.constant 0 : index
    %get3A_3 = arith.constant 0 : index
    %get3A_4 = vector.load %arg2[%get3A_2, %get3A_3] : memref<1000x128xf32, #tpu.memory_space<vmem>>, vector<1000x128xf32>
    %add3A = arith.addf %get3A_1, %get3A_4 : vector<1000x128xf32>
    %get3A_5 = arith.constant 0 : index
    %get3A_6 = arith.constant 0 : index
    %get3A_7 = vector.load %arg3[%get3A_5, %get3A_6] : memref<1000x128xf32, #tpu.memory_space<vmem>>, vector<1000x128xf32>
    %add3A_8 = arith.addf %add3A, %get3A_7 : vector<1000x128xf32>
    %get3A_9 = arith.constant 0 : index
    %get3A_10 = arith.constant 0 : index
    %get3A_11 = vector.load %arg4[%get3A_9, %get3A_10] : memref<128x128xf32, #tpu.memory_space<vmem>>, vector<128x128xf32>
    %dot_general3A = arith.constant dense<0.000000e+00> : vector<1000x128xf32>
    %dot_general3A_12 = tpu.matmul %add3A_8, %get3A_11, %dot_general3A {dimension_numbers = #tpu.dot_dimension_numbers<[1], [0], [0], [1], [0, 0, 1, 1], [], []>, transpose_lhs_hint = false} : vector<1000x128xf32>, vector<128x128xf32>, vector<1000x128xf32> -> vector<1000x128xf32>
    %get3A_13 = arith.constant 0 : index
    %get3A_14 = arith.constant 0 : index
    %get3A_15 = vector.load %arg5[%get3A_13, %get3A_14] : memref<1x128xf32, #tpu.memory_space<vmem>>, vector<1x128xf32>
    %add3A_16 = vector.broadcast %get3A_15 : vector<1x128xf32> to vector<1000x128xf32>
    %add3A_17 = arith.addf %dot_general3A_12, %add3A_16 : vector<1000x128xf32>
    %swap3A = arith.constant 0 : index
    %swap3A_18 = arith.constant 0 : index
    %swap3A_19 = vector.load %arg6[%swap3A, %swap3A_18] : memref<1000x128xf32, #tpu.memory_space<vmem>>, vector<1000x128xf32>
    tpu.vector_store %arg6[%swap3A, %swap3A_18], %add3A_17 {strides = array<i32>} : memref<1000x128xf32, #tpu.memory_space<vmem>>, vector<1000x128xf32>,
    %eq3A = arith.constant 0 : i32
    %eq3A_20 = arith.cmpi eq, %arg0, %eq3A : i32
    %convert_element_type3A = arith.extui %eq3A_20 : i1 to i32
    %cond3A = arith.constant 0 : i32
    %cond3A_21 = arith.cmpi ne, %convert_element_type3A, %cond3A : i32
    scf.if %cond3A_21 {
      %broadcast_in_dim3A_30 = arith.constant 0.000000e+00 : f32
      %broadcast_in_dim3A_31 = vector.broadcast %broadcast_in_dim3A_30 : f32 to vector<1x128xf32>
      %swap3A_32 = arith.constant 0 : index
      %swap3A_33 = arith.constant 0 : index
      %swap3A_34 = vector.load %arg7[%swap3A_32, %swap3A_33] : memref<1x128xf32, #tpu.memory_space<vmem>>, vector<1x128xf32>
      tpu.vector_store %arg7[%swap3A_32, %swap3A_33], %broadcast_in_dim3A_31 {strides = array<i32>} : memref<1x128xf32, #tpu.memory_space<vmem>>, vector<1x128xf32>,
    } else {
    }
    %get3A_22 = arith.constant 0 : index
    %get3A_23 = arith.constant 0 : index
    %get3A_24 = vector.load %arg7[%get3A_22, %get3A_23] : memref<1x128xf32, #tpu.memory_space<vmem>>, vector<1x128xf32>
    %reduce_sum3A = arith.constant dense<0.000000e+00> : vector<128xf32>
    %reduce_sum3A_25 = vector.multi_reduction <add>, %add3A_17, %reduce_sum3A [0] : vector<1000x128xf32> to vector<128xf32>
    %broadcast_in_dim3A = vector.shape_cast %reduce_sum3A_25 : vector<128xf32> to vector<1x128xf32>
    %add3A_26 = arith.addf %get3A_24, %broadcast_in_dim3A : vector<1x128xf32>
    %swap3A_27 = arith.constant 0 : index
    %swap3A_28 = arith.constant 0 : index
    %swap3A_29 = vector.load %arg7[%swap3A_27, %swap3A_28] : memref<1x128xf32, #tpu.memory_space<vmem>>, vector<1x128xf32>
    tpu.vector_store %arg7[%swap3A_27, %swap3A_28], %add3A_26 {strides = array<i32>} : memref<1x128xf32, #tpu.memory_space<vmem>>, vector<1x128xf32>,
    return
  }
  func.func @transform_0(%arg0: i32) -> (i32, i32) {
    %c0_i32 = arith.constant 0 : i32
    %c0_i32_0 = arith.constant 0 : i32
    return %arg0, %c0_i32 : i32, i32
  }
  func.func @transform_1(%arg0: i32) -> (i32, i32) {
    %c0_i32 = arith.constant 0 : i32
    %c0_i32_0 = arith.constant 0 : i32
    return %arg0, %c0_i32 : i32, i32
  }
  func.func @transform_2(%arg0: i32) -> (i32, i32) {
    %c0_i32 = arith.constant 0 : i32
    %c0_i32_0 = arith.constant 0 : i32
    return %arg0, %c0_i32 : i32, i32
  }
  func.func @transform_3(%arg0: i32) -> (i32, i32) {
    %c0_i32 = arith.constant 0 : i32
    %c0_i32_0 = arith.constant 0 : i32
    %c0_i32_1 = arith.constant 0 : i32
    return %c0_i32, %c0_i32_0 : i32, i32
  }
  func.func @transform_4(%arg0: i32) -> (i32, i32) {
    %c0_i32 = arith.constant 0 : i32
    %c0_i32_0 = arith.constant 0 : i32
    %c0_i32_1 = arith.constant 0 : i32
    return %c0_i32, %c0_i32_0 : i32, i32
  }
  func.func @transform_5(%arg0: i32) -> (i32, i32) {
    %c0_i32 = arith.constant 0 : i32
    %c0_i32_0 = arith.constant 0 : i32
    return %arg0, %c0_i32 : i32, i32
  }
  func.func @transform_6(%arg0: i32) -> (i32, i32) {
    %c0_i32 = arith.constant 0 : i32
    %c0_i32_0 = arith.constant 0 : i32
    %c0_i32_1 = arith.constant 0 : i32
    return %c0_i32, %c0_i32_0 : i32, i32
  }
}

module attributes {stable_mosaic.version = 14 : i64} {
  func.func @kern(%arg0: i32, %arg1: memref<1000x128xf32, #tpu.memory_space<vmem>>, %arg2: memref<1x128xf32, #tpu.memory_space<vmem>>, %arg3: memref<1x128xf32, #tpu.memory_space<vmem>>) attributes {dimension_semantics = [#tpu.dimension_semantics<arbitrary>], iteration_bounds = array<i64: 10>, scalar_prefetch = 0 : i64, scratch_operands = 0 : i64, tpu.core_type = #tpu.core_type<tc>, window_params = [{transform_indices = @transform_0, window_bounds = array<i64: 1000, 128>}, {pipeline_mode = #tpu.pipeline_mode<synchronous>, transform_indices = @transform_1, window_bounds = array<i64: 1, 128>}, {pipeline_mode = #tpu.pipeline_mode<synchronous>, transform_indices = @transform_2, window_bounds = array<i64: 1, 128>}]} {
    %get3A = arith.constant 0 : index
    %get3A_0 = arith.constant 0 : index
    %get3A_1 = vector.load %arg1[%get3A, %get3A_0] : memref<1000x128xf32, #tpu.memory_space<vmem>>, vector<1000x128xf32>
    %get3A_2 = arith.constant 0 : index
    %get3A_3 = arith.constant 0 : index
    %get3A_4 = vector.load %arg2[%get3A_2, %get3A_3] : memref<1x128xf32, #tpu.memory_space<vmem>>, vector<1x128xf32>
    %mul3A = arith.constant 9.99999974E-5 : f32
    %mul3A_5 = vector.broadcast %mul3A : f32 to vector<1x128xf32>
    %mul3A_6 = arith.mulf %get3A_4, %mul3A_5 : vector<1x128xf32>
    %sub3A = vector.broadcast %mul3A_6 : vector<1x128xf32> to vector<1000x128xf32>
    %sub3A_7 = arith.subf %get3A_1, %sub3A : vector<1000x128xf32>
    %eq3A = arith.constant 0 : i32
    %eq3A_8 = arith.cmpi eq, %arg0, %eq3A : i32
    %convert_element_type3A = arith.extui %eq3A_8 : i1 to i32
    %cond3A = arith.constant 0 : i32
    %cond3A_9 = arith.cmpi ne, %convert_element_type3A, %cond3A : i32
    scf.if %cond3A_9 {
      %broadcast_in_dim3A_17 = arith.constant 0.000000e+00 : f32
      %broadcast_in_dim3A_18 = vector.broadcast %broadcast_in_dim3A_17 : f32 to vector<1x128xf32>
      %swap3A_19 = arith.constant 0 : index
      %swap3A_20 = arith.constant 0 : index
      %swap3A_21 = vector.load %arg3[%swap3A_19, %swap3A_20] : memref<1x128xf32, #tpu.memory_space<vmem>>, vector<1x128xf32>
      tpu.vector_store %arg3[%swap3A_19, %swap3A_20], %broadcast_in_dim3A_18 {strides = array<i32>} : memref<1x128xf32, #tpu.memory_space<vmem>>, vector<1x128xf32>,
    } else {
    }
    %get3A_10 = arith.constant 0 : index
    %get3A_11 = arith.constant 0 : index
    %get3A_12 = vector.load %arg3[%get3A_10, %get3A_11] : memref<1x128xf32, #tpu.memory_space<vmem>>, vector<1x128xf32>
    %mul3A_13 = arith.mulf %sub3A_7, %sub3A_7 : vector<1000x128xf32>
    %reduce_sum3A = arith.constant dense<0.000000e+00> : vector<128xf32>
    %reduce_sum3A_14 = vector.multi_reduction <add>, %mul3A_13, %reduce_sum3A [0] : vector<1000x128xf32> to vector<128xf32>
    %broadcast_in_dim3A = vector.shape_cast %reduce_sum3A_14 : vector<128xf32> to vector<1x128xf32>
    %add3A = arith.addf %get3A_12, %broadcast_in_dim3A : vector<1x128xf32>
    %swap3A = arith.constant 0 : index
    %swap3A_15 = arith.constant 0 : index
    %swap3A_16 = vector.load %arg3[%swap3A, %swap3A_15] : memref<1x128xf32, #tpu.memory_space<vmem>>, vector<1x128xf32>
    tpu.vector_store %arg3[%swap3A, %swap3A_15], %add3A {strides = array<i32>} : memref<1x128xf32, #tpu.memory_space<vmem>>, vector<1x128xf32>,
    return
  }
  func.func @transform_0(%arg0: i32) -> (i32, i32) {
    %c0_i32 = arith.constant 0 : i32
    %c0_i32_0 = arith.constant 0 : i32
    return %arg0, %c0_i32 : i32, i32
  }
  func.func @transform_1(%arg0: i32) -> (i32, i32) {
    %c0_i32 = arith.constant 0 : i32
    %c0_i32_0 = arith.constant 0 : i32
    %c0_i32_1 = arith.constant 0 : i32
    return %c0_i32, %c0_i32_0 : i32, i32
  }
  func.func @transform_2(%arg0: i32) -> (i32, i32) {
    %c0_i32 = arith.constant 0 : i32
    %c0_i32_0 = arith.constant 0 : i32
    %c0_i32_1 = arith.constant 0 : i32
    return %c0_i32, %c0_i32_0 : i32, i32
  }
}

module attributes {stable_mosaic.version = 14 : i64} {
  func.func @kern(%arg0: i32, %arg1: memref<1000x128xf32, #tpu.memory_space<vmem>>, %arg2: memref<1x128xf32, #tpu.memory_space<vmem>>, %arg3: memref<1x128xf32, #tpu.memory_space<vmem>>, %arg4: memref<1x128xf32, #tpu.memory_space<vmem>>, %arg5: memref<1x128xf32, #tpu.memory_space<vmem>>, %arg6: memref<128x128xf32, #tpu.memory_space<vmem>>, %arg7: memref<1x128xf32, #tpu.memory_space<vmem>>, %arg8: memref<1000x128xf32, #tpu.memory_space<vmem>>) attributes {dimension_semantics = [#tpu.dimension_semantics<arbitrary>], iteration_bounds = array<i64: 10>, scalar_prefetch = 0 : i64, scratch_operands = 0 : i64, tpu.core_type = #tpu.core_type<tc>, window_params = [{transform_indices = @transform_0, window_bounds = array<i64: 1000, 128>}, {pipeline_mode = #tpu.pipeline_mode<synchronous>, transform_indices = @transform_1, window_bounds = array<i64: 1, 128>}, {pipeline_mode = #tpu.pipeline_mode<synchronous>, transform_indices = @transform_2, window_bounds = array<i64: 1, 128>}, {pipeline_mode = #tpu.pipeline_mode<synchronous>, transform_indices = @transform_3, window_bounds = array<i64: 1, 128>}, {pipeline_mode = #tpu.pipeline_mode<synchronous>, transform_indices = @transform_4, window_bounds = array<i64: 1, 128>}, {pipeline_mode = #tpu.pipeline_mode<synchronous>, transform_indices = @transform_5, window_bounds = array<i64: 128, 128>}, {pipeline_mode = #tpu.pipeline_mode<synchronous>, transform_indices = @transform_6, window_bounds = array<i64: 1, 128>}, {transform_indices = @transform_7, window_bounds = array<i64: 1000, 128>}]} {
    %get3A = arith.constant 0 : index
    %get3A_0 = arith.constant 0 : index
    %get3A_1 = vector.load %arg1[%get3A, %get3A_0] : memref<1000x128xf32, #tpu.memory_space<vmem>>, vector<1000x128xf32>
    %get3A_2 = arith.constant 0 : index
    %get3A_3 = arith.constant 0 : index
    %get3A_4 = vector.load %arg2[%get3A_2, %get3A_3] : memref<1x128xf32, #tpu.memory_space<vmem>>, vector<1x128xf32>
    %mul3A = arith.constant 9.99999974E-5 : f32
    %mul3A_5 = vector.broadcast %mul3A : f32 to vector<1x128xf32>
    %mul3A_6 = arith.mulf %get3A_4, %mul3A_5 : vector<1x128xf32>
    %get3A_7 = arith.constant 0 : index
    %get3A_8 = arith.constant 0 : index
    %get3A_9 = vector.load %arg3[%get3A_7, %get3A_8] : memref<1x128xf32, #tpu.memory_space<vmem>>, vector<1x128xf32>
    %mul3A_10 = arith.constant 9.99999974E-5 : f32
    %mul3A_11 = vector.broadcast %mul3A_10 : f32 to vector<1x128xf32>
    %mul3A_12 = arith.mulf %get3A_9, %mul3A_11 : vector<1x128xf32>
    %add3A = arith.constant 9.99999974E-6 : f32
    %add3A_13 = vector.broadcast %add3A : f32 to vector<1x128xf32>
    %add3A_14 = arith.addf %mul3A_12, %add3A_13 : vector<1x128xf32>
    %rsqrt3A = math.rsqrt %add3A_14 : vector<1x128xf32>
    %get3A_15 = arith.constant 0 : index
    %get3A_16 = arith.constant 0 : index
    %get3A_17 = vector.load %arg4[%get3A_15, %get3A_16] : memref<1x128xf32, #tpu.memory_space<vmem>>, vector<1x128xf32>
    %mul3A_18 = arith.mulf %rsqrt3A, %get3A_17 : vector<1x128xf32>
    %sub3A = vector.broadcast %mul3A_6 : vector<1x128xf32> to vector<1000x128xf32>
    %sub3A_19 = arith.subf %get3A_1, %sub3A : vector<1000x128xf32>
    %mul3A_20 = vector.broadcast %mul3A_18 : vector<1x128xf32> to vector<1000x128xf32>
    %mul3A_21 = arith.mulf %sub3A_19, %mul3A_20 : vector<1000x128xf32>
    %get3A_22 = arith.constant 0 : index
    %get3A_23 = arith.constant 0 : index
    %get3A_24 = vector.load %arg5[%get3A_22, %get3A_23] : memref<1x128xf32, #tpu.memory_space<vmem>>, vector<1x128xf32>
    %add3A_25 = vector.broadcast %get3A_24 : vector<1x128xf32> to vector<1000x128xf32>
    %add3A_26 = arith.addf %mul3A_21, %add3A_25 : vector<1000x128xf32>
    %max3A = arith.constant 0.000000e+00 : f32
    %max3A_27 = vector.broadcast %max3A : f32 to vector<1000x128xf32>
    %max3A_28 = arith.maximumf %add3A_26, %max3A_27 : vector<1000x128xf32>
    %get3A_29 = arith.constant 0 : index
    %get3A_30 = arith.constant 0 : index
    %get3A_31 = vector.load %arg6[%get3A_29, %get3A_30] : memref<128x128xf32, #tpu.memory_space<vmem>>, vector<128x128xf32>
    %dot_general3A = arith.constant dense<0.000000e+00> : vector<1000x128xf32>
    %dot_general3A_32 = tpu.matmul %max3A_28, %get3A_31, %dot_general3A {dimension_numbers = #tpu.dot_dimension_numbers<[1], [0], [0], [1], [0, 0, 1, 1], [], []>, transpose_lhs_hint = false} : vector<1000x128xf32>, vector<128x128xf32>, vector<1000x128xf32> -> vector<1000x128xf32>
    %get3A_33 = arith.constant 0 : index
    %get3A_34 = arith.constant 0 : index
    %get3A_35 = vector.load %arg7[%get3A_33, %get3A_34] : memref<1x128xf32, #tpu.memory_space<vmem>>, vector<1x128xf32>
    %add3A_36 = vector.broadcast %get3A_35 : vector<1x128xf32> to vector<1000x128xf32>
    %add3A_37 = arith.addf %dot_general3A_32, %add3A_36 : vector<1000x128xf32>
    %max3A_38 = arith.constant 0.000000e+00 : f32
    %max3A_39 = vector.broadcast %max3A_38 : f32 to vector<1000x128xf32>
    %max3A_40 = arith.maximumf %add3A_37, %max3A_39 : vector<1000x128xf32>
    %swap3A = arith.constant 0 : index
    %swap3A_41 = arith.constant 0 : index
    %swap3A_42 = vector.load %arg8[%swap3A, %swap3A_41] : memref<1000x128xf32, #tpu.memory_space<vmem>>, vector<1000x128xf32>
    tpu.vector_store %arg8[%swap3A, %swap3A_41], %max3A_40 {strides = array<i32>} : memref<1000x128xf32, #tpu.memory_space<vmem>>, vector<1000x128xf32>,
    return
  }
  func.func @transform_0(%arg0: i32) -> (i32, i32) {
    %c0_i32 = arith.constant 0 : i32
    %c0_i32_0 = arith.constant 0 : i32
    return %arg0, %c0_i32 : i32, i32
  }
  func.func @transform_1(%arg0: i32) -> (i32, i32) {
    %c0_i32 = arith.constant 0 : i32
    %c0_i32_0 = arith.constant 0 : i32
    %c0_i32_1 = arith.constant 0 : i32
    return %c0_i32, %c0_i32_0 : i32, i32
  }
  func.func @transform_2(%arg0: i32) -> (i32, i32) {
    %c0_i32 = arith.constant 0 : i32
    %c0_i32_0 = arith.constant 0 : i32
    %c0_i32_1 = arith.constant 0 : i32
    return %c0_i32, %c0_i32_0 : i32, i32
  }
  func.func @transform_3(%arg0: i32) -> (i32, i32) {
    %c0_i32 = arith.constant 0 : i32
    %c0_i32_0 = arith.constant 0 : i32
    %c0_i32_1 = arith.constant 0 : i32
    return %c0_i32, %c0_i32_0 : i32, i32
  }
  func.func @transform_4(%arg0: i32) -> (i32, i32) {
    %c0_i32 = arith.constant 0 : i32
    %c0_i32_0 = arith.constant 0 : i32
    %c0_i32_1 = arith.constant 0 : i32
    return %c0_i32, %c0_i32_0 : i32, i32
  }
  func.func @transform_5(%arg0: i32) -> (i32, i32) {
    %c0_i32 = arith.constant 0 : i32
    %c0_i32_0 = arith.constant 0 : i32
    %c0_i32_1 = arith.constant 0 : i32
    return %c0_i32, %c0_i32_0 : i32, i32
  }
  func.func @transform_6(%arg0: i32) -> (i32, i32) {
    %c0_i32 = arith.constant 0 : i32
    %c0_i32_0 = arith.constant 0 : i32
    %c0_i32_1 = arith.constant 0 : i32
    return %c0_i32, %c0_i32_0 : i32, i32
  }
  func.func @transform_7(%arg0: i32) -> (i32, i32) {
    %c0_i32 = arith.constant 0 : i32
    %c0_i32_0 = arith.constant 0 : i32
    return %arg0, %c0_i32 : i32, i32
  }
}

module attributes {stable_mosaic.version = 14 : i64} {
  func.func @kern(%arg0: i32, %arg1: memref<1000x128xf32, #tpu.memory_space<vmem>>, %arg2: memref<1x128xf32, #tpu.memory_space<vmem>>, %arg3: memref<1x128xf32, #tpu.memory_space<vmem>>, %arg4: memref<1x128xf32, #tpu.memory_space<vmem>>, %arg5: memref<1x128xf32, #tpu.memory_space<vmem>>, %arg6: memref<128x128xf32, #tpu.memory_space<vmem>>, %arg7: memref<1x128xf32, #tpu.memory_space<vmem>>, %arg8: memref<1x1x1000xi32, #tpu.memory_space<vmem>>, %arg9: memref<64x128xf32, #tpu.memory_space<vmem>>, %arg10: memref<64x1xf32, #tpu.memory_space<vmem>>) attributes {dimension_semantics = [#tpu.dimension_semantics<arbitrary>], iteration_bounds = array<i64: 10>, scalar_prefetch = 0 : i64, scratch_operands = 0 : i64, tpu.core_type = #tpu.core_type<tc>, window_params = [{transform_indices = @transform_0, window_bounds = array<i64: 1000, 128>}, {pipeline_mode = #tpu.pipeline_mode<synchronous>, transform_indices = @transform_1, window_bounds = array<i64: 1, 128>}, {pipeline_mode = #tpu.pipeline_mode<synchronous>, transform_indices = @transform_2, window_bounds = array<i64: 1, 128>}, {pipeline_mode = #tpu.pipeline_mode<synchronous>, transform_indices = @transform_3, window_bounds = array<i64: 1, 128>}, {pipeline_mode = #tpu.pipeline_mode<synchronous>, transform_indices = @transform_4, window_bounds = array<i64: 1, 128>}, {pipeline_mode = #tpu.pipeline_mode<synchronous>, transform_indices = @transform_5, window_bounds = array<i64: 128, 128>}, {pipeline_mode = #tpu.pipeline_mode<synchronous>, transform_indices = @transform_6, window_bounds = array<i64: 1, 128>}, {transform_indices = @transform_7, window_bounds = array<i64: 1, 1, 1000>}, {pipeline_mode = #tpu.pipeline_mode<synchronous>, transform_indices = @transform_8, window_bounds = array<i64: 64, 128>}, {pipeline_mode = #tpu.pipeline_mode<synchronous>, transform_indices = @transform_9, window_bounds = array<i64: 64, 1>}]} {
    %get3A = arith.constant 0 : index
    %get3A_0 = arith.constant 0 : index
    %get3A_1 = vector.load %arg1[%get3A, %get3A_0] : memref<1000x128xf32, #tpu.memory_space<vmem>>, vector<1000x128xf32>
    %get3A_2 = arith.constant 0 : index
    %get3A_3 = arith.constant 0 : index
    %get3A_4 = vector.load %arg2[%get3A_2, %get3A_3] : memref<1x128xf32, #tpu.memory_space<vmem>>, vector<1x128xf32>
    %mul3A = arith.constant 9.99999974E-5 : f32
    %mul3A_5 = vector.broadcast %mul3A : f32 to vector<1x128xf32>
    %mul3A_6 = arith.mulf %get3A_4, %mul3A_5 : vector<1x128xf32>
    %get3A_7 = arith.constant 0 : index
    %get3A_8 = arith.constant 0 : index
    %get3A_9 = vector.load %arg3[%get3A_7, %get3A_8] : memref<1x128xf32, #tpu.memory_space<vmem>>, vector<1x128xf32>
    %mul3A_10 = arith.constant 9.99999974E-5 : f32
    %mul3A_11 = vector.broadcast %mul3A_10 : f32 to vector<1x128xf32>
    %mul3A_12 = arith.mulf %get3A_9, %mul3A_11 : vector<1x128xf32>
    %add3A = arith.constant 9.99999974E-6 : f32
    %add3A_13 = vector.broadcast %add3A : f32 to vector<1x128xf32>
    %add3A_14 = arith.addf %mul3A_12, %add3A_13 : vector<1x128xf32>
    %rsqrt3A = math.rsqrt %add3A_14 : vector<1x128xf32>
    %get3A_15 = arith.constant 0 : index
    %get3A_16 = arith.constant 0 : index
    %get3A_17 = vector.load %arg4[%get3A_15, %get3A_16] : memref<1x128xf32, #tpu.memory_space<vmem>>, vector<1x128xf32>
    %mul3A_18 = arith.mulf %rsqrt3A, %get3A_17 : vector<1x128xf32>
    %sub3A = vector.broadcast %mul3A_6 : vector<1x128xf32> to vector<1000x128xf32>
    %sub3A_19 = arith.subf %get3A_1, %sub3A : vector<1000x128xf32>
    %mul3A_20 = vector.broadcast %mul3A_18 : vector<1x128xf32> to vector<1000x128xf32>
    %mul3A_21 = arith.mulf %sub3A_19, %mul3A_20 : vector<1000x128xf32>
    %get3A_22 = arith.constant 0 : index
    %get3A_23 = arith.constant 0 : index
    %get3A_24 = vector.load %arg5[%get3A_22, %get3A_23] : memref<1x128xf32, #tpu.memory_space<vmem>>, vector<1x128xf32>
    %add3A_25 = vector.broadcast %get3A_24 : vector<1x128xf32> to vector<1000x128xf32>
    %add3A_26 = arith.addf %mul3A_21, %add3A_25 : vector<1000x128xf32>
    %max3A = arith.constant 0.000000e+00 : f32
    %max3A_27 = vector.broadcast %max3A : f32 to vector<1000x128xf32>
    %max3A_28 = arith.maximumf %add3A_26, %max3A_27 : vector<1000x128xf32>
    %get3A_29 = arith.constant 0 : index
    %get3A_30 = arith.constant 0 : index
    %get3A_31 = vector.load %arg6[%get3A_29, %get3A_30] : memref<128x128xf32, #tpu.memory_space<vmem>>, vector<128x128xf32>
    %dot_general3A = arith.constant dense<0.000000e+00> : vector<1000x128xf32>
    %dot_general3A_32 = tpu.matmul %max3A_28, %get3A_31, %dot_general3A {dimension_numbers = #tpu.dot_dimension_numbers<[1], [0], [0], [1], [0, 0, 1, 1], [], []>, transpose_lhs_hint = false} : vector<1000x128xf32>, vector<128x128xf32>, vector<1000x128xf32> -> vector<1000x128xf32>
    %get3A_33 = arith.constant 0 : index
    %get3A_34 = arith.constant 0 : index
    %get3A_35 = vector.load %arg7[%get3A_33, %get3A_34] : memref<1x128xf32, #tpu.memory_space<vmem>>, vector<1x128xf32>
    %add3A_36 = vector.broadcast %get3A_35 : vector<1x128xf32> to vector<1000x128xf32>
    %add3A_37 = arith.addf %dot_general3A_32, %add3A_36 : vector<1000x128xf32>
    %max3A_38 = arith.constant 0.000000e+00 : f32
    %max3A_39 = vector.broadcast %max3A_38 : f32 to vector<1000x128xf32>
    %max3A_40 = arith.maximumf %add3A_37, %max3A_39 : vector<1000x128xf32>
    %get3A_41 = arith.constant 0 : index
    %get3A_42 = arith.constant 0 : index
    %get3A_43 = arith.constant 0 : index
    %get3A_44 = vector.load %arg8[%get3A_41, %get3A_42, %get3A_43] : memref<1x1x1000xi32, #tpu.memory_space<vmem>>, vector<1x1x1000xi32>
    %squeeze3A = vector.shape_cast %get3A_44 : vector<1x1x1000xi32> to vector<1000xi32>
    %iota3A = tpu.iota {dimensions = array<i32: 0>} : vector<64x1000xi32>
    %broadcast_in_dim3A = vector.shape_cast %squeeze3A : vector<1000xi32> to vector<1x1000xi32>
    %eq3A = vector.broadcast %broadcast_in_dim3A : vector<1x1000xi32> to vector<64x1000xi32>
    %eq3A_45 = arith.cmpi eq, %eq3A, %iota3A : vector<64x1000xi32>
    %convert_element_type3A = arith.extui %eq3A_45 : vector<64x1000xi1> to vector<64x1000xi32>
    %convert_element_type3A_46 = arith.sitofp %convert_element_type3A : vector<64x1000xi32> to vector<64x1000xf32>
    %eq3A_47 = arith.constant 0 : i32
    %eq3A_48 = arith.cmpi eq, %arg0, %eq3A_47 : i32
    %convert_element_type3A_49 = arith.extui %eq3A_48 : i1 to i32
    %cond3A = arith.constant 0 : i32
    %cond3A_50 = arith.cmpi ne, %convert_element_type3A_49, %cond3A : i32
    scf.if %cond3A_50 {
      %broadcast_in_dim3A_68 = arith.constant 0.000000e+00 : f32
      %broadcast_in_dim3A_69 = vector.broadcast %broadcast_in_dim3A_68 : f32 to vector<64x128xf32>
      %swap3A_70 = arith.constant 0 : index
      %swap3A_71 = arith.constant 0 : index
      %swap3A_72 = vector.load %arg9[%swap3A_70, %swap3A_71] : memref<64x128xf32, #tpu.memory_space<vmem>>, vector<64x128xf32>
      tpu.vector_store %arg9[%swap3A_70, %swap3A_71], %broadcast_in_dim3A_69 {strides = array<i32>} : memref<64x128xf32, #tpu.memory_space<vmem>>, vector<64x128xf32>,
      %broadcast_in_dim3A_73 = arith.constant 0.000000e+00 : f32
      %broadcast_in_dim3A_74 = vector.broadcast %broadcast_in_dim3A_73 : f32 to vector<64x1xf32>
      %swap3A_75 = arith.constant 0 : index
      %swap3A_76 = arith.constant 0 : index
      %swap3A_77 = vector.load %arg10[%swap3A_75, %swap3A_76] : memref<64x1xf32, #tpu.memory_space<vmem>>, vector<64x1xf32>
      tpu.vector_store %arg10[%swap3A_75, %swap3A_76], %broadcast_in_dim3A_74 {strides = array<i32>} : memref<64x1xf32, #tpu.memory_space<vmem>>, vector<64x1xf32>,
    } else {
    }
    %get3A_51 = arith.constant 0 : index
    %get3A_52 = arith.constant 0 : index
    %get3A_53 = vector.load %arg9[%get3A_51, %get3A_52] : memref<64x128xf32, #tpu.memory_space<vmem>>, vector<64x128xf32>
    %dot_general3A_54 = arith.constant dense<0.000000e+00> : vector<64x128xf32>
    %dot_general3A_55 = tpu.matmul %convert_element_type3A_46, %max3A_40, %dot_general3A_54 {dimension_numbers = #tpu.dot_dimension_numbers<[1], [0], [0], [1], [0, 0, 1, 1], [], []>, transpose_lhs_hint = false} : vector<64x1000xf32>, vector<1000x128xf32>, vector<64x128xf32> -> vector<64x128xf32>
    %add3A_56 = arith.addf %get3A_53, %dot_general3A_55 : vector<64x128xf32>
    %swap3A = arith.constant 0 : index
    %swap3A_57 = arith.constant 0 : index
    %swap3A_58 = vector.load %arg9[%swap3A, %swap3A_57] : memref<64x128xf32, #tpu.memory_space<vmem>>, vector<64x128xf32>
    tpu.vector_store %arg9[%swap3A, %swap3A_57], %add3A_56 {strides = array<i32>} : memref<64x128xf32, #tpu.memory_space<vmem>>, vector<64x128xf32>,
    %get3A_59 = arith.constant 0 : index
    %get3A_60 = arith.constant 0 : index
    %get3A_61 = vector.load %arg10[%get3A_59, %get3A_60] : memref<64x1xf32, #tpu.memory_space<vmem>>, vector<64x1xf32>
    %reduce_sum3A = arith.constant dense<0.000000e+00> : vector<64xf32>
    %reduce_sum3A_62 = vector.multi_reduction <add>, %convert_element_type3A_46, %reduce_sum3A [1] : vector<64x1000xf32> to vector<64xf32>
    %broadcast_in_dim3A_63 = vector.shape_cast %reduce_sum3A_62 : vector<64xf32> to vector<64x1xf32>
    %add3A_64 = arith.addf %get3A_61, %broadcast_in_dim3A_63 : vector<64x1xf32>
    %swap3A_65 = arith.constant 0 : index
    %swap3A_66 = arith.constant 0 : index
    %swap3A_67 = vector.load %arg10[%swap3A_65, %swap3A_66] : memref<64x1xf32, #tpu.memory_space<vmem>>, vector<64x1xf32>
    tpu.vector_store %arg10[%swap3A_65, %swap3A_66], %add3A_64 {strides = array<i32>} : memref<64x1xf32, #tpu.memory_space<vmem>>, vector<64x1xf32>,
    return
  }
  func.func @transform_0(%arg0: i32) -> (i32, i32) {
    %c0_i32 = arith.constant 0 : i32
    %c0_i32_0 = arith.constant 0 : i32
    return %arg0, %c0_i32 : i32, i32
  }
  func.func @transform_1(%arg0: i32) -> (i32, i32) {
    %c0_i32 = arith.constant 0 : i32
    %c0_i32_0 = arith.constant 0 : i32
    %c0_i32_1 = arith.constant 0 : i32
    return %c0_i32, %c0_i32_0 : i32, i32
  }
  func.func @transform_2(%arg0: i32) -> (i32, i32) {
    %c0_i32 = arith.constant 0 : i32
    %c0_i32_0 = arith.constant 0 : i32
    %c0_i32_1 = arith.constant 0 : i32
    return %c0_i32, %c0_i32_0 : i32, i32
  }
  func.func @transform_3(%arg0: i32) -> (i32, i32) {
    %c0_i32 = arith.constant 0 : i32
    %c0_i32_0 = arith.constant 0 : i32
    %c0_i32_1 = arith.constant 0 : i32
    return %c0_i32, %c0_i32_0 : i32, i32
  }
  func.func @transform_4(%arg0: i32) -> (i32, i32) {
    %c0_i32 = arith.constant 0 : i32
    %c0_i32_0 = arith.constant 0 : i32
    %c0_i32_1 = arith.constant 0 : i32
    return %c0_i32, %c0_i32_0 : i32, i32
  }
  func.func @transform_5(%arg0: i32) -> (i32, i32) {
    %c0_i32 = arith.constant 0 : i32
    %c0_i32_0 = arith.constant 0 : i32
    %c0_i32_1 = arith.constant 0 : i32
    return %c0_i32, %c0_i32_0 : i32, i32
  }
  func.func @transform_6(%arg0: i32) -> (i32, i32) {
    %c0_i32 = arith.constant 0 : i32
    %c0_i32_0 = arith.constant 0 : i32
    %c0_i32_1 = arith.constant 0 : i32
    return %c0_i32, %c0_i32_0 : i32, i32
  }
  func.func @transform_7(%arg0: i32) -> (i32, i32, i32) {
    %c0_i32 = arith.constant 0 : i32
    %c0_i32_0 = arith.constant 0 : i32
    %c0_i32_1 = arith.constant 0 : i32
    return %arg0, %c0_i32, %c0_i32_0 : i32, i32, i32
  }
  func.func @transform_8(%arg0: i32) -> (i32, i32) {
    %c0_i32 = arith.constant 0 : i32
    %c0_i32_0 = arith.constant 0 : i32
    %c0_i32_1 = arith.constant 0 : i32
    return %c0_i32, %c0_i32_0 : i32, i32
  }
  func.func @transform_9(%arg0: i32) -> (i32, i32) {
    %c0_i32 = arith.constant 0 : i32
    %c0_i32_0 = arith.constant 0 : i32
    %c0_i32_1 = arith.constant 0 : i32
    return %c0_i32, %c0_i32_0 : i32, i32
  }
}

module attributes {stable_mosaic.version = 14 : i64} {
  func.func @kern(%arg0: i32, %arg1: memref<64x128xf32, #tpu.memory_space<vmem>>, %arg2: memref<64x1xf32, #tpu.memory_space<vmem>>, %arg3: memref<128x128xf32, #tpu.memory_space<vmem>>, %arg4: memref<1x128xf32, #tpu.memory_space<vmem>>, %arg5: memref<1x128xf32, #tpu.memory_space<vmem>>, %arg6: memref<1x128xf32, #tpu.memory_space<vmem>>, %arg7: memref<128x128xf32, #tpu.memory_space<vmem>>, %arg8: memref<1x128xf32, #tpu.memory_space<vmem>>, %arg9: memref<64x128xf32, #tpu.memory_space<vmem>>) attributes {dimension_semantics = [#tpu.dimension_semantics<arbitrary>], iteration_bounds = array<i64: 1>, scalar_prefetch = 0 : i64, scratch_operands = 0 : i64, tpu.core_type = #tpu.core_type<tc>, window_params = [{pipeline_mode = #tpu.pipeline_mode<synchronous>, transform_indices = @transform_0, window_bounds = array<i64: 64, 128>}, {pipeline_mode = #tpu.pipeline_mode<synchronous>, transform_indices = @transform_1, window_bounds = array<i64: 64, 1>}, {pipeline_mode = #tpu.pipeline_mode<synchronous>, transform_indices = @transform_2, window_bounds = array<i64: 128, 128>}, {pipeline_mode = #tpu.pipeline_mode<synchronous>, transform_indices = @transform_3, window_bounds = array<i64: 1, 128>}, {pipeline_mode = #tpu.pipeline_mode<synchronous>, transform_indices = @transform_4, window_bounds = array<i64: 1, 128>}, {pipeline_mode = #tpu.pipeline_mode<synchronous>, transform_indices = @transform_5, window_bounds = array<i64: 1, 128>}, {pipeline_mode = #tpu.pipeline_mode<synchronous>, transform_indices = @transform_6, window_bounds = array<i64: 128, 128>}, {pipeline_mode = #tpu.pipeline_mode<synchronous>, transform_indices = @transform_7, window_bounds = array<i64: 1, 128>}, {pipeline_mode = #tpu.pipeline_mode<synchronous>, transform_indices = @transform_8, window_bounds = array<i64: 64, 128>}]} {
    %get3A = arith.constant 0 : index
    %get3A_0 = arith.constant 0 : index
    %get3A_1 = vector.load %arg1[%get3A, %get3A_0] : memref<64x128xf32, #tpu.memory_space<vmem>>, vector<64x128xf32>
    %get3A_2 = arith.constant 0 : index
    %get3A_3 = arith.constant 0 : index
    %get3A_4 = vector.load %arg2[%get3A_2, %get3A_3] : memref<64x1xf32, #tpu.memory_space<vmem>>, vector<64x1xf32>
    %max3A = arith.constant 1.000000e+00 : f32
    %max3A_5 = vector.broadcast %max3A : f32 to vector<64x1xf32>
    %max3A_6 = arith.maximumf %get3A_4, %max3A_5 : vector<64x1xf32>
    %div3A = vector.broadcast %max3A_6 : vector<64x1xf32> to vector<64x128xf32>
    %div3A_7 = arith.divf %get3A_1, %div3A : vector<64x128xf32>
    %get3A_8 = arith.constant 0 : index
    %get3A_9 = arith.constant 0 : index
    %get3A_10 = vector.load %arg3[%get3A_8, %get3A_9] : memref<128x128xf32, #tpu.memory_space<vmem>>, vector<128x128xf32>
    %dot_general3A = arith.constant dense<0.000000e+00> : vector<64x128xf32>
    %dot_general3A_11 = tpu.matmul %div3A_7, %get3A_10, %dot_general3A {dimension_numbers = #tpu.dot_dimension_numbers<[1], [0], [0], [1], [0, 0, 1, 1], [], []>, transpose_lhs_hint = false} : vector<64x128xf32>, vector<128x128xf32>, vector<64x128xf32> -> vector<64x128xf32>
    %get3A_12 = arith.constant 0 : index
    %get3A_13 = arith.constant 0 : index
    %get3A_14 = vector.load %arg4[%get3A_12, %get3A_13] : memref<1x128xf32, #tpu.memory_space<vmem>>, vector<1x128xf32>
    %add3A = vector.broadcast %get3A_14 : vector<1x128xf32> to vector<64x128xf32>
    %add3A_15 = arith.addf %dot_general3A_11, %add3A : vector<64x128xf32>
    %reduce_sum3A = arith.constant dense<0.000000e+00> : vector<128xf32>
    %reduce_sum3A_16 = vector.multi_reduction <add>, %add3A_15, %reduce_sum3A [0] : vector<64x128xf32> to vector<128xf32>
    %broadcast_in_dim3A = vector.shape_cast %reduce_sum3A_16 : vector<128xf32> to vector<1x128xf32>
    %div3A_17 = arith.constant 6.400000e+01 : f32
    %div3A_18 = vector.broadcast %div3A_17 : f32 to vector<1x128xf32>
    %div3A_19 = arith.divf %broadcast_in_dim3A, %div3A_18 : vector<1x128xf32>
    %sub3A = vector.broadcast %div3A_19 : vector<1x128xf32> to vector<64x128xf32>
    %sub3A_20 = arith.subf %add3A_15, %sub3A : vector<64x128xf32>
    %sub3A_21 = vector.broadcast %div3A_19 : vector<1x128xf32> to vector<64x128xf32>
    %sub3A_22 = arith.subf %add3A_15, %sub3A_21 : vector<64x128xf32>
    %mul3A = arith.mulf %sub3A_20, %sub3A_22 : vector<64x128xf32>
    %reduce_sum3A_23 = arith.constant dense<0.000000e+00> : vector<128xf32>
    %reduce_sum3A_24 = vector.multi_reduction <add>, %mul3A, %reduce_sum3A_23 [0] : vector<64x128xf32> to vector<128xf32>
    %broadcast_in_dim3A_25 = vector.shape_cast %reduce_sum3A_24 : vector<128xf32> to vector<1x128xf32>
    %div3A_26 = arith.constant 6.400000e+01 : f32
    %div3A_27 = vector.broadcast %div3A_26 : f32 to vector<1x128xf32>
    %div3A_28 = arith.divf %broadcast_in_dim3A_25, %div3A_27 : vector<1x128xf32>
    %sub3A_29 = vector.broadcast %div3A_19 : vector<1x128xf32> to vector<64x128xf32>
    %sub3A_30 = arith.subf %add3A_15, %sub3A_29 : vector<64x128xf32>
    %add3A_31 = arith.constant 9.99999974E-6 : f32
    %add3A_32 = vector.broadcast %add3A_31 : f32 to vector<1x128xf32>
    %add3A_33 = arith.addf %div3A_28, %add3A_32 : vector<1x128xf32>
    %rsqrt3A = math.rsqrt %add3A_33 : vector<1x128xf32>
    %mul3A_34 = vector.broadcast %rsqrt3A : vector<1x128xf32> to vector<64x128xf32>
    %mul3A_35 = arith.mulf %sub3A_30, %mul3A_34 : vector<64x128xf32>
    %get3A_36 = arith.constant 0 : index
    %get3A_37 = arith.constant 0 : index
    %get3A_38 = vector.load %arg5[%get3A_36, %get3A_37] : memref<1x128xf32, #tpu.memory_space<vmem>>, vector<1x128xf32>
    %mul3A_39 = vector.broadcast %get3A_38 : vector<1x128xf32> to vector<64x128xf32>
    %mul3A_40 = arith.mulf %mul3A_35, %mul3A_39 : vector<64x128xf32>
    %get3A_41 = arith.constant 0 : index
    %get3A_42 = arith.constant 0 : index
    %get3A_43 = vector.load %arg6[%get3A_41, %get3A_42] : memref<1x128xf32, #tpu.memory_space<vmem>>, vector<1x128xf32>
    %add3A_44 = vector.broadcast %get3A_43 : vector<1x128xf32> to vector<64x128xf32>
    %add3A_45 = arith.addf %mul3A_40, %add3A_44 : vector<64x128xf32>
    %max3A_46 = arith.constant 0.000000e+00 : f32
    %max3A_47 = vector.broadcast %max3A_46 : f32 to vector<64x128xf32>
    %max3A_48 = arith.maximumf %add3A_45, %max3A_47 : vector<64x128xf32>
    %get3A_49 = arith.constant 0 : index
    %get3A_50 = arith.constant 0 : index
    %get3A_51 = vector.load %arg7[%get3A_49, %get3A_50] : memref<128x128xf32, #tpu.memory_space<vmem>>, vector<128x128xf32>
    %dot_general3A_52 = arith.constant dense<0.000000e+00> : vector<64x128xf32>
    %dot_general3A_53 = tpu.matmul %max3A_48, %get3A_51, %dot_general3A_52 {dimension_numbers = #tpu.dot_dimension_numbers<[1], [0], [0], [1], [0, 0, 1, 1], [], []>, transpose_lhs_hint = false} : vector<64x128xf32>, vector<128x128xf32>, vector<64x128xf32> -> vector<64x128xf32>
    %get3A_54 = arith.constant 0 : index
    %get3A_55 = arith.constant 0 : index
    %get3A_56 = vector.load %arg8[%get3A_54, %get3A_55] : memref<1x128xf32, #tpu.memory_space<vmem>>, vector<1x128xf32>
    %add3A_57 = vector.broadcast %get3A_56 : vector<1x128xf32> to vector<64x128xf32>
    %add3A_58 = arith.addf %dot_general3A_53, %add3A_57 : vector<64x128xf32>
    %swap3A = arith.constant 0 : index
    %swap3A_59 = arith.constant 0 : index
    %swap3A_60 = vector.load %arg9[%swap3A, %swap3A_59] : memref<64x128xf32, #tpu.memory_space<vmem>>, vector<64x128xf32>
    tpu.vector_store %arg9[%swap3A, %swap3A_59], %add3A_58 {strides = array<i32>} : memref<64x128xf32, #tpu.memory_space<vmem>>, vector<64x128xf32>,
    return
  }
  func.func @transform_0(%arg0: i32) -> (i32, i32) {
    %c0_i32 = arith.constant 0 : i32
    %c0_i32_0 = arith.constant 0 : i32
    %c0_i32_1 = arith.constant 0 : i32
    return %c0_i32, %c0_i32_0 : i32, i32
  }
  func.func @transform_1(%arg0: i32) -> (i32, i32) {
    %c0_i32 = arith.constant 0 : i32
    %c0_i32_0 = arith.constant 0 : i32
    %c0_i32_1 = arith.constant 0 : i32
    return %c0_i32, %c0_i32_0 : i32, i32
  }
  func.func @transform_2(%arg0: i32) -> (i32, i32) {
    %c0_i32 = arith.constant 0 : i32
    %c0_i32_0 = arith.constant 0 : i32
    %c0_i32_1 = arith.constant 0 : i32
    return %c0_i32, %c0_i32_0 : i32, i32
  }
  func.func @transform_3(%arg0: i32) -> (i32, i32) {
    %c0_i32 = arith.constant 0 : i32
    %c0_i32_0 = arith.constant 0 : i32
    %c0_i32_1 = arith.constant 0 : i32
    return %c0_i32, %c0_i32_0 : i32, i32
  }
  func.func @transform_4(%arg0: i32) -> (i32, i32) {
    %c0_i32 = arith.constant 0 : i32
    %c0_i32_0 = arith.constant 0 : i32
    %c0_i32_1 = arith.constant 0 : i32
    return %c0_i32, %c0_i32_0 : i32, i32
  }
  func.func @transform_5(%arg0: i32) -> (i32, i32) {
    %c0_i32 = arith.constant 0 : i32
    %c0_i32_0 = arith.constant 0 : i32
    %c0_i32_1 = arith.constant 0 : i32
    return %c0_i32, %c0_i32_0 : i32, i32
  }
  func.func @transform_6(%arg0: i32) -> (i32, i32) {
    %c0_i32 = arith.constant 0 : i32
    %c0_i32_0 = arith.constant 0 : i32
    %c0_i32_1 = arith.constant 0 : i32
    return %c0_i32, %c0_i32_0 : i32, i32
  }
  func.func @transform_7(%arg0: i32) -> (i32, i32) {
    %c0_i32 = arith.constant 0 : i32
    %c0_i32_0 = arith.constant 0 : i32
    %c0_i32_1 = arith.constant 0 : i32
    return %c0_i32, %c0_i32_0 : i32, i32
  }
  func.func @transform_8(%arg0: i32) -> (i32, i32) {
    %c0_i32 = arith.constant 0 : i32
    %c0_i32_0 = arith.constant 0 : i32
    %c0_i32_1 = arith.constant 0 : i32
    return %c0_i32, %c0_i32_0 : i32, i32
  }
}

</mosaic_0001>

<sc_bundles>
// kernel: kernel.15.cloned.1.call-start
scs
__scs_entry_jumppad:
0x0: {  	(pc) =	sbr.rel $0x88, $3  }
0x1: {  	(tag) =	ssettag $0x0;
	lr =	simm.s32 $0x1  }
0x2: {  	[smem:$0x3F86] =	sst lr;
	_ =	strace $0xD0000000  }
0x3: {  	_ = 	snop  }
0x4: {  	_ = 	snop  }
0x5: {  	_ = 	snop  }
0x6: {  	_ = 	snop  }
0x7: {  	_ = 	snop  }
__scs_overlays_trampoline_lowered:
0x8: {  	[smem:$0x3F95] =	sst s0  }
0x9: {  	[smem:$0x3F96] =	sst s1  }
0xa: {  	[smem:$0x3F97] =	sst s2  }
0xb: {  	[smem:$0x3F98] =	sst s3  }
0xc: {  	[smem:$0x3F99] =	sst s4  }
0xd: {  	[smem:$0x3F9A] =	sst s5  }
0xe: {  	[smem:$0x3F9B] =	sst s6  }
0xf: {  	[smem:$0x3F9C] =	sst s7  }
0x10: {  	[smem:$0x3F9D] =	sst s8  }
0x11: {  	[smem:$0x3F9E] =	sst s9;
	s0 =	simm.s32 @!p0 $0x0  }
0x12: {  	s1 =	sld [smem:$0x3F84];
	s0 =	simm.s32 @p0 $0x1  }
0x13: {  	[smem:$0x3F9F] =	sst s0;
	s0 =	simm.s32 @!p1 $0x0  }
0x14: {  	s2 =	sld [smem:$0x3F83];
	s0 =	simm.s32 @p1 $0x1  }
0x15: {  	[smem:$0x3FA0] =	sst s0;
	s0 =	simm.s32 @!p2 $0x0  }
0x16: {  	s3 =	sld [smem:$0x3FDB];
	s0 =	simm.s32 @p2 $0x1  }
0x17: {  	s4 =	simm.s32 $0x1BF5;
	[smem:$0x3FA2] =	sst s0  }
0x18: {  	s0 =	sld [smem:$0x3F85];
	_ =	swait.ge [sflag:s4], $0x0  }
0x19: {  	s7 =	sld [smem:$0x3F86]  }
0x1a: {  	s8 =	sadd.s32 $0xFFFFE003, lr  }
0x1b: {  	s9 =	sadd.s32 $0xFFFFFEF7, lr;
	s5 =	simm.s32 $0xFFFFFFFF;
	p2 =	slt.u32 s8, $0xFFFFF086  }
0x1c: {  	p1 =	slt.u32 s9, $0xF7A;
	s5 =	simm.s32 @!p2 $0x0  }
0x1d: {  	s5 =	simm.s32 @p1 $0x1;
	p0 =	seq.s32 s7, s2  }
0x1e: {  	s7 =	smul.u32 @!p0 $0xF7A, s2;
	p2 =	seq.s32 @!p0 s5, $0x0  }
0x1f: {  	s9 =	smul.u32 $0xF7A, s1;
	s8 =	simm.s32 @!p0 $0x1BF5;
	p2 =	por !p2, p0  }
0x20: {  	[sflag:s8] =	ssyncset.s32 @!p0 $0xFFFFF086;
	s6 =	sadd.s32 @!p0 s3, s7;
	s7 =	simm.s32 @!p0 $0x108  }
0x21: {  	s3 =	sadd.s32 s3, s9;
	s6 =	sadd.s32 @!p0 $0x88, s6;
	s7 =	simm.s32 @p2 $0x1082  }
0x22: {  	[simem:s7], [sflag:s8] =	dma.local @!p0 [hbm:s6], $0xF7A  }
0x23: {  	s9 =	sor.u32 $0xD0000000, s2;
	s6 =	simm.s32 $0x108;
	_ =	swait.ge @!p0 [sflag:s8], $0x0  }
0x24: {  	s3 =	sadd.s32 $0x88, s3;
	s6 =	simm.s32 @!p1 $0x1082;
	[sflag:s4] =	ssyncset.s32 $0xFFFFF086  }
0x25: {  	[simem:s6], [sflag:s4] =	dma.local [hbm:s3], $0xF7A  }
0x26: {  	[smem:$0x3F86] =	sst s1;
	(tag) =	ssettag s2;
	_ =	strace s9  }
0x27: {  	s1 =	sld [smem:$0x3F96]  }
0x28: {  	s2 =	sld [smem:$0x3F97]  }
0x29: {  	s4 =	sld [smem:$0x3F99]  }
0x2a: {  	p0 =	seq.s32 s5, $0x0;
	s5 =	sld [smem:$0x3F9A]  }
0x2b: {  	s6 =	sld [smem:$0x3F9B]  }
0x2c: {  	s7 =	sld [smem:$0x3F9C]  }
0x2d: {  	s3 =	simm.s32 $0x108;
	s8 =	sld [smem:$0x3F9D]  }
0x2e: {  	s3 =	simm.s32 @!p0 $0x1082;
	s9 =	sld [smem:$0x3F9E]  }
0x2f: {  	lr =	sadd.s32 s0, s3;
	s0 =	sld [smem:$0x3F95]  }
0x30: {  	s3 =	sld [smem:$0x3F98]  }
0x31: {  	[smem:$0x3FA1] =	sst s10  }
0x32: {  	s10 =	sld [smem:$0x3F9F];
	_ =	sdelay $0x3  }
0x33: {  	p0 =	seq.s32 s10, $0x1;
	s10 =	sld [smem:$0x3FA1];
	_ =	sdelay $0x3  }
0x34: {  	[smem:$0x3FA1] =	sst s10  }
0x35: {  	s10 =	sld [smem:$0x3FA0];
	_ =	sdelay $0x3  }
0x36: {  	p1 =	seq.s32 s10, $0x1;
	s10 =	sld [smem:$0x3FA1];
	_ =	sdelay $0x3  }
0x37: {  	[smem:$0x3FA1] =	sst s10  }
0x38: {  	s10 =	sld [smem:$0x3FA2]  }
0x39: {  	_ = 	snop;
	(pc) =	sbr.ind lr, $3  }
0x3a: {  	_ = 	snop  }
0x3b: {  	_ = 	snop  }
0x3c: {  	p2 =	seq.s32 s10, $0x1;
	s10 =	sld [smem:$0x3FA1]  }
0x3d: {  	_ =	shalt  }
0x3e: {  	_ =	shalt  }
0x3f: {  	_ =	shalt  }
0x40: {  	_ =	shalt  }
0x41: {  	_ =	shalt  }
0x42: {  	_ =	shalt  }
0x43: {  	_ =	shalt  }
0x44: {  	_ =	shalt  }
0x45: {  	_ =	shalt  }
0x46: {  	_ =	shalt  }
0x47: {  	_ =	shalt  }
0x48: {  	_ =	shalt  }
0x49: {  	_ =	shalt  }
0x4a: {  	_ =	shalt  }
0x4b: {  	_ =	shalt  }
0x4c: {  	_ =	shalt  }
0x4d: {  	_ =	shalt  }
0x4e: {  	_ =	shalt  }
0x4f: {  	_ =	shalt  }
0x50: {  	_ =	shalt  }
0x51: {  	_ =	shalt  }
0x52: {  	_ =	shalt  }
0x53: {  	_ =	shalt  }
0x54: {  	_ =	shalt  }
0x55: {  	_ =	shalt  }
0x56: {  	_ =	shalt  }
0x57: {  	_ =	shalt  }
0x58: {  	_ =	shalt  }
0x59: {  	_ =	shalt  }
0x5a: {  	_ =	shalt  }
0x5b: {  	_ =	shalt  }
0x5c: {  	_ =	shalt  }
0x5d: {  	_ =	shalt  }
0x5e: {  	_ =	shalt  }
0x5f: {  	_ =	shalt  }
0x60: {  	_ =	shalt  }
0x61: {  	_ =	shalt  }
0x62: {  	_ =	shalt  }
0x63: {  	_ =	shalt  }
0x64: {  	_ =	shalt  }
0x65: {  	_ =	shalt  }
0x66: {  	_ =	shalt  }
0x67: {  	_ =	shalt  }
0x68: {  	_ =	shalt  }
0x69: {  	_ =	shalt  }
0x6a: {  	_ =	shalt  }
0x6b: {  	_ =	shalt  }
0x6c: {  	_ =	shalt  }
0x6d: {  	_ =	shalt  }
0x6e: {  	_ =	shalt  }
0x6f: {  	_ =	shalt  }
0x70: {  	_ =	shalt  }
0x71: {  	_ =	shalt  }
0x72: {  	_ =	shalt  }
0x73: {  	_ =	shalt  }
0x74: {  	_ =	shalt  }
0x75: {  	_ =	shalt  }
0x76: {  	_ =	shalt  }
0x77: {  	_ =	shalt  }
0x78: {  	_ =	shalt  }
0x79: {  	_ =	shalt  }
0x7a: {  	_ =	shalt  }
0x7b: {  	_ =	shalt  }
0x7c: {  	_ =	shalt  }
0x7d: {  	_ =	shalt  }
0x7e: {  	_ =	shalt  }
0x7f: {  	_ =	shalt  }
0x80: {  	_ =	shalt  }
0x81: {  	_ =	shalt  }
0x82: {  	_ =	shalt  }
0x83: {  	_ =	shalt  }
0x84: {  	_ =	shalt  }
0x85: {  	_ =	shalt  }
0x86: {  	_ =	shalt  }
0x87: {  	_ =	shalt  }
.Lfunc_end0:
.L_simem_size_0:
called_computation_lowered:
.L_overlay_start_0:
0x88: {  	s2 =	sld [smem:$0x3FD9]  }
0x89: {  	s3 =	sld [smem:$0x3FFE];
	_ =	sdelay $0x1  }
0x8a: {  	s1 =	srdreg.scid  }
0x8b: {  	s0 =	sand.u32 $0x1, s1  }
0x8c: {  	s17 =	sshll.u32 s0, $0xA;
	s2 =	sadd.s32 s3, s2  }
0x8d: {  	s2 =	sadd.s32 s2, s17  }
0x8e: {  	[smem:$0x3FAD] =	sst s2  }
0x8f: {  	_ = 	snop  }
0x90: {  	s2 =	sld [smem:$0x3FC9];
	(tm) =	ssettm $0x1  }
0x91: {  	s18 =	sld [smem:$0x3FFB];
	_ =	sdelay $0x3  }
0x92: {  	_ =	strace s18  }
0x93: {  	s3 =	sld [smem:$0x3FFC];
	_ =	sdelay $0x3  }
0x94: {  	_ =	strace s3  }
0x95: {  	s3 =	sld [smem:$0x3FFD];
	_ =	sdelay $0x3  }
0x96: {  	_ =	strace s3  }
0x97: {  	_ =	strace $0x8FFFFFFF  }
0x98: {  	s19 =	sld [smem:$0x3FDB];
	_ =	sdelay $0x1  }
0x99: {  	s4 =	simm.s32 $_scs_section_size  }
0x9a: {  	s5 =	simm.s32 $_size__tile_overlayer_lowered;
	s6 =	simm.s32 $_tile_overlayer_lowered  }
0x9b: {  	s22 =	simm.s32 $0x1BFF;
	s21 =	sshll.u32 s6, $0x1;
	s3 =	sadd.s32 s4, s19  }
0x9c: {  	s7 =	simm.s32 $0x0;
	s20 =	sshll.u32 s5, $0x1;
	s5 =	sadd.s32 s21, s3  }
0x9d: {  	[timem:s7], [sflag:s22] =	dma.local [hbm:s5], s20  }
0x9e: {  	_ =	swait.ge [sflag:s22], s20  }
0x9f: {  	s4 =	ssub.s32 $0x0, s20;
	[sflag:s22] =	ssyncset.done $0x0  }
0xa0: {  	[sflag:s22] =	ssyncadd.s32 s4;
	_ =	sdelay $0x1  }
0xa1: {  	s23 =	simm.s32 $0x1B8B  }
0xa2: {  	_ =	swait.ge [sflag:s23], $0x1  }
0xa3: {  	[sflag:s23] =	ssyncset.done $0x0  }
0xa4: {  	s25 =	simm.s32 $0x1B8E;
	s24 =	sld [smem:$0x3FFE];
	[sflag:s23] =	ssyncadd.s32 $0xFFFFFFFF  }
0xa5: {  	s26 =	simm.s32 $execute0_lowered;
	[smem:$0x3FD2] =	sst s25  }
0xa6: {  	s5 =	sshll.u32 s26, $0x1;
	_ =	strace $0x80000046;
	[dreg:$0x1] =	wrdreg $0xFFFFFFFF  }
0xa7: {  	s28 =	simm.s32 $_size_execute0_lowered;
	s3 =	sadd.s32 s3, s5;
	[dreg:$0x0] =	wrdreg $0x0  }
0xa8: {  	s5 =	sshll.u32 s28, $0x1;
	[dreg:$0x2] =	wrdreg s3  }
0xa9: {  	[dreg:$0x3] =	wrdreg s5  }
0xaa: {  	[dreg:$0x4] =	wrdreg $0xC0  }
0xab: {  	_ =	task [dreg:s7], $0x5FFFF  }
0xac: {  	[dreg:$0x1] =	wrdreg $0xFFFFFFFF  }
0xad: {  	[dreg:$0x0] =	wrdreg $0x60  }
0xae: {  	[dreg:$0x2] =	wrdreg s2  }
0xaf: {  	[dreg:$0x3] =	wrdreg s24  }
0xb0: {  	[dreg:$0x4] =	wrdreg $0x70000  }
0xb1: {  	[dreg:$0x5] =	wrdreg $0x9  }
0xb2: {  	_ =	task.clear_ibuf [dreg:s7], $0x6FFFF;
	_ =	strace $0x90000046  }
0xb3: {  	s29 =	simm.s32 $0x9;
	_ =	strace $0x80000048  }
0xb4: {  	_ =	swait.ge [sflag:s29], $0x1  }
0xb5: {  	[sflag:s29] =	ssyncadd.s32 $0xFFFFFFFF  }
0xb6: {  	_ =	strace $0x90000048  }
0xb7: {  	_ =	sfence  }
0xb8: {  	s30 =	sld [smem:$0x0];
	_ =	sdelay $0x2  }
0xb9: {  	s31 =	sshll.u32 s1, $0xD;
	s1 =	sshrl.u32 s1, $0x2  }
0xba: {  	s3 =	sand.u32 $0x4000, s31;
	s1 =	sadd.s32 s1, s30  }
0xbb: {  	s0 =	sor.u32 s3, s0;
	s1 =	sshll.u32 s1, $0x11  }
0xbc: {  	s0 =	sor.u32 s1, s0  }
0xbd: {  	s0 =	sadd.s32 $0x8F2B, s0  }
0xbe: {  	[sflag:s0] =	ssyncadd.remote.s32 $0x1  }
0xbf: {  	_ =	sfence.sel $0xFFFF  }
0xc0: {  	[dreg:$0x0] =	wrdreg $0xFFFFFFFF;
	(pc) =	sbr.abs _section_cstart, $3  }
0xc1: {  	[dreg:$0x1] =	wrdreg $0xFFFFFFFF  }
0xc2: {  	_ =	task.clear_ibuf [dreg:s7], $0x2FFFF;
	_ =	strace $0x9FFFFFFF  }
0xc3: {  	(tm) =	ssettm $0x7FFFFFFF  }
tec
execute0_lowered:
.L_overlay_start_1:
0x0: {  	(tag) =	ssettag $0x1  }
0x1: {  	s20 =	stileid.u32  }
0x2: {  	s9 =	smul.u32 $0xA000, s20  }
0x3: {  	s10 =	sor.u32 $0x10, s20;
	s7 =	smul.u32 $0x2800, s20  }
0x4: {  	s0 =	srdreg.scid;
	s11 =	sor.u32 $0x20, s20;
	s12 =	smul.u32 $0x2800, s10  }
0x5: {  	s1 =	rddreg [dreg:$0x0];
	s13 =	sor.u32 $0x30, s20;
	s14 =	smul.u32 $0x2800, s11  }
0x6: {  	s8 =	rddreg [dreg:$0x1];
	s16 =	sor.u32 $0x40, s20;
	s17 =	smul.u32 $0x2800, s13  }
0x7: {  	s3 =	rddreg [dreg:$0x2];
	s19 =	sor.u32 $0x60, s20;
	s18 =	smul.u32 $0x2800, s16  }
0x8: {  	s5 =	simm.s32 $0x0;
	s25 =	sor.u32 $0x70, s20;
	s24 =	smul.u32 $0x2800, s19  }
0x9: {  	s28 =	simm.s32 $0x50;
	s29 =	simm.s32 $0x1;
	s26 =	smul.u32 $0x2800, s25  }
0xa: {  	s30 =	simm.s32 $0x1C00;
	s31 =	simm.s32 $0x4;
	s10 =	smul.u32 $0xA000, s10  }
0xb: {  	s0 =	sand.u32 $0x1, s0;
	[smem:$0x7FF] =	sst s5;
	s11 =	smul.u32 $0xA000, s11  }
0xc: {  	s6 =	sadd.s32 $0x6000, s8;
	s2 =	sshll.u32 s0, $0x4;
	s13 =	smul.u32 $0xA000, s13  }
0xd: {  	_ =	strace $0x80000047;
	s16 =	smul.u32 $0xA000, s16;
	s2 =	sor.u32 s20, s2  }
0xe: {  	p0 =	sgt.u32 s25, $0x7C;
	s9 =	sshrl.u32 s9, $0x2;
	s4 =	smul.u32 $0x5000, s2  }
0xf: {  	s2 =	smul.u32 $0x138800, s0;
	s0 =	ssub.s32 $0x2, s0;
	s9 =	sadd.s32 s9, s3  }
0x10: {  	s10 =	sshrl.u32 s10, $0x2;
	s11 =	sshrl.u32 s11, $0x2;
	s15 =	sshrl.u32 s0, $0x1  }
0x11: {  	s10 =	sadd.s32 s10, s3;
	s11 =	sadd.s32 s11, s3;
	s0 =	ssub.s32 s0, s15  }
0x12: {  	s15 =	sor.u32 $0x50, s20;
	s21 =	sadd.s32 s2, s7;
	s22 =	sadd.s32 s2, s12  }
0x13: {  	s14 =	sadd.s32 s2, s14;
	s17 =	sadd.s32 s2, s17;
	s18 =	sadd.s32 s2, s18  }
0x14: {  	s7 =	sadd.s32 $0x1A000, s8;
	s23 =	smul.u32 $0x2800, s15;
	s0 =	smax.u32 s0, $0x1  }
0x15: {  	[dreg:$0x4] =	wrdreg s0;
	s0 =	sshrl.u32 s13, $0x2;
	s13 =	smul.u32 $0xA000, s15  }
0x16: {  	s8 =	sadd.s32 $0x2E000, s8;
	s14 =	sshrl.u32 s14, $0x3;
	s15 =	smul.u32 $0xA000, s19  }
0x17: {  	s19 =	sshrl.u32 s21, $0x3;
	s21 =	sshrl.u32 s22, $0x3;
	s14 =	sadd.s32 s8, s14  }
0x18: {  	s20 =	sadd.s32 s2, s23;
	s23 =	sadd.s32 s2, s24;
	s12 =	sadd.s32 s0, s3  }
0x19: {  	s0 =	sshrl.u32 s16, $0x2;
	s16 =	sadd.s32 s8, s19;
	[dreg:$0x7] =	wrdreg s14  }
0x1a: {  	s2 =	sadd.s32 s2, s26;
	s22 =	sadd.s32 s8, s21;
	[dreg:$0x5] =	wrdreg s16  }
0x1b: {  	s24 =	sshrl.u32 s17, $0x3;
	s26 =	sshrl.u32 s18, $0x3;
	[dreg:$0x6] =	wrdreg s22  }
0x1c: {  	s14 =	sadd.s32 s8, s24;
	s17 =	sadd.s32 s8, s26;
	s18 =	sshrl.u32 s20, $0x3  }
0x1d: {  	s19 =	sshrl.u32 s23, $0x3;
	s2 =	sshrl.u32 s2, $0x3;
	s20 =	smul.u32 $0xA000, s25  }
0x1e: {  	s21 =	sadd.s32 s0, s3;
	s23 =	sshrl.u32 s13, $0x2;
	[dreg:$0x8] =	wrdreg s14  }
0x1f: {  	s24 =	sshrl.u32 s15, $0x2;
	s25 =	simm.s32 $0x2000;
	[dreg:$0x9] =	wrdreg s17  }
0x20: {  	s14 =	sadd.s32 s8, s18;
	s2 =	sadd.s32 s8, s2;
	s22 =	sadd.s32 s23, s3  }
0x21: {  	s23 =	sadd.s32 s24, s3;
	[dreg:$0xa] =	wrdreg s14;
	s14 =	sadd.s32 s8, s19  }
0x22: {  	[dreg:$0xc] =	wrdreg s2;
	s26 =	sshrl.u32 s20, $0x2;
	s2 =	simm.s32 $0x0  }
0x23: {  	v0 =	vimm.f32 $0.0e+00;
	[dreg:$0xb] =	wrdreg s14;
	s24 =	sadd.s32 s26, s3;
	s26 =	simm.s32 $0x3  }
.LBB2_1:
0x24: {  	s0 =	sand.u32 $0xFE00, s5  }
0x25: {  	s8 =	sand.u32 $0x70, s5;
	s13 =	sshrl.u32 s0, $0x2  }
0x26: {  	s0 =	simm.s32 $0x40;
	s13 =	sor.u32 s8, s13;
	s8 =	simm.s32 $0x0  }
.LBB2_2:
0x27: {  	p1 =	sne.s32 s0, $0x9FC0  }
0x28: {  	[tilespmem:s13+$0x2000] =	vst v0;
	s8 =	sadd.s32 $0x10, s8;
	s13 =	smov.u32 s0;
	s0 =	sadd.s32 $0x40, s0  }
.Ltmp0:
0x29: {  	(pc) =	sbr.rel @p1 .LBB2_2-.Ltmp0, $4  }
0x2a: {  	_ = 	snop  }
0x2b: {  	s13 =	sand.u32 $0xFE00, s13  }
0x2c: {  	s14 =	sand.u32 $0x70, s8;
	s13 =	sshrl.u32 s13, $0x2  }
0x2d: {  	s13 =	sor.u32 s14, s13  }
0x2e: {  	[tilespmem:s13+$0x2000] =	vst v0  }
0x2f: {  	[spmem:s9] =	stream.linear.scatter [tilespmem:s25], [sflag:$0x3], $0x2800, $0x38;
	[tilespmem:$0x1A880] =	vst v63  }
0x30: {  	_ =	swait.ge [sflag:s26], $0x2800  }
0x31: {  	[sflag:s26] =	ssyncset.done $0x0  }
0x32: {  	[sflag:s26] =	ssyncadd.s32 $0xFFFFD800  }
0x33: {  	[spmem:s10] =	stream.linear.scatter [tilespmem:s25], [sflag:$0x3], $0x2800, $0x38;
	[tilespmem:$0x1A880] =	vst v63  }
0x34: {  	_ =	swait.ge [sflag:s26], $0x2800  }
0x35: {  	[sflag:s26] =	ssyncset.done $0x0  }
0x36: {  	[sflag:s26] =	ssyncadd.s32 $0xFFFFD800  }
0x37: {  	[spmem:s11] =	stream.linear.scatter [tilespmem:s25], [sflag:$0x3], $0x2800, $0x38;
	[tilespmem:$0x1A880] =	vst v63  }
0x38: {  	_ =	swait.ge [sflag:s26], $0x2800  }
0x39: {  	[sflag:s26] =	ssyncset.done $0x0  }
0x3a: {  	[sflag:s26] =	ssyncadd.s32 $0xFFFFD800  }
0x3b: {  	[spmem:s12] =	stream.linear.scatter [tilespmem:s25], [sflag:$0x3], $0x2800, $0x38;
	[tilespmem:$0x1A880] =	vst v63  }
0x3c: {  	_ =	swait.ge [sflag:s26], $0x2800  }
0x3d: {  	[sflag:s26] =	ssyncset.done $0x0  }
0x3e: {  	[sflag:s26] =	ssyncadd.s32 $0xFFFFD800  }
0x3f: {  	[spmem:s21] =	stream.linear.scatter [tilespmem:s25], [sflag:$0x3], $0x2800, $0x38;
	[tilespmem:$0x1A880] =	vst v63  }
0x40: {  	_ =	swait.ge [sflag:s26], $0x2800  }
0x41: {  	[sflag:s26] =	ssyncset.done $0x0  }
0x42: {  	[sflag:s26] =	ssyncadd.s32 $0xFFFFD800  }
0x43: {  	[spmem:s22] =	stream.linear.scatter [tilespmem:s25], [sflag:$0x3], $0x2800, $0x38;
	[tilespmem:$0x1A880] =	vst v63  }
0x44: {  	_ =	swait.ge [sflag:s26], $0x2800  }
0x45: {  	[sflag:s26] =	ssyncset.done $0x0  }
0x46: {  	[sflag:s26] =	ssyncadd.s32 $0xFFFFD800  }
0x47: {  	[spmem:s23] =	stream.linear.scatter [tilespmem:s25], [sflag:$0x3], $0x2800, $0x38;
	[tilespmem:$0x1A880] =	vst v63  }
0x48: {  	_ =	swait.ge [sflag:s26], $0x2800  }
0x49: {  	[sflag:s26] =	ssyncset.done $0x0  }
0x4a: {  	s0 =	simm.s32 @!p0 $0x2000;
	[sflag:s26] =	ssyncadd.s32 $0xFFFFD800  }
0x4b: {  	[spmem:s24] =	stream.linear.scatter @!p0 [tilespmem:s0], [sflag:$0x3], $0x2800, $0x38;
	[tilespmem:$0x1A880] =	vst v63  }
0x4c: {  	s0 =	simm.s32 @!p0 $0x3  }
0x4d: {  	_ =	swait.ge @!p0 [sflag:s0], $0x2800  }
0x4e: {  	[sflag:s0] =	ssyncset.done @!p0 $0x0  }
0x4f: {  	[sflag:s0] =	ssyncadd.s32 @!p0 $0xFFFFD800  }
0x50: {  	s8 =	simm.s32 $0x0;
	s0 =	simm.s32 $0x0;
	[bflag:$0x0] =	sbarrier.arrive $0xFFFF  }
.LBB2_4:
0x51: {  	s13 =	sshll.u32 s8, $0xC  }
0x52: {  	s13 =	sadd.s32 s4, s13  }
0x53: {  	s13 =	sshrl.u32 s13, $0x3  }
0x54: {  	s14 =	sadd.s32 s6, s13  }
0x55: {  	[tilespmem:s0], [sflag:$0x3] =	stream.linear.gather [hbm4b:s14+s0], $0xC80, $0x38;
	[tilespmem:$0x1A880] =	vst v63  }
0x56: {  	_ =	swait.ge [sflag:s26], $0xC80  }
0x57: {  	[sflag:s26] =	ssyncset.done $0x0  }
0x58: {  	s13 =	sadd.s32 s7, s13;
	s14 =	simm.s32 $0x1000;
	[sflag:s26] =	ssyncadd.s32 $0xFFFFF380  }
0x59: {  	[tilespmem:s14], [sflag:$0x3] =	stream.linear.gather [hbm4b:s13+s0], $0xC80, $0x38;
	[tilespmem:$0x1A880] =	vst v63  }
0x5a: {  	s19 =	sand.u32 $0x1, s0;
	_ =	swait.ge [sflag:s26], $0xC80  }
0x5b: {  	p1 =	seq.s32 s19, $0x1;
	[sflag:s26] =	ssyncset.done $0x0  }
0x5c: {  	s13 =	simm.s32 @p1 $0x2;
	[sflag:s26] =	ssyncadd.s32 $0xFFFFF380  }
0x5d: {  	[tilespmem:s25], [sflag:$0x1] =	stream.indirect.gather [hbm4b:s1+s28], $0x80, s0, s28, $0xb8;
	[tilespmem:$0x1A880] =	vst v63  }
0x5e: {  	_ =	swait.ge @p1 [sflag:s13], $0x2800  }
0x5f: {  	s16 =	simm.s32 $0x80;
	[sflag:s13] =	ssyncset.done @p1 $0x0  }
0x60: {  	s15 =	simm.s32 @p1 $0x2000;
	[sflag:s13] =	ssyncadd.s32 @p1 $0xFFFFD800;
	s13 =	simm.s32 @p1 $0x50  }
0x61: {  	[tilespmem:s15], [sflag:$0x1] =	stream.indirect.gather @p1 [hbm4b:s1+s13], $0x80, s16, s13, $0xb8;
	[tilespmem:$0x1A880] =	vst v63  }
0x62: {  	s17 =	simm.s32 @!p1 $0x1;
	s15 =	simm.s32 @p1 $0x4800  }
0x63: {  	[spmem:s3] =	stream.indirect.scatter.add.f32 @p1 [tilespmem:s15], [sflag:$0x3], $0x80, s14, s13, $0xb8;
	[tilespmem:$0x1A880] =	vst v63  }
0x64: {  	_ =	swait.ge @!p1 [sflag:s17], $0x2800  }
0x65: {  	s15 =	simm.s32 @!p1 $0x4;
	[sflag:s17] =	ssyncset.done @!p1 $0x0  }
0x66: {  	s13 =	simm.s32 @!p1 $0x50;
	[sflag:s17] =	ssyncadd.s32 @!p1 $0xFFFFD800;
	s17 =	simm.s32 @!p1 $0x4800  }
0x67: {  	[tilespmem:s17], [sflag:$0x2] =	stream.indirect.gather @!p1 [hbm4b:s1+s13], $0x80, s16, s13, $0xb8;
	[tilespmem:$0x1A880] =	vst v63  }
0x68: {  	s20 =	simm.s32 $0x1;
	s15 =	simm.s32 @p1 $0x3;
	s16 =	simm.s32 @!p1 $0x2000  }
0x69: {  	[spmem:s3] =	stream.indirect.scatter.add.f32 @!p1 [tilespmem:s16], [sflag:$0x4], $0x80, s14, s13, $0xb8;
	[tilespmem:$0x1A880] =	vst v63  }
0x6a: {  	s17 =	sand.u32 $0x1, s20;
	s16 =	simm.s32 $0x2;
	_ =	swait.ge [sflag:s15], $0x2800  }
0x6b: {  	s13 =	simm.s32 $0x100;
	s14 =	simm.s32 $0x1080;
	[sflag:s15] =	ssyncset.done $0x0  }
.LBB2_5:
0x6c: {  	p2 =	seq.s32 s17, $0x1  }
0x6d: {  	[sflag:s15] =	ssyncadd.s32 $0xFFFFD800;
	s17 =	smov.u32 s16;
	s16 =	sadd.s32 $0x1, s16  }
0x6e: {  	p1 =	sne.s32 s16, $0x18;
	s18 =	simm.s32 @p2 $0x2;
	s15 =	simm.s32 @!p2 $0x4  }
0x6f: {  	_ =	swait.ge @p2 [sflag:s18], $0x2800  }
0x70: {  	[sflag:s18] =	ssyncset.done @p2 $0x0  }
0x71: {  	s19 =	simm.s32 @p2 $0x2000;
	[sflag:s18] =	ssyncadd.s32 @p2 $0xFFFFD800;
	s18 =	simm.s32 @p2 $0x50  }
0x72: {  	[tilespmem:s19], [sflag:$0x1] =	stream.indirect.gather @p2 [hbm4b:s1+s18], $0x80, s13, s18, $0xb8;
	[tilespmem:$0x1A880] =	vst v63  }
0x73: {  	s20 =	simm.s32 @!p2 $0x1;
	s19 =	simm.s32 @p2 $0x4800  }
0x74: {  	[spmem:s3] =	stream.indirect.scatter.add.f32 @p2 [tilespmem:s19], [sflag:$0x3], $0x80, s14, s18, $0xb8;
	[tilespmem:$0x1A880] =	vst v63  }
0x75: {  	_ =	swait.ge @!p2 [sflag:s20], $0x2800  }
0x76: {  	[sflag:s20] =	ssyncset.done @!p2 $0x0  }
0x77: {  	s18 =	simm.s32 @!p2 $0x50;
	s19 =	simm.s32 @!p2 $0x4800;
	[sflag:s20] =	ssyncadd.s32 @!p2 $0xFFFFD800  }
0x78: {  	[tilespmem:s19], [sflag:$0x2] =	stream.indirect.gather @!p2 [hbm4b:s1+s18], $0x80, s13, s18, $0xb8;
	[tilespmem:$0x1A880] =	vst v63  }
.Ltmp1:
0x79: {  	_ = 	snop;
	(pc) =	sbr.rel @p1 .LBB2_5-.Ltmp1, $4  }
0x7a: {  	s15 =	simm.s32 @p2 $0x3;
	s19 =	simm.s32 @!p2 $0x2000  }
0x7b: {  	[spmem:s3] =	stream.indirect.scatter.add.f32 @!p2 [tilespmem:s19], [sflag:$0x4], $0x80, s14, s18, $0xb8;
	[tilespmem:$0x1A880] =	vst v63  }
0x7c: {  	s13 =	sadd.s32 $0x80, s13;
	_ =	swait.ge [sflag:s15], $0x2800  }
0x7d: {  	s17 =	sand.u32 $0x1, s17;
	s14 =	sadd.s32 $0x80, s14;
	[sflag:s15] =	ssyncset.done $0x0  }
0x7e: {  	p1 =	seq.s32 s17, $0x1  }
0x7f: {  	[sflag:s15] =	ssyncadd.s32 $0xFFFFD800;
	s15 =	simm.s32 @p1 $0x2  }
0x80: {  	_ =	swait.ge @p1 [sflag:s15], $0x2800  }
0x81: {  	[sflag:s15] =	ssyncset.done @p1 $0x0  }
0x82: {  	s16 =	simm.s32 @p1 $0x2000;
	[sflag:s15] =	ssyncadd.s32 @p1 $0xFFFFD800;
	s15 =	simm.s32 @p1 $0x50  }
0x83: {  	[tilespmem:s16], [sflag:$0x1] =	stream.indirect.gather @p1 [hbm4b:s1+s15], $0x80, s13, s15, $0xb8;
	[tilespmem:$0x1A880] =	vst v63  }
0x84: {  	s17 =	simm.s32 @!p1 $0x1;
	s16 =	simm.s32 @p1 $0x4800  }
0x85: {  	[spmem:s3] =	stream.indirect.scatter.add.f32 @p1 [tilespmem:s16], [sflag:$0x3], $0x80, s14, s15, $0xb8;
	[tilespmem:$0x1A880] =	vst v63  }
0x86: {  	_ =	swait.ge @!p1 [sflag:s17], $0x2800  }
0x87: {  	s15 =	simm.s32 @!p1 $0x4;
	[sflag:s17] =	ssyncset.done @!p1 $0x0  }
0x88: {  	s16 =	simm.s32 @!p1 $0x50;
	[sflag:s17] =	ssyncadd.s32 @!p1 $0xFFFFD800;
	s17 =	simm.s32 @!p1 $0x4800  }
0x89: {  	[tilespmem:s17], [sflag:$0x2] =	stream.indirect.gather @!p1 [hbm4b:s1+s16], $0x80, s13, s16, $0xb8;
	[tilespmem:$0x1A880] =	vst v63  }
0x8a: {  	s15 =	simm.s32 @p1 $0x3;
	s13 =	simm.s32 @!p1 $0x2000  }
0x8b: {  	[spmem:s3] =	stream.indirect.scatter.add.f32 @!p1 [tilespmem:s13], [sflag:$0x4], $0x80, s14, s16, $0xb8;
	[tilespmem:$0x1A880] =	vst v63  }
0x8c: {  	_ =	swait.ge [sflag:s15], $0x2800  }
0x8d: {  	[sflag:s15] =	ssyncset.done $0x0  }
0x8e: {  	[sflag:s15] =	ssyncadd.s32 $0xFFFFD800  }
0x8f: {  	s8 =	sadd.s32 $0x1, s8;
	_ =	swait.ge [sflag:s29], $0x2800  }
0x90: {  	p1 =	sne.s32 s8, $0x5;
	[sflag:s29] =	ssyncset.done $0x0  }
.Ltmp2:
0x91: {  	[sflag:s29] =	ssyncadd.s32 $0xFFFFD800;
	(pc) =	sbr.rel @p1 .LBB2_4-.Ltmp2, $4  }
0x92: {  	[spmem:s3] =	stream.indirect.scatter.add.f32 [tilespmem:s25], [sflag:$0x4], $0x80, s30, s28, $0xb8;
	[tilespmem:$0x1A880] =	vst v63  }
0x93: {  	_ =	swait.ge [sflag:s31], $0x2800  }
0x94: {  	[sflag:s31] =	ssyncset.done $0x0  }
0x95: {  	[sflag:s31] =	ssyncadd.s32 $0xFFFFD800  }
0x96: {  	[bflag:$0x0] =	sbarrier.arrive $0xFFFF  }
0x97: {  	[tilespmem:s25], [sflag:$0x4] =	stream.linear.gather [spmem:s9], $0x2800, $0x38;
	[tilespmem:$0x1A880] =	vst v63  }
0x98: {  	_ =	swait.ge [sflag:s31], $0x2800  }
0x99: {  	[sflag:s31] =	ssyncset.done $0x0  }
0x9a: {  	s0 =	rddreg [dreg:$0x5];
	[sflag:s31] =	ssyncadd.s32 $0xFFFFD800  }
0x9b: {  	[hbm4b:s0+s5] =	stream.linear.scatter [tilespmem:s25], [sflag:$0x3], $0x2800, $0x38;
	[tilespmem:$0x1A880] =	vst v63  }
0x9c: {  	_ =	swait.ge [sflag:s26], $0x2800  }
0x9d: {  	[sflag:s26] =	ssyncset.done $0x0  }
0x9e: {  	[sflag:s26] =	ssyncadd.s32 $0xFFFFD800  }
0x9f: {  	[tilespmem:s25], [sflag:$0x4] =	stream.linear.gather [spmem:s10], $0x2800, $0x38;
	[tilespmem:$0x1A880] =	vst v63  }
0xa0: {  	_ =	swait.ge [sflag:s31], $0x2800  }
0xa1: {  	[sflag:s31] =	ssyncset.done $0x0  }
0xa2: {  	s14 =	rddreg [dreg:$0x6];
	[sflag:s31] =	ssyncadd.s32 $0xFFFFD800  }
0xa3: {  	[hbm4b:s14+s5] =	stream.linear.scatter [tilespmem:s25], [sflag:$0x3], $0x2800, $0x38;
	[tilespmem:$0x1A880] =	vst v63  }
0xa4: {  	_ =	swait.ge [sflag:s26], $0x2800  }
0xa5: {  	[sflag:s26] =	ssyncset.done $0x0  }
0xa6: {  	[sflag:s26] =	ssyncadd.s32 $0xFFFFD800  }
0xa7: {  	[tilespmem:s25], [sflag:$0x4] =	stream.linear.gather [spmem:s11], $0x2800, $0x38;
	[tilespmem:$0x1A880] =	vst v63  }
0xa8: {  	_ =	swait.ge [sflag:s31], $0x2800  }
0xa9: {  	[sflag:s31] =	ssyncset.done $0x0  }
0xaa: {  	s15 =	rddreg [dreg:$0x7];
	[sflag:s31] =	ssyncadd.s32 $0xFFFFD800  }
0xab: {  	[hbm4b:s15+s5] =	stream.linear.scatter [tilespmem:s25], [sflag:$0x3], $0x2800, $0x38;
	[tilespmem:$0x1A880] =	vst v63  }
0xac: {  	_ =	swait.ge [sflag:s26], $0x2800  }
0xad: {  	[sflag:s26] =	ssyncset.done $0x0  }
0xae: {  	[sflag:s26] =	ssyncadd.s32 $0xFFFFD800  }
0xaf: {  	[tilespmem:s25], [sflag:$0x4] =	stream.linear.gather [spmem:s12], $0x2800, $0x38;
	[tilespmem:$0x1A880] =	vst v63  }
0xb0: {  	_ =	swait.ge [sflag:s31], $0x2800  }
0xb1: {  	[sflag:s31] =	ssyncset.done $0x0  }
0xb2: {  	s16 =	rddreg [dreg:$0x8];
	[sflag:s31] =	ssyncadd.s32 $0xFFFFD800  }
0xb3: {  	[hbm4b:s16+s5] =	stream.linear.scatter [tilespmem:s25], [sflag:$0x3], $0x2800, $0x38;
	[tilespmem:$0x1A880] =	vst v63  }
0xb4: {  	_ =	swait.ge [sflag:s26], $0x2800  }
0xb5: {  	[sflag:s26] =	ssyncset.done $0x0  }
0xb6: {  	[sflag:s26] =	ssyncadd.s32 $0xFFFFD800  }
0xb7: {  	[tilespmem:s25], [sflag:$0x4] =	stream.linear.gather [spmem:s21], $0x2800, $0x38;
	[tilespmem:$0x1A880] =	vst v63  }
0xb8: {  	_ =	swait.ge [sflag:s31], $0x2800  }
0xb9: {  	[sflag:s31] =	ssyncset.done $0x0  }
0xba: {  	s17 =	rddreg [dreg:$0x9];
	[sflag:s31] =	ssyncadd.s32 $0xFFFFD800  }
0xbb: {  	[hbm4b:s17+s5] =	stream.linear.scatter [tilespmem:s25], [sflag:$0x3], $0x2800, $0x38;
	[tilespmem:$0x1A880] =	vst v63  }
0xbc: {  	_ =	swait.ge [sflag:s26], $0x2800  }
0xbd: {  	[sflag:s26] =	ssyncset.done $0x0  }
0xbe: {  	[sflag:s26] =	ssyncadd.s32 $0xFFFFD800  }
0xbf: {  	[tilespmem:s25], [sflag:$0x4] =	stream.linear.gather [spmem:s22], $0x2800, $0x38;
	[tilespmem:$0x1A880] =	vst v63  }
0xc0: {  	_ =	swait.ge [sflag:s31], $0x2800  }
0xc1: {  	[sflag:s31] =	ssyncset.done $0x0  }
0xc2: {  	s18 =	rddreg [dreg:$0xa];
	[sflag:s31] =	ssyncadd.s32 $0xFFFFD800  }
0xc3: {  	[hbm4b:s18+s5] =	stream.linear.scatter [tilespmem:s25], [sflag:$0x3], $0x2800, $0x38;
	[tilespmem:$0x1A880] =	vst v63  }
0xc4: {  	_ =	swait.ge [sflag:s26], $0x2800  }
0xc5: {  	[sflag:s26] =	ssyncset.done $0x0  }
0xc6: {  	[sflag:s26] =	ssyncadd.s32 $0xFFFFD800  }
0xc7: {  	[tilespmem:s25], [sflag:$0x4] =	stream.linear.gather [spmem:s23], $0x2800, $0x38;
	[tilespmem:$0x1A880] =	vst v63  }
0xc8: {  	_ =	swait.ge [sflag:s31], $0x2800  }
0xc9: {  	[sflag:s31] =	ssyncset.done $0x0  }
0xca: {  	s19 =	rddreg [dreg:$0xb];
	[sflag:s31] =	ssyncadd.s32 $0xFFFFD800  }
0xcb: {  	[hbm4b:s19+s5] =	stream.linear.scatter [tilespmem:s25], [sflag:$0x3], $0x2800, $0x38;
	[tilespmem:$0x1A880] =	vst v63  }
0xcc: {  	_ =	swait.ge [sflag:s26], $0x2800  }
0xcd: {  	[sflag:s26] =	ssyncset.done $0x0  }
0xce: {  	s8 =	simm.s32 @!p0 $0x4;
	s0 =	simm.s32 @!p0 $0x2000;
	[sflag:s26] =	ssyncadd.s32 $0xFFFFD800  }
0xcf: {  	[tilespmem:s0], [sflag:$0x4] =	stream.linear.gather @!p0 [spmem:s24], $0x2800, $0x38;
	[tilespmem:$0x1A880] =	vst v63  }
0xd0: {  	_ =	swait.ge @!p0 [sflag:s8], $0x2800  }
0xd1: {  	[sflag:s8] =	ssyncset.done @!p0 $0x0  }
0xd2: {  	s13 =	rddreg [dreg:$0xc];
	[sflag:s8] =	ssyncadd.s32 @!p0 $0xFFFFD800;
	s8 =	simm.s32 @!p0 $0x0  }
0xd3: {  	[hbm4b:s13+s8] =	stream.linear.scatter @!p0 [tilespmem:s0], [sflag:$0x3], $0x2800, $0x38;
	[tilespmem:$0x1A880] =	vst v63  }
0xd4: {  	s0 =	simm.s32 @!p0 $0x3  }
0xd5: {  	_ =	swait.ge @!p0 [sflag:s0], $0x2800  }
0xd6: {  	s2 =	sadd.s32 $0x1, s2;
	s20 =	rddreg [dreg:$0x4]  }
0xd7: {  	p1 =	sne.s32 s2, s20  }
.Ltmp3:
0xd8: {  	_ = 	snop;
	(pc) =	sbr.rel @p1 .LBB2_1-.Ltmp3, $3  }
0xd9: {  	_ =	sdelay $0x1  }
0xda: {  	[sflag:s0] =	ssyncset.done @!p0 $0x0  }
0xdb: {  	[sflag:s0] =	ssyncadd.s32 @!p0 $0xFFFFD800  }
0xdc: {  	_ =	sfence.sel $0x180000  }
0xdd: {  	[bflag:$0x0] =	sbarrier.arrive $0xFFFF  }
0xde: {  	_ =	strace $0x90000047  }
0xdf: {  	s0 =	stileid.u32;
	[bflag:$0x2] =	sbarrier.arrive $0xFFFF  }
0xe0: {  	p0 =	sne.s32 s0, $0x0;
	s0 =	rddreg [dreg:$0x3]  }
0xe1: {  	s0 =	sadd.s32 @!p0 $0x100000, s0  }
0xe2: {  	[sflag:s0] =	ssyncadd.tile.s32 @!p0 $0x1;
	_ =	shalt  }
.Lfunc_end2:
_tile_overlayer_lowered:
.L_overlay_start_2:
0xe3: {  	(tag) =	ssettag $0x2  }
0xe4: {  	s0 =	rddreg [dreg:$0x0];
	s2 =	stileid.u32  }
0xe5: {  	s1 =	rddreg [dreg:$0x1];
	p0 =	sne.s32 s2, $0x0  }
0xe6: {  	s3 =	rddreg [dreg:$0x2];
	[bflag:$0x3] =	sbarrier.arrive $0xFFFF;
	s2 =	simm.s32 @!p0 $0x1C03  }
0xe7: {  	[timem:s3], [sflag:s2] =	dma.local @!p0 [hbm:s0], s1  }
0xe8: {  	s0 =	simm.s32 @!p0 $0x3  }
0xe9: {  	_ =	swait.ge @!p0 [sflag:s0], s1  }
0xea: {  	s1 =	ssub.s32 @!p0 $0x0, s1;
	[sflag:s0] =	ssyncset.done @!p0 $0x0  }
0xeb: {  	[sflag:s0] =	ssyncadd.s32 @!p0 s1  }
0xec: {  	[bflag:$0x3] =	sbarrier.arrive $0xFFFF  }
0xed: {  	_ =	shalt  }

// kernel: kernel.18.cloned.1.call-start
scs
__scs_entry_jumppad:
0x0: {  	(pc) =	sbr.rel $0x88, $3  }
0x1: {  	(tag) =	ssettag $0x0;
	lr =	simm.s32 $0x1  }
0x2: {  	[smem:$0x3F86] =	sst lr;
	_ =	strace $0xD0000000  }
0x3: {  	_ = 	snop  }
0x4: {  	_ = 	snop  }
0x5: {  	_ = 	snop  }
0x6: {  	_ = 	snop  }
0x7: {  	_ = 	snop  }
__scs_overlays_trampoline_lowered:
0x8: {  	[smem:$0x3F95] =	sst s0  }
0x9: {  	[smem:$0x3F96] =	sst s1  }
0xa: {  	[smem:$0x3F97] =	sst s2  }
0xb: {  	[smem:$0x3F98] =	sst s3  }
0xc: {  	[smem:$0x3F99] =	sst s4  }
0xd: {  	[smem:$0x3F9A] =	sst s5  }
0xe: {  	[smem:$0x3F9B] =	sst s6  }
0xf: {  	[smem:$0x3F9C] =	sst s7  }
0x10: {  	[smem:$0x3F9D] =	sst s8  }
0x11: {  	[smem:$0x3F9E] =	sst s9;
	s0 =	simm.s32 @!p0 $0x0  }
0x12: {  	s1 =	sld [smem:$0x3F84];
	s0 =	simm.s32 @p0 $0x1  }
0x13: {  	[smem:$0x3F9F] =	sst s0;
	s0 =	simm.s32 @!p1 $0x0  }
0x14: {  	s2 =	sld [smem:$0x3F83];
	s0 =	simm.s32 @p1 $0x1  }
0x15: {  	[smem:$0x3FA0] =	sst s0;
	s0 =	simm.s32 @!p2 $0x0  }
0x16: {  	s3 =	sld [smem:$0x3FDB];
	s0 =	simm.s32 @p2 $0x1  }
0x17: {  	s4 =	simm.s32 $0x1BF5;
	[smem:$0x3FA2] =	sst s0  }
0x18: {  	s0 =	sld [smem:$0x3F85];
	_ =	swait.ge [sflag:s4], $0x0  }
0x19: {  	s7 =	sld [smem:$0x3F86]  }
0x1a: {  	s8 =	sadd.s32 $0xFFFFE003, lr  }
0x1b: {  	s9 =	sadd.s32 $0xFFFFFEF7, lr;
	s5 =	simm.s32 $0xFFFFFFFF;
	p2 =	slt.u32 s8, $0xFFFFF086  }
0x1c: {  	p1 =	slt.u32 s9, $0xF7A;
	s5 =	simm.s32 @!p2 $0x0  }
0x1d: {  	s5 =	simm.s32 @p1 $0x1;
	p0 =	seq.s32 s7, s2  }
0x1e: {  	s7 =	smul.u32 @!p0 $0xF7A, s2;
	p2 =	seq.s32 @!p0 s5, $0x0  }
0x1f: {  	s9 =	smul.u32 $0xF7A, s1;
	s8 =	simm.s32 @!p0 $0x1BF5;
	p2 =	por !p2, p0  }
0x20: {  	[sflag:s8] =	ssyncset.s32 @!p0 $0xFFFFF086;
	s6 =	sadd.s32 @!p0 s3, s7;
	s7 =	simm.s32 @!p0 $0x108  }
0x21: {  	s3 =	sadd.s32 s3, s9;
	s6 =	sadd.s32 @!p0 $0x88, s6;
	s7 =	simm.s32 @p2 $0x1082  }
0x22: {  	[simem:s7], [sflag:s8] =	dma.local @!p0 [hbm:s6], $0xF7A  }
0x23: {  	s9 =	sor.u32 $0xD0000000, s2;
	s6 =	simm.s32 $0x108;
	_ =	swait.ge @!p0 [sflag:s8], $0x0  }
0x24: {  	s3 =	sadd.s32 $0x88, s3;
	s6 =	simm.s32 @!p1 $0x1082;
	[sflag:s4] =	ssyncset.s32 $0xFFFFF086  }
0x25: {  	[simem:s6], [sflag:s4] =	dma.local [hbm:s3], $0xF7A  }
0x26: {  	[smem:$0x3F86] =	sst s1;
	(tag) =	ssettag s2;
	_ =	strace s9  }
0x27: {  	s1 =	sld [smem:$0x3F96]  }
0x28: {  	s2 =	sld [smem:$0x3F97]  }
0x29: {  	s4 =	sld [smem:$0x3F99]  }
0x2a: {  	p0 =	seq.s32 s5, $0x0;
	s5 =	sld [smem:$0x3F9A]  }
0x2b: {  	s6 =	sld [smem:$0x3F9B]  }
0x2c: {  	s7 =	sld [smem:$0x3F9C]  }
0x2d: {  	s3 =	simm.s32 $0x108;
	s8 =	sld [smem:$0x3F9D]  }
0x2e: {  	s3 =	simm.s32 @!p0 $0x1082;
	s9 =	sld [smem:$0x3F9E]  }
0x2f: {  	lr =	sadd.s32 s0, s3;
	s0 =	sld [smem:$0x3F95]  }
0x30: {  	s3 =	sld [smem:$0x3F98]  }
0x31: {  	[smem:$0x3FA1] =	sst s10  }
0x32: {  	s10 =	sld [smem:$0x3F9F];
	_ =	sdelay $0x3  }
0x33: {  	p0 =	seq.s32 s10, $0x1;
	s10 =	sld [smem:$0x3FA1];
	_ =	sdelay $0x3  }
0x34: {  	[smem:$0x3FA1] =	sst s10  }
0x35: {  	s10 =	sld [smem:$0x3FA0];
	_ =	sdelay $0x3  }
0x36: {  	p1 =	seq.s32 s10, $0x1;
	s10 =	sld [smem:$0x3FA1];
	_ =	sdelay $0x3  }
0x37: {  	[smem:$0x3FA1] =	sst s10  }
0x38: {  	s10 =	sld [smem:$0x3FA2]  }
0x39: {  	_ = 	snop;
	(pc) =	sbr.ind lr, $3  }
0x3a: {  	_ = 	snop  }
0x3b: {  	_ = 	snop  }
0x3c: {  	p2 =	seq.s32 s10, $0x1;
	s10 =	sld [smem:$0x3FA1]  }
0x3d: {  	_ =	shalt  }
0x3e: {  	_ =	shalt  }
0x3f: {  	_ =	shalt  }
0x40: {  	_ =	shalt  }
0x41: {  	_ =	shalt  }
0x42: {  	_ =	shalt  }
0x43: {  	_ =	shalt  }
0x44: {  	_ =	shalt  }
0x45: {  	_ =	shalt  }
0x46: {  	_ =	shalt  }
0x47: {  	_ =	shalt  }
0x48: {  	_ =	shalt  }
0x49: {  	_ =	shalt  }
0x4a: {  	_ =	shalt  }
0x4b: {  	_ =	shalt  }
0x4c: {  	_ =	shalt  }
0x4d: {  	_ =	shalt  }
0x4e: {  	_ =	shalt  }
0x4f: {  	_ =	shalt  }
0x50: {  	_ =	shalt  }
0x51: {  	_ =	shalt  }
0x52: {  	_ =	shalt  }
0x53: {  	_ =	shalt  }
0x54: {  	_ =	shalt  }
0x55: {  	_ =	shalt  }
0x56: {  	_ =	shalt  }
0x57: {  	_ =	shalt  }
0x58: {  	_ =	shalt  }
0x59: {  	_ =	shalt  }
0x5a: {  	_ =	shalt  }
0x5b: {  	_ =	shalt  }
0x5c: {  	_ =	shalt  }
0x5d: {  	_ =	shalt  }
0x5e: {  	_ =	shalt  }
0x5f: {  	_ =	shalt  }
0x60: {  	_ =	shalt  }
0x61: {  	_ =	shalt  }
0x62: {  	_ =	shalt  }
0x63: {  	_ =	shalt  }
0x64: {  	_ =	shalt  }
0x65: {  	_ =	shalt  }
0x66: {  	_ =	shalt  }
0x67: {  	_ =	shalt  }
0x68: {  	_ =	shalt  }
0x69: {  	_ =	shalt  }
0x6a: {  	_ =	shalt  }
0x6b: {  	_ =	shalt  }
0x6c: {  	_ =	shalt  }
0x6d: {  	_ =	shalt  }
0x6e: {  	_ =	shalt  }
0x6f: {  	_ =	shalt  }
0x70: {  	_ =	shalt  }
0x71: {  	_ =	shalt  }
0x72: {  	_ =	shalt  }
0x73: {  	_ =	shalt  }
0x74: {  	_ =	shalt  }
0x75: {  	_ =	shalt  }
0x76: {  	_ =	shalt  }
0x77: {  	_ =	shalt  }
0x78: {  	_ =	shalt  }
0x79: {  	_ =	shalt  }
0x7a: {  	_ =	shalt  }
0x7b: {  	_ =	shalt  }
0x7c: {  	_ =	shalt  }
0x7d: {  	_ =	shalt  }
0x7e: {  	_ =	shalt  }
0x7f: {  	_ =	shalt  }
0x80: {  	_ =	shalt  }
0x81: {  	_ =	shalt  }
0x82: {  	_ =	shalt  }
0x83: {  	_ =	shalt  }
0x84: {  	_ =	shalt  }
0x85: {  	_ =	shalt  }
0x86: {  	_ =	shalt  }
0x87: {  	_ =	shalt  }
.Lfunc_end0:
.L_simem_size_0:
called_computation.1_lowered:
.L_overlay_start_0:
0x88: {  	s2 =	sld [smem:$0x3FD9]  }
0x89: {  	s3 =	sld [smem:$0x3FFE];
	_ =	sdelay $0x1  }
0x8a: {  	s1 =	srdreg.scid  }
0x8b: {  	s0 =	sand.u32 $0x1, s1  }
0x8c: {  	s16 =	sshll.u32 s0, $0xA;
	s2 =	sadd.s32 s3, s2  }
0x8d: {  	s2 =	sadd.s32 s2, s16  }
0x8e: {  	[smem:$0x3FAD] =	sst s2  }
0x8f: {  	_ = 	snop  }
0x90: {  	(tm) =	ssettm $0x1  }
0x91: {  	s17 =	sld [smem:$0x3FFB];
	_ =	sdelay $0x3  }
0x92: {  	_ =	strace s17  }
0x93: {  	s2 =	sld [smem:$0x3FFC];
	_ =	sdelay $0x3  }
0x94: {  	_ =	strace s2  }
0x95: {  	s2 =	sld [smem:$0x3FFD];
	_ =	sdelay $0x3  }
0x96: {  	_ =	strace s2  }
0x97: {  	_ =	strace $0x8FFFFFFF  }
0x98: {  	s18 =	sld [smem:$0x3FDB];
	_ =	sdelay $0x1  }
0x99: {  	s19 =	simm.s32 $_scs_section_size  }
0x9a: {  	s4 =	simm.s32 $_size__tile_overlayer_lowered;
	s5 =	simm.s32 $_tile_overlayer_lowered  }
0x9b: {  	s22 =	simm.s32 $0x1BFF;
	s21 =	sshll.u32 s5, $0x1;
	s2 =	sadd.s32 s19, s18  }
0x9c: {  	s6 =	simm.s32 $0x0;
	s20 =	sshll.u32 s4, $0x1;
	s4 =	sadd.s32 s21, s2  }
0x9d: {  	[timem:s6], [sflag:s22] =	dma.local [hbm:s4], s20  }
0x9e: {  	_ =	swait.ge [sflag:s22], s20  }
0x9f: {  	s3 =	ssub.s32 $0x0, s20;
	[sflag:s22] =	ssyncset.done $0x0  }
0xa0: {  	[sflag:s22] =	ssyncadd.s32 s3;
	_ =	sdelay $0x1  }
0xa1: {  	s23 =	simm.s32 $0x1B8B  }
0xa2: {  	_ =	swait.ge [sflag:s23], $0x1  }
0xa3: {  	[sflag:s23] =	ssyncset.done $0x0  }
0xa4: {  	s25 =	simm.s32 $0x1B8E;
	s24 =	sld [smem:$0x3FFE];
	[sflag:s23] =	ssyncadd.s32 $0xFFFFFFFF  }
0xa5: {  	s26 =	simm.s32 $execute0_lowered;
	[smem:$0x3FD2] =	sst s25  }
0xa6: {  	s4 =	sshll.u32 s26, $0x1;
	_ =	strace $0x80000049;
	[dreg:$0x1] =	wrdreg $0xFFFFFFFF  }
0xa7: {  	s28 =	simm.s32 $_size_execute0_lowered;
	s2 =	sadd.s32 s2, s4;
	[dreg:$0x0] =	wrdreg $0x0  }
0xa8: {  	s4 =	sshll.u32 s28, $0x1;
	[dreg:$0x2] =	wrdreg s2  }
0xa9: {  	[dreg:$0x3] =	wrdreg s4  }
0xaa: {  	[dreg:$0x4] =	wrdreg $0xC0  }
0xab: {  	_ =	task [dreg:s6], $0x5FFFF  }
0xac: {  	[dreg:$0x1] =	wrdreg $0xFFFFFFFF  }
0xad: {  	[dreg:$0x0] =	wrdreg $0x60  }
0xae: {  	[dreg:$0x2] =	wrdreg s24  }
0xaf: {  	[dreg:$0x3] =	wrdreg $0x70000  }
0xb0: {  	[dreg:$0x4] =	wrdreg $0x9  }
0xb1: {  	_ =	task.clear_ibuf [dreg:s6], $0x5FFFF;
	_ =	strace $0x90000049  }
0xb2: {  	s29 =	simm.s32 $0x9;
	_ =	strace $0x8000004B  }
0xb3: {  	_ =	swait.ge [sflag:s29], $0x1  }
0xb4: {  	[sflag:s29] =	ssyncadd.s32 $0xFFFFFFFF  }
0xb5: {  	_ =	strace $0x9000004B  }
0xb6: {  	_ =	sfence  }
0xb7: {  	s30 =	sld [smem:$0x0];
	_ =	sdelay $0x2  }
0xb8: {  	s31 =	sshll.u32 s1, $0xD;
	s1 =	sshrl.u32 s1, $0x2  }
0xb9: {  	s3 =	sand.u32 $0x4000, s31;
	s1 =	sadd.s32 s1, s30  }
0xba: {  	s0 =	sor.u32 s3, s0;
	s1 =	sshll.u32 s1, $0x11  }
0xbb: {  	s0 =	sor.u32 s1, s0  }
0xbc: {  	s0 =	sadd.s32 $0x8F2B, s0  }
0xbd: {  	[sflag:s0] =	ssyncadd.remote.s32 $0x1  }
0xbe: {  	_ =	sfence.sel $0xFFFF  }
0xbf: {  	[dreg:$0x0] =	wrdreg $0xFFFFFFFF;
	(pc) =	sbr.abs _section_cstart, $3  }
0xc0: {  	[dreg:$0x1] =	wrdreg $0xFFFFFFFF  }
0xc1: {  	_ =	task.clear_ibuf [dreg:s6], $0x2FFFF;
	_ =	strace $0x9FFFFFFF  }
0xc2: {  	(tm) =	ssettm $0x7FFFFFFF  }
0xc3: {  	_ =	shalt  }
tec
execute0_lowered:
.L_overlay_start_1:
0x0: {  	(tag) =	ssettag $0x1  }
0x1: {  	s0 =	srdreg.scid;
	s20 =	stileid.u32  }
0x2: {  	s1 =	rddreg [dreg:$0x0];
	s8 =	smul.u32 $0xA000, s20  }
0x3: {  	s2 =	rddreg [dreg:$0x1];
	s0 =	sand.u32 $0x1, s0;
	s10 =	smul.u32 $0x2800, s20  }
0x4: {  	s28 =	simm.s32 $0x50;
	s9 =	sor.u32 $0x10, s20;
	s7 =	smul.u32 $0x138800, s0  }
0x5: {  	s29 =	simm.s32 $0x1;
	s11 =	sor.u32 $0x20, s20;
	s12 =	smul.u32 $0x2800, s9  }
0x6: {  	s30 =	simm.s32 $0x1C00;
	s13 =	sor.u32 $0x30, s20;
	s14 =	smul.u32 $0x2800, s11  }
0x7: {  	s31 =	simm.s32 $0x4;
	s16 =	sor.u32 $0x40, s20;
	s17 =	smul.u32 $0x2800, s13  }
0x8: {  	s5 =	sadd.s32 $0x2E000, s1;
	s19 =	sor.u32 $0x60, s20;
	s18 =	smul.u32 $0x2800, s16  }
0x9: {  	s6 =	sadd.s32 $0x6000, s1;
	s25 =	sor.u32 $0x70, s20;
	s23 =	smul.u32 $0x2800, s19  }
0xa: {  	s3 =	sshll.u32 s0, $0x4;
	s0 =	ssub.s32 $0x2, s0;
	s24 =	smul.u32 $0x2800, s25  }
0xb: {  	s11 =	smul.u32 $0xA000, s11;
	p0 =	sgt.u32 s25, $0x7C;
	s4 =	sor.u32 s20, s3  }
0xc: {  	s3 =	simm.s32 $0x0;
	s15 =	sshrl.u32 s0, $0x1;
	s8 =	sshrl.u32 s8, $0x2  }
0xd: {  	s4 =	smul.u32 $0x5000, s4;
	[smem:$0x7FF] =	sst s3;
	s0 =	ssub.s32 s0, s15  }
0xe: {  	s15 =	sor.u32 $0x50, s20;
	s21 =	sadd.s32 s7, s10;
	s22 =	sadd.s32 s7, s12  }
0xf: {  	s14 =	sadd.s32 s7, s14;
	s17 =	sadd.s32 s7, s17;
	s18 =	sadd.s32 s7, s18  }
0x10: {  	s23 =	sadd.s32 s7, s23;
	s24 =	sadd.s32 s7, s24;
	s12 =	smul.u32 $0xA000, s13  }
0x11: {  	s11 =	sshrl.u32 s11, $0x2;
	_ =	strace $0x8000004A;
	s26 =	smul.u32 $0x2800, s15  }
0x12: {  	s0 =	smax.u32 s0, $0x1;
	s11 =	sadd.s32 s11, s2;
	s14 =	sshrl.u32 s14, $0x3  }
0x13: {  	[dreg:$0x3] =	wrdreg s0;
	s0 =	sshrl.u32 s12, $0x2;
	s20 =	sadd.s32 s7, s26  }
0x14: {  	s7 =	sadd.s32 $0x1A000, s1;
	s26 =	smul.u32 $0xA000, s9;
	s1 =	sadd.s32 $0x55200, s1  }
0x15: {  	s9 =	sadd.s32 s8, s2;
	s12 =	sadd.s32 s0, s2;
	s8 =	smul.u32 $0xA000, s15  }
0x16: {  	s14 =	sadd.s32 s1, s14;
	s13 =	sshrl.u32 s26, $0x2;
	s26 =	smul.u32 $0xA000, s16  }
0x17: {  	s16 =	sshrl.u32 s21, $0x3;
	[dreg:$0x6] =	wrdreg s14;
	s10 =	sadd.s32 s13, s2  }
0x18: {  	s13 =	smul.u32 $0xA000, s19;
	s19 =	sshrl.u32 s22, $0x3;
	s15 =	sadd.s32 s1, s16  }
0x19: {  	s22 =	sshrl.u32 s17, $0x3;
	s17 =	sshrl.u32 s20, $0x3;
	s20 =	smul.u32 $0xA000, s25  }
0x1a: {  	s25 =	simm.s32 $0x2000;
	s0 =	sshrl.u32 s26, $0x2;
	[dreg:$0x4] =	wrdreg s15  }
0x1b: {  	s21 =	sadd.s32 s1, s19;
	s26 =	sshrl.u32 s18, $0x3;
	s14 =	sadd.s32 s1, s22  }
0x1c: {  	s18 =	sshrl.u32 s23, $0x3;
	s19 =	sshrl.u32 s24, $0x3;
	[dreg:$0x5] =	wrdreg s21  }
0x1d: {  	s23 =	sshrl.u32 s8, $0x2;
	[dreg:$0x7] =	wrdreg s14;
	s16 =	sadd.s32 s1, s26  }
0x1e: {  	s14 =	sadd.s32 s1, s17;
	s21 =	sadd.s32 s0, s2;
	s24 =	sshrl.u32 s13, $0x2  }
0x1f: {  	s22 =	sadd.s32 s23, s2;
	s26 =	sshrl.u32 s20, $0x2;
	[dreg:$0x8] =	wrdreg s16  }
0x20: {  	[dreg:$0x9] =	wrdreg s14;
	s14 =	sadd.s32 s1, s18;
	s1 =	sadd.s32 s1, s19  }
0x21: {  	s23 =	sadd.s32 s24, s2;
	s24 =	sadd.s32 s26, s2;
	[dreg:$0xa] =	wrdreg s14  }
0x22: {  	v0 =	vimm.f32 $0.0e+00;
	s26 =	simm.s32 $0x3;
	[dreg:$0xb] =	wrdreg s1;
	s1 =	simm.s32 $0x0  }
.LBB2_1:
0x23: {  	s0 =	sand.u32 $0xFE00, s3  }
0x24: {  	s8 =	sand.u32 $0x70, s3;
	s13 =	sshrl.u32 s0, $0x2  }
0x25: {  	s0 =	simm.s32 $0x40;
	s13 =	sor.u32 s8, s13;
	s8 =	simm.s32 $0x0  }
.LBB2_2:
0x26: {  	p1 =	sne.s32 s0, $0x9FC0  }
0x27: {  	[tilespmem:s13+$0x2000] =	vst v0;
	s8 =	sadd.s32 $0x10, s8;
	s13 =	smov.u32 s0;
	s0 =	sadd.s32 $0x40, s0  }
.Ltmp0:
0x28: {  	(pc) =	sbr.rel @p1 .LBB2_2-.Ltmp0, $4  }
0x29: {  	_ = 	snop  }
0x2a: {  	s13 =	sand.u32 $0xFE00, s13  }
0x2b: {  	s14 =	sand.u32 $0x70, s8;
	s13 =	sshrl.u32 s13, $0x2  }
0x2c: {  	s13 =	sor.u32 s14, s13  }
0x2d: {  	[tilespmem:s13+$0x2000] =	vst v0  }
0x2e: {  	[spmem:s9] =	stream.linear.scatter [tilespmem:s25], [sflag:$0x3], $0x2800, $0x38;
	[tilespmem:$0x1A880] =	vst v63  }
0x2f: {  	_ =	swait.ge [sflag:s26], $0x2800  }
0x30: {  	[sflag:s26] =	ssyncset.done $0x0  }
0x31: {  	[sflag:s26] =	ssyncadd.s32 $0xFFFFD800  }
0x32: {  	[spmem:s10] =	stream.linear.scatter [tilespmem:s25], [sflag:$0x3], $0x2800, $0x38;
	[tilespmem:$0x1A880] =	vst v63  }
0x33: {  	_ =	swait.ge [sflag:s26], $0x2800  }
0x34: {  	[sflag:s26] =	ssyncset.done $0x0  }
0x35: {  	[sflag:s26] =	ssyncadd.s32 $0xFFFFD800  }
0x36: {  	[spmem:s11] =	stream.linear.scatter [tilespmem:s25], [sflag:$0x3], $0x2800, $0x38;
	[tilespmem:$0x1A880] =	vst v63  }
0x37: {  	_ =	swait.ge [sflag:s26], $0x2800  }
0x38: {  	[sflag:s26] =	ssyncset.done $0x0  }
0x39: {  	[sflag:s26] =	ssyncadd.s32 $0xFFFFD800  }
0x3a: {  	[spmem:s12] =	stream.linear.scatter [tilespmem:s25], [sflag:$0x3], $0x2800, $0x38;
	[tilespmem:$0x1A880] =	vst v63  }
0x3b: {  	_ =	swait.ge [sflag:s26], $0x2800  }
0x3c: {  	[sflag:s26] =	ssyncset.done $0x0  }
0x3d: {  	[sflag:s26] =	ssyncadd.s32 $0xFFFFD800  }
0x3e: {  	[spmem:s21] =	stream.linear.scatter [tilespmem:s25], [sflag:$0x3], $0x2800, $0x38;
	[tilespmem:$0x1A880] =	vst v63  }
0x3f: {  	_ =	swait.ge [sflag:s26], $0x2800  }
0x40: {  	[sflag:s26] =	ssyncset.done $0x0  }
0x41: {  	[sflag:s26] =	ssyncadd.s32 $0xFFFFD800  }
0x42: {  	[spmem:s22] =	stream.linear.scatter [tilespmem:s25], [sflag:$0x3], $0x2800, $0x38;
	[tilespmem:$0x1A880] =	vst v63  }
0x43: {  	_ =	swait.ge [sflag:s26], $0x2800  }
0x44: {  	[sflag:s26] =	ssyncset.done $0x0  }
0x45: {  	[sflag:s26] =	ssyncadd.s32 $0xFFFFD800  }
0x46: {  	[spmem:s23] =	stream.linear.scatter [tilespmem:s25], [sflag:$0x3], $0x2800, $0x38;
	[tilespmem:$0x1A880] =	vst v63  }
0x47: {  	_ =	swait.ge [sflag:s26], $0x2800  }
0x48: {  	[sflag:s26] =	ssyncset.done $0x0  }
0x49: {  	s0 =	simm.s32 @!p0 $0x2000;
	[sflag:s26] =	ssyncadd.s32 $0xFFFFD800  }
0x4a: {  	[spmem:s24] =	stream.linear.scatter @!p0 [tilespmem:s0], [sflag:$0x3], $0x2800, $0x38;
	[tilespmem:$0x1A880] =	vst v63  }
0x4b: {  	s0 =	simm.s32 @!p0 $0x3  }
0x4c: {  	_ =	swait.ge @!p0 [sflag:s0], $0x2800  }
0x4d: {  	[sflag:s0] =	ssyncset.done @!p0 $0x0  }
0x4e: {  	[sflag:s0] =	ssyncadd.s32 @!p0 $0xFFFFD800  }
0x4f: {  	s8 =	simm.s32 $0x0;
	s0 =	simm.s32 $0x0;
	[bflag:$0x0] =	sbarrier.arrive $0xFFFF  }
.LBB2_4:
0x50: {  	s13 =	sshll.u32 s8, $0xC  }
0x51: {  	s13 =	sadd.s32 s4, s13  }
0x52: {  	s13 =	sshrl.u32 s13, $0x3  }
0x53: {  	s14 =	sadd.s32 s6, s13  }
0x54: {  	[tilespmem:s0], [sflag:$0x3] =	stream.linear.gather [hbm4b:s14+s0], $0xC80, $0x38;
	[tilespmem:$0x1A880] =	vst v63  }
0x55: {  	_ =	swait.ge [sflag:s26], $0xC80  }
0x56: {  	[sflag:s26] =	ssyncset.done $0x0  }
0x57: {  	s13 =	sadd.s32 s7, s13;
	s14 =	simm.s32 $0x1000;
	[sflag:s26] =	ssyncadd.s32 $0xFFFFF380  }
0x58: {  	[tilespmem:s14], [sflag:$0x3] =	stream.linear.gather [hbm4b:s13+s0], $0xC80, $0x38;
	[tilespmem:$0x1A880] =	vst v63  }
0x59: {  	s19 =	sand.u32 $0x1, s0;
	_ =	swait.ge [sflag:s26], $0xC80  }
0x5a: {  	p1 =	seq.s32 s19, $0x1;
	[sflag:s26] =	ssyncset.done $0x0  }
0x5b: {  	s13 =	simm.s32 @p1 $0x2;
	[sflag:s26] =	ssyncadd.s32 $0xFFFFF380  }
0x5c: {  	[tilespmem:s25], [sflag:$0x1] =	stream.indirect.gather [hbm4b:s5+s28], $0x80, s0, s28, $0xb8;
	[tilespmem:$0x1A880] =	vst v63  }
0x5d: {  	_ =	swait.ge @p1 [sflag:s13], $0x2800  }
0x5e: {  	s16 =	simm.s32 $0x80;
	[sflag:s13] =	ssyncset.done @p1 $0x0  }
0x5f: {  	s15 =	simm.s32 @p1 $0x2000;
	[sflag:s13] =	ssyncadd.s32 @p1 $0xFFFFD800;
	s13 =	simm.s32 @p1 $0x50  }
0x60: {  	[tilespmem:s15], [sflag:$0x1] =	stream.indirect.gather @p1 [hbm4b:s5+s13], $0x80, s16, s13, $0xb8;
	[tilespmem:$0x1A880] =	vst v63  }
0x61: {  	s17 =	simm.s32 @!p1 $0x1;
	s15 =	simm.s32 @p1 $0x4800  }
0x62: {  	[spmem:s2] =	stream.indirect.scatter.add.f32 @p1 [tilespmem:s15], [sflag:$0x3], $0x80, s14, s13, $0xb8;
	[tilespmem:$0x1A880] =	vst v63  }
0x63: {  	_ =	swait.ge @!p1 [sflag:s17], $0x2800  }
0x64: {  	s15 =	simm.s32 @!p1 $0x4;
	[sflag:s17] =	ssyncset.done @!p1 $0x0  }
0x65: {  	s13 =	simm.s32 @!p1 $0x50;
	[sflag:s17] =	ssyncadd.s32 @!p1 $0xFFFFD800;
	s17 =	simm.s32 @!p1 $0x4800  }
0x66: {  	[tilespmem:s17], [sflag:$0x2] =	stream.indirect.gather @!p1 [hbm4b:s5+s13], $0x80, s16, s13, $0xb8;
	[tilespmem:$0x1A880] =	vst v63  }
0x67: {  	s20 =	simm.s32 $0x1;
	s15 =	simm.s32 @p1 $0x3;
	s16 =	simm.s32 @!p1 $0x2000  }
0x68: {  	[spmem:s2] =	stream.indirect.scatter.add.f32 @!p1 [tilespmem:s16], [sflag:$0x4], $0x80, s14, s13, $0xb8;
	[tilespmem:$0x1A880] =	vst v63  }
0x69: {  	s17 =	sand.u32 $0x1, s20;
	s16 =	simm.s32 $0x2;
	_ =	swait.ge [sflag:s15], $0x2800  }
0x6a: {  	s13 =	simm.s32 $0x100;
	s14 =	simm.s32 $0x1080;
	[sflag:s15] =	ssyncset.done $0x0  }
.LBB2_5:
0x6b: {  	p2 =	seq.s32 s17, $0x1  }
0x6c: {  	[sflag:s15] =	ssyncadd.s32 $0xFFFFD800;
	s17 =	smov.u32 s16;
	s16 =	sadd.s32 $0x1, s16  }
0x6d: {  	p1 =	sne.s32 s16, $0x18;
	s18 =	simm.s32 @p2 $0x2;
	s15 =	simm.s32 @!p2 $0x4  }
0x6e: {  	_ =	swait.ge @p2 [sflag:s18], $0x2800  }
0x6f: {  	[sflag:s18] =	ssyncset.done @p2 $0x0  }
0x70: {  	s19 =	simm.s32 @p2 $0x2000;
	[sflag:s18] =	ssyncadd.s32 @p2 $0xFFFFD800;
	s18 =	simm.s32 @p2 $0x50  }
0x71: {  	[tilespmem:s19], [sflag:$0x1] =	stream.indirect.gather @p2 [hbm4b:s5+s18], $0x80, s13, s18, $0xb8;
	[tilespmem:$0x1A880] =	vst v63  }
0x72: {  	s20 =	simm.s32 @!p2 $0x1;
	s19 =	simm.s32 @p2 $0x4800  }
0x73: {  	[spmem:s2] =	stream.indirect.scatter.add.f32 @p2 [tilespmem:s19], [sflag:$0x3], $0x80, s14, s18, $0xb8;
	[tilespmem:$0x1A880] =	vst v63  }
0x74: {  	_ =	swait.ge @!p2 [sflag:s20], $0x2800  }
0x75: {  	[sflag:s20] =	ssyncset.done @!p2 $0x0  }
0x76: {  	s18 =	simm.s32 @!p2 $0x50;
	s19 =	simm.s32 @!p2 $0x4800;
	[sflag:s20] =	ssyncadd.s32 @!p2 $0xFFFFD800  }
0x77: {  	[tilespmem:s19], [sflag:$0x2] =	stream.indirect.gather @!p2 [hbm4b:s5+s18], $0x80, s13, s18, $0xb8;
	[tilespmem:$0x1A880] =	vst v63  }
.Ltmp1:
0x78: {  	_ = 	snop;
	(pc) =	sbr.rel @p1 .LBB2_5-.Ltmp1, $4  }
0x79: {  	s15 =	simm.s32 @p2 $0x3;
	s19 =	simm.s32 @!p2 $0x2000  }
0x7a: {  	[spmem:s2] =	stream.indirect.scatter.add.f32 @!p2 [tilespmem:s19], [sflag:$0x4], $0x80, s14, s18, $0xb8;
	[tilespmem:$0x1A880] =	vst v63  }
0x7b: {  	s13 =	sadd.s32 $0x80, s13;
	_ =	swait.ge [sflag:s15], $0x2800  }
0x7c: {  	s17 =	sand.u32 $0x1, s17;
	s14 =	sadd.s32 $0x80, s14;
	[sflag:s15] =	ssyncset.done $0x0  }
0x7d: {  	p1 =	seq.s32 s17, $0x1  }
0x7e: {  	[sflag:s15] =	ssyncadd.s32 $0xFFFFD800;
	s15 =	simm.s32 @p1 $0x2  }
0x7f: {  	_ =	swait.ge @p1 [sflag:s15], $0x2800  }
0x80: {  	[sflag:s15] =	ssyncset.done @p1 $0x0  }
0x81: {  	s16 =	simm.s32 @p1 $0x2000;
	[sflag:s15] =	ssyncadd.s32 @p1 $0xFFFFD800;
	s15 =	simm.s32 @p1 $0x50  }
0x82: {  	[tilespmem:s16], [sflag:$0x1] =	stream.indirect.gather @p1 [hbm4b:s5+s15], $0x80, s13, s15, $0xb8;
	[tilespmem:$0x1A880] =	vst v63  }
0x83: {  	s17 =	simm.s32 @!p1 $0x1;
	s16 =	simm.s32 @p1 $0x4800  }
0x84: {  	[spmem:s2] =	stream.indirect.scatter.add.f32 @p1 [tilespmem:s16], [sflag:$0x3], $0x80, s14, s15, $0xb8;
	[tilespmem:$0x1A880] =	vst v63  }
0x85: {  	_ =	swait.ge @!p1 [sflag:s17], $0x2800  }
0x86: {  	s15 =	simm.s32 @!p1 $0x4;
	[sflag:s17] =	ssyncset.done @!p1 $0x0  }
0x87: {  	s16 =	simm.s32 @!p1 $0x50;
	[sflag:s17] =	ssyncadd.s32 @!p1 $0xFFFFD800;
	s17 =	simm.s32 @!p1 $0x4800  }
0x88: {  	[tilespmem:s17], [sflag:$0x2] =	stream.indirect.gather @!p1 [hbm4b:s5+s16], $0x80, s13, s16, $0xb8;
	[tilespmem:$0x1A880] =	vst v63  }
0x89: {  	s15 =	simm.s32 @p1 $0x3;
	s13 =	simm.s32 @!p1 $0x2000  }
0x8a: {  	[spmem:s2] =	stream.indirect.scatter.add.f32 @!p1 [tilespmem:s13], [sflag:$0x4], $0x80, s14, s16, $0xb8;
	[tilespmem:$0x1A880] =	vst v63  }
0x8b: {  	_ =	swait.ge [sflag:s15], $0x2800  }
0x8c: {  	[sflag:s15] =	ssyncset.done $0x0  }
0x8d: {  	[sflag:s15] =	ssyncadd.s32 $0xFFFFD800  }
0x8e: {  	s8 =	sadd.s32 $0x1, s8;
	_ =	swait.ge [sflag:s29], $0x2800  }
0x8f: {  	p1 =	sne.s32 s8, $0x5;
	[sflag:s29] =	ssyncset.done $0x0  }
.Ltmp2:
0x90: {  	[sflag:s29] =	ssyncadd.s32 $0xFFFFD800;
	(pc) =	sbr.rel @p1 .LBB2_4-.Ltmp2, $4  }
0x91: {  	[spmem:s2] =	stream.indirect.scatter.add.f32 [tilespmem:s25], [sflag:$0x4], $0x80, s30, s28, $0xb8;
	[tilespmem:$0x1A880] =	vst v63  }
0x92: {  	_ =	swait.ge [sflag:s31], $0x2800  }
0x93: {  	[sflag:s31] =	ssyncset.done $0x0  }
0x94: {  	[sflag:s31] =	ssyncadd.s32 $0xFFFFD800  }
0x95: {  	[bflag:$0x0] =	sbarrier.arrive $0xFFFF  }
0x96: {  	[tilespmem:s25], [sflag:$0x4] =	stream.linear.gather [spmem:s9], $0x2800, $0x38;
	[tilespmem:$0x1A880] =	vst v63  }
0x97: {  	_ =	swait.ge [sflag:s31], $0x2800  }
0x98: {  	[sflag:s31] =	ssyncset.done $0x0  }
0x99: {  	s0 =	rddreg [dreg:$0x4];
	[sflag:s31] =	ssyncadd.s32 $0xFFFFD800  }
0x9a: {  	[hbm4b:s0+s3] =	stream.linear.scatter [tilespmem:s25], [sflag:$0x3], $0x2800, $0x38;
	[tilespmem:$0x1A880] =	vst v63  }
0x9b: {  	_ =	swait.ge [sflag:s26], $0x2800  }
0x9c: {  	[sflag:s26] =	ssyncset.done $0x0  }
0x9d: {  	[sflag:s26] =	ssyncadd.s32 $0xFFFFD800  }
0x9e: {  	[tilespmem:s25], [sflag:$0x4] =	stream.linear.gather [spmem:s10], $0x2800, $0x38;
	[tilespmem:$0x1A880] =	vst v63  }
0x9f: {  	_ =	swait.ge [sflag:s31], $0x2800  }
0xa0: {  	[sflag:s31] =	ssyncset.done $0x0  }
0xa1: {  	s14 =	rddreg [dreg:$0x5];
	[sflag:s31] =	ssyncadd.s32 $0xFFFFD800  }
0xa2: {  	[hbm4b:s14+s3] =	stream.linear.scatter [tilespmem:s25], [sflag:$0x3], $0x2800, $0x38;
	[tilespmem:$0x1A880] =	vst v63  }
0xa3: {  	_ =	swait.ge [sflag:s26], $0x2800  }
0xa4: {  	[sflag:s26] =	ssyncset.done $0x0  }
0xa5: {  	[sflag:s26] =	ssyncadd.s32 $0xFFFFD800  }
0xa6: {  	[tilespmem:s25], [sflag:$0x4] =	stream.linear.gather [spmem:s11], $0x2800, $0x38;
	[tilespmem:$0x1A880] =	vst v63  }
0xa7: {  	_ =	swait.ge [sflag:s31], $0x2800  }
0xa8: {  	[sflag:s31] =	ssyncset.done $0x0  }
0xa9: {  	s15 =	rddreg [dreg:$0x6];
	[sflag:s31] =	ssyncadd.s32 $0xFFFFD800  }
0xaa: {  	[hbm4b:s15+s3] =	stream.linear.scatter [tilespmem:s25], [sflag:$0x3], $0x2800, $0x38;
	[tilespmem:$0x1A880] =	vst v63  }
0xab: {  	_ =	swait.ge [sflag:s26], $0x2800  }
0xac: {  	[sflag:s26] =	ssyncset.done $0x0  }
0xad: {  	[sflag:s26] =	ssyncadd.s32 $0xFFFFD800  }
0xae: {  	[tilespmem:s25], [sflag:$0x4] =	stream.linear.gather [spmem:s12], $0x2800, $0x38;
	[tilespmem:$0x1A880] =	vst v63  }
0xaf: {  	_ =	swait.ge [sflag:s31], $0x2800  }
0xb0: {  	[sflag:s31] =	ssyncset.done $0x0  }
0xb1: {  	s16 =	rddreg [dreg:$0x7];
	[sflag:s31] =	ssyncadd.s32 $0xFFFFD800  }
0xb2: {  	[hbm4b:s16+s3] =	stream.linear.scatter [tilespmem:s25], [sflag:$0x3], $0x2800, $0x38;
	[tilespmem:$0x1A880] =	vst v63  }
0xb3: {  	_ =	swait.ge [sflag:s26], $0x2800  }
0xb4: {  	[sflag:s26] =	ssyncset.done $0x0  }
0xb5: {  	[sflag:s26] =	ssyncadd.s32 $0xFFFFD800  }
0xb6: {  	[tilespmem:s25], [sflag:$0x4] =	stream.linear.gather [spmem:s21], $0x2800, $0x38;
	[tilespmem:$0x1A880] =	vst v63  }
0xb7: {  	_ =	swait.ge [sflag:s31], $0x2800  }
0xb8: {  	[sflag:s31] =	ssyncset.done $0x0  }
0xb9: {  	s17 =	rddreg [dreg:$0x8];
	[sflag:s31] =	ssyncadd.s32 $0xFFFFD800  }
0xba: {  	[hbm4b:s17+s3] =	stream.linear.scatter [tilespmem:s25], [sflag:$0x3], $0x2800, $0x38;
	[tilespmem:$0x1A880] =	vst v63  }
0xbb: {  	_ =	swait.ge [sflag:s26], $0x2800  }
0xbc: {  	[sflag:s26] =	ssyncset.done $0x0  }
0xbd: {  	[sflag:s26] =	ssyncadd.s32 $0xFFFFD800  }
0xbe: {  	[tilespmem:s25], [sflag:$0x4] =	stream.linear.gather [spmem:s22], $0x2800, $0x38;
	[tilespmem:$0x1A880] =	vst v63  }
0xbf: {  	_ =	swait.ge [sflag:s31], $0x2800  }
0xc0: {  	[sflag:s31] =	ssyncset.done $0x0  }
0xc1: {  	s18 =	rddreg [dreg:$0x9];
	[sflag:s31] =	ssyncadd.s32 $0xFFFFD800  }
0xc2: {  	[hbm4b:s18+s3] =	stream.linear.scatter [tilespmem:s25], [sflag:$0x3], $0x2800, $0x38;
	[tilespmem:$0x1A880] =	vst v63  }
0xc3: {  	_ =	swait.ge [sflag:s26], $0x2800  }
0xc4: {  	[sflag:s26] =	ssyncset.done $0x0  }
0xc5: {  	[sflag:s26] =	ssyncadd.s32 $0xFFFFD800  }
0xc6: {  	[tilespmem:s25], [sflag:$0x4] =	stream.linear.gather [spmem:s23], $0x2800, $0x38;
	[tilespmem:$0x1A880] =	vst v63  }
0xc7: {  	_ =	swait.ge [sflag:s31], $0x2800  }
0xc8: {  	[sflag:s31] =	ssyncset.done $0x0  }
0xc9: {  	s19 =	rddreg [dreg:$0xa];
	[sflag:s31] =	ssyncadd.s32 $0xFFFFD800  }
0xca: {  	[hbm4b:s19+s3] =	stream.linear.scatter [tilespmem:s25], [sflag:$0x3], $0x2800, $0x38;
	[tilespmem:$0x1A880] =	vst v63  }
0xcb: {  	_ =	swait.ge [sflag:s26], $0x2800  }
0xcc: {  	[sflag:s26] =	ssyncset.done $0x0  }
0xcd: {  	s8 =	simm.s32 @!p0 $0x4;
	s0 =	simm.s32 @!p0 $0x2000;
	[sflag:s26] =	ssyncadd.s32 $0xFFFFD800  }
0xce: {  	[tilespmem:s0], [sflag:$0x4] =	stream.linear.gather @!p0 [spmem:s24], $0x2800, $0x38;
	[tilespmem:$0x1A880] =	vst v63  }
0xcf: {  	_ =	swait.ge @!p0 [sflag:s8], $0x2800  }
0xd0: {  	[sflag:s8] =	ssyncset.done @!p0 $0x0  }
0xd1: {  	s13 =	rddreg [dreg:$0xb];
	[sflag:s8] =	ssyncadd.s32 @!p0 $0xFFFFD800;
	s8 =	simm.s32 @!p0 $0x0  }
0xd2: {  	[hbm4b:s13+s8] =	stream.linear.scatter @!p0 [tilespmem:s0], [sflag:$0x3], $0x2800, $0x38;
	[tilespmem:$0x1A880] =	vst v63  }
0xd3: {  	s0 =	simm.s32 @!p0 $0x3  }
0xd4: {  	_ =	swait.ge @!p0 [sflag:s0], $0x2800  }
0xd5: {  	s1 =	sadd.s32 $0x1, s1;
	s20 =	rddreg [dreg:$0x3]  }
0xd6: {  	p1 =	sne.s32 s1, s20  }
.Ltmp3:
0xd7: {  	_ = 	snop;
	(pc) =	sbr.rel @p1 .LBB2_1-.Ltmp3, $3  }
0xd8: {  	_ =	sdelay $0x1  }
0xd9: {  	[sflag:s0] =	ssyncset.done @!p0 $0x0  }
0xda: {  	[sflag:s0] =	ssyncadd.s32 @!p0 $0xFFFFD800  }
0xdb: {  	_ =	sfence.sel $0x180000  }
0xdc: {  	[bflag:$0x0] =	sbarrier.arrive $0xFFFF  }
0xdd: {  	_ =	strace $0x9000004A  }
0xde: {  	s0 =	stileid.u32;
	[bflag:$0x2] =	sbarrier.arrive $0xFFFF  }
0xdf: {  	p0 =	sne.s32 s0, $0x0;
	s0 =	rddreg [dreg:$0x2]  }
0xe0: {  	s0 =	sadd.s32 @!p0 $0x100000, s0  }
0xe1: {  	[sflag:s0] =	ssyncadd.tile.s32 @!p0 $0x1;
	_ =	shalt  }
.Lfunc_end2:
_tile_overlayer_lowered:
.L_overlay_start_2:
0xe2: {  	(tag) =	ssettag $0x2  }
0xe3: {  	s0 =	rddreg [dreg:$0x0];
	s2 =	stileid.u32  }
0xe4: {  	s1 =	rddreg [dreg:$0x1];
	p0 =	sne.s32 s2, $0x0  }
0xe5: {  	s3 =	rddreg [dreg:$0x2];
	[bflag:$0x3] =	sbarrier.arrive $0xFFFF;
	s2 =	simm.s32 @!p0 $0x1C03  }
0xe6: {  	[timem:s3], [sflag:s2] =	dma.local @!p0 [hbm:s0], s1  }
0xe7: {  	s0 =	simm.s32 @!p0 $0x3  }
0xe8: {  	_ =	swait.ge @!p0 [sflag:s0], s1  }
0xe9: {  	s1 =	ssub.s32 @!p0 $0x0, s1;
	[sflag:s0] =	ssyncset.done @!p0 $0x0  }
0xea: {  	[sflag:s0] =	ssyncadd.s32 @!p0 s1  }
0xeb: {  	[bflag:$0x3] =	sbarrier.arrive $0xFFFF  }
0xec: {  	_ =	shalt  }

// kernel: kernel.21.cloned.1.call-start
scs
__scs_entry_jumppad:
0x0: {  	(pc) =	sbr.rel $0x88, $3  }
0x1: {  	(tag) =	ssettag $0x0;
	lr =	simm.s32 $0x1  }
0x2: {  	[smem:$0x3F86] =	sst lr;
	_ =	strace $0xD0000000  }
0x3: {  	_ = 	snop  }
0x4: {  	_ = 	snop  }
0x5: {  	_ = 	snop  }
0x6: {  	_ = 	snop  }
0x7: {  	_ = 	snop  }
__scs_overlays_trampoline_lowered:
0x8: {  	[smem:$0x3F95] =	sst s0  }
0x9: {  	[smem:$0x3F96] =	sst s1  }
0xa: {  	[smem:$0x3F97] =	sst s2  }
0xb: {  	[smem:$0x3F98] =	sst s3  }
0xc: {  	[smem:$0x3F99] =	sst s4  }
0xd: {  	[smem:$0x3F9A] =	sst s5  }
0xe: {  	[smem:$0x3F9B] =	sst s6  }
0xf: {  	[smem:$0x3F9C] =	sst s7  }
0x10: {  	[smem:$0x3F9D] =	sst s8  }
0x11: {  	[smem:$0x3F9E] =	sst s9;
	s0 =	simm.s32 @!p0 $0x0  }
0x12: {  	s1 =	sld [smem:$0x3F84];
	s0 =	simm.s32 @p0 $0x1  }
0x13: {  	[smem:$0x3F9F] =	sst s0;
	s0 =	simm.s32 @!p1 $0x0  }
0x14: {  	s2 =	sld [smem:$0x3F83];
	s0 =	simm.s32 @p1 $0x1  }
0x15: {  	[smem:$0x3FA0] =	sst s0;
	s0 =	simm.s32 @!p2 $0x0  }
0x16: {  	s3 =	sld [smem:$0x3FDB];
	s0 =	simm.s32 @p2 $0x1  }
0x17: {  	s4 =	simm.s32 $0x1BF5;
	[smem:$0x3FA2] =	sst s0  }
0x18: {  	s0 =	sld [smem:$0x3F85];
	_ =	swait.ge [sflag:s4], $0x0  }
0x19: {  	s7 =	sld [smem:$0x3F86]  }
0x1a: {  	s8 =	sadd.s32 $0xFFFFE003, lr  }
0x1b: {  	s9 =	sadd.s32 $0xFFFFFEF7, lr;
	s5 =	simm.s32 $0xFFFFFFFF;
	p2 =	slt.u32 s8, $0xFFFFF086  }
0x1c: {  	p1 =	slt.u32 s9, $0xF7A;
	s5 =	simm.s32 @!p2 $0x0  }
0x1d: {  	s5 =	simm.s32 @p1 $0x1;
	p0 =	seq.s32 s7, s2  }
0x1e: {  	s7 =	smul.u32 @!p0 $0xF7A, s2;
	p2 =	seq.s32 @!p0 s5, $0x0  }
0x1f: {  	s9 =	smul.u32 $0xF7A, s1;
	s8 =	simm.s32 @!p0 $0x1BF5;
	p2 =	por !p2, p0  }
0x20: {  	[sflag:s8] =	ssyncset.s32 @!p0 $0xFFFFF086;
	s6 =	sadd.s32 @!p0 s3, s7;
	s7 =	simm.s32 @!p0 $0x108  }
0x21: {  	s3 =	sadd.s32 s3, s9;
	s6 =	sadd.s32 @!p0 $0x88, s6;
	s7 =	simm.s32 @p2 $0x1082  }
0x22: {  	[simem:s7], [sflag:s8] =	dma.local @!p0 [hbm:s6], $0xF7A  }
0x23: {  	s9 =	sor.u32 $0xD0000000, s2;
	s6 =	simm.s32 $0x108;
	_ =	swait.ge @!p0 [sflag:s8], $0x0  }
0x24: {  	s3 =	sadd.s32 $0x88, s3;
	s6 =	simm.s32 @!p1 $0x1082;
	[sflag:s4] =	ssyncset.s32 $0xFFFFF086  }
0x25: {  	[simem:s6], [sflag:s4] =	dma.local [hbm:s3], $0xF7A  }
0x26: {  	[smem:$0x3F86] =	sst s1;
	(tag) =	ssettag s2;
	_ =	strace s9  }
0x27: {  	s1 =	sld [smem:$0x3F96]  }
0x28: {  	s2 =	sld [smem:$0x3F97]  }
0x29: {  	s4 =	sld [smem:$0x3F99]  }
0x2a: {  	p0 =	seq.s32 s5, $0x0;
	s5 =	sld [smem:$0x3F9A]  }
0x2b: {  	s6 =	sld [smem:$0x3F9B]  }
0x2c: {  	s7 =	sld [smem:$0x3F9C]  }
0x2d: {  	s3 =	simm.s32 $0x108;
	s8 =	sld [smem:$0x3F9D]  }
0x2e: {  	s3 =	simm.s32 @!p0 $0x1082;
	s9 =	sld [smem:$0x3F9E]  }
0x2f: {  	lr =	sadd.s32 s0, s3;
	s0 =	sld [smem:$0x3F95]  }
0x30: {  	s3 =	sld [smem:$0x3F98]  }
0x31: {  	[smem:$0x3FA1] =	sst s10  }
0x32: {  	s10 =	sld [smem:$0x3F9F];
	_ =	sdelay $0x3  }
0x33: {  	p0 =	seq.s32 s10, $0x1;
	s10 =	sld [smem:$0x3FA1];
	_ =	sdelay $0x3  }
0x34: {  	[smem:$0x3FA1] =	sst s10  }
0x35: {  	s10 =	sld [smem:$0x3FA0];
	_ =	sdelay $0x3  }
0x36: {  	p1 =	seq.s32 s10, $0x1;
	s10 =	sld [smem:$0x3FA1];
	_ =	sdelay $0x3  }
0x37: {  	[smem:$0x3FA1] =	sst s10  }
0x38: {  	s10 =	sld [smem:$0x3FA2]  }
0x39: {  	_ = 	snop;
	(pc) =	sbr.ind lr, $3  }
0x3a: {  	_ = 	snop  }
0x3b: {  	_ = 	snop  }
0x3c: {  	p2 =	seq.s32 s10, $0x1;
	s10 =	sld [smem:$0x3FA1]  }
0x3d: {  	_ =	shalt  }
0x3e: {  	_ =	shalt  }
0x3f: {  	_ =	shalt  }
0x40: {  	_ =	shalt  }
0x41: {  	_ =	shalt  }
0x42: {  	_ =	shalt  }
0x43: {  	_ =	shalt  }
0x44: {  	_ =	shalt  }
0x45: {  	_ =	shalt  }
0x46: {  	_ =	shalt  }
0x47: {  	_ =	shalt  }
0x48: {  	_ =	shalt  }
0x49: {  	_ =	shalt  }
0x4a: {  	_ =	shalt  }
0x4b: {  	_ =	shalt  }
0x4c: {  	_ =	shalt  }
0x4d: {  	_ =	shalt  }
0x4e: {  	_ =	shalt  }
0x4f: {  	_ =	shalt  }
0x50: {  	_ =	shalt  }
0x51: {  	_ =	shalt  }
0x52: {  	_ =	shalt  }
0x53: {  	_ =	shalt  }
0x54: {  	_ =	shalt  }
0x55: {  	_ =	shalt  }
0x56: {  	_ =	shalt  }
0x57: {  	_ =	shalt  }
0x58: {  	_ =	shalt  }
0x59: {  	_ =	shalt  }
0x5a: {  	_ =	shalt  }
0x5b: {  	_ =	shalt  }
0x5c: {  	_ =	shalt  }
0x5d: {  	_ =	shalt  }
0x5e: {  	_ =	shalt  }
0x5f: {  	_ =	shalt  }
0x60: {  	_ =	shalt  }
0x61: {  	_ =	shalt  }
0x62: {  	_ =	shalt  }
0x63: {  	_ =	shalt  }
0x64: {  	_ =	shalt  }
0x65: {  	_ =	shalt  }
0x66: {  	_ =	shalt  }
0x67: {  	_ =	shalt  }
0x68: {  	_ =	shalt  }
0x69: {  	_ =	shalt  }
0x6a: {  	_ =	shalt  }
0x6b: {  	_ =	shalt  }
0x6c: {  	_ =	shalt  }
0x6d: {  	_ =	shalt  }
0x6e: {  	_ =	shalt  }
0x6f: {  	_ =	shalt  }
0x70: {  	_ =	shalt  }
0x71: {  	_ =	shalt  }
0x72: {  	_ =	shalt  }
0x73: {  	_ =	shalt  }
0x74: {  	_ =	shalt  }
0x75: {  	_ =	shalt  }
0x76: {  	_ =	shalt  }
0x77: {  	_ =	shalt  }
0x78: {  	_ =	shalt  }
0x79: {  	_ =	shalt  }
0x7a: {  	_ =	shalt  }
0x7b: {  	_ =	shalt  }
0x7c: {  	_ =	shalt  }
0x7d: {  	_ =	shalt  }
0x7e: {  	_ =	shalt  }
0x7f: {  	_ =	shalt  }
0x80: {  	_ =	shalt  }
0x81: {  	_ =	shalt  }
0x82: {  	_ =	shalt  }
0x83: {  	_ =	shalt  }
0x84: {  	_ =	shalt  }
0x85: {  	_ =	shalt  }
0x86: {  	_ =	shalt  }
0x87: {  	_ =	shalt  }
.Lfunc_end0:
.L_simem_size_0:
called_computation.2_lowered:
.L_overlay_start_0:
0x88: {  	s2 =	sld [smem:$0x3FD9]  }
0x89: {  	s3 =	sld [smem:$0x3FFE];
	_ =	sdelay $0x1  }
0x8a: {  	s1 =	srdreg.scid  }
0x8b: {  	s0 =	sand.u32 $0x1, s1  }
0x8c: {  	s16 =	sshll.u32 s0, $0xA;
	s2 =	sadd.s32 s3, s2  }
0x8d: {  	s2 =	sadd.s32 s2, s16  }
0x8e: {  	[smem:$0x3FAD] =	sst s2  }
0x8f: {  	_ = 	snop  }
0x90: {  	(tm) =	ssettm $0x1  }
0x91: {  	s17 =	sld [smem:$0x3FFB];
	_ =	sdelay $0x3  }
0x92: {  	_ =	strace s17  }
0x93: {  	s2 =	sld [smem:$0x3FFC];
	_ =	sdelay $0x3  }
0x94: {  	_ =	strace s2  }
0x95: {  	s2 =	sld [smem:$0x3FFD];
	_ =	sdelay $0x3  }
0x96: {  	_ =	strace s2  }
0x97: {  	_ =	strace $0x8FFFFFFF  }
0x98: {  	s18 =	sld [smem:$0x3FDB];
	_ =	sdelay $0x1  }
0x99: {  	s19 =	simm.s32 $_scs_section_size  }
0x9a: {  	s4 =	simm.s32 $_size__tile_overlayer_lowered;
	s5 =	simm.s32 $_tile_overlayer_lowered  }
0x9b: {  	s22 =	simm.s32 $0x1BFF;
	s21 =	sshll.u32 s5, $0x1;
	s2 =	sadd.s32 s19, s18  }
0x9c: {  	s6 =	simm.s32 $0x0;
	s20 =	sshll.u32 s4, $0x1;
	s4 =	sadd.s32 s21, s2  }
0x9d: {  	[timem:s6], [sflag:s22] =	dma.local [hbm:s4], s20  }
0x9e: {  	_ =	swait.ge [sflag:s22], s20  }
0x9f: {  	s3 =	ssub.s32 $0x0, s20;
	[sflag:s22] =	ssyncset.done $0x0  }
0xa0: {  	[sflag:s22] =	ssyncadd.s32 s3;
	_ =	sdelay $0x1  }
0xa1: {  	s23 =	simm.s32 $0x1B8B  }
0xa2: {  	_ =	swait.ge [sflag:s23], $0x1  }
0xa3: {  	[sflag:s23] =	ssyncset.done $0x0  }
0xa4: {  	s25 =	simm.s32 $0x1B8E;
	s24 =	sld [smem:$0x3FFE];
	[sflag:s23] =	ssyncadd.s32 $0xFFFFFFFF  }
0xa5: {  	s26 =	simm.s32 $execute0_lowered;
	[smem:$0x3FD2] =	sst s25  }
0xa6: {  	s4 =	sshll.u32 s26, $0x1;
	_ =	strace $0x8000004C;
	[dreg:$0x1] =	wrdreg $0xFFFFFFFF  }
0xa7: {  	s28 =	simm.s32 $_size_execute0_lowered;
	s2 =	sadd.s32 s2, s4;
	[dreg:$0x0] =	wrdreg $0x0  }
0xa8: {  	s4 =	sshll.u32 s28, $0x1;
	[dreg:$0x2] =	wrdreg s2  }
0xa9: {  	[dreg:$0x3] =	wrdreg s4  }
0xaa: {  	[dreg:$0x4] =	wrdreg $0xC0  }
0xab: {  	_ =	task [dreg:s6], $0x5FFFF  }
0xac: {  	[dreg:$0x1] =	wrdreg $0xFFFFFFFF  }
0xad: {  	[dreg:$0x0] =	wrdreg $0x60  }
0xae: {  	[dreg:$0x2] =	wrdreg s24  }
0xaf: {  	[dreg:$0x3] =	wrdreg $0x70000  }
0xb0: {  	[dreg:$0x4] =	wrdreg $0x9  }
0xb1: {  	_ =	task.clear_ibuf [dreg:s6], $0x5FFFF;
	_ =	strace $0x9000004C  }
0xb2: {  	s29 =	simm.s32 $0x9;
	_ =	strace $0x8000004E  }
0xb3: {  	_ =	swait.ge [sflag:s29], $0x1  }
0xb4: {  	[sflag:s29] =	ssyncadd.s32 $0xFFFFFFFF  }
0xb5: {  	_ =	strace $0x9000004E  }
0xb6: {  	_ =	sfence  }
0xb7: {  	s30 =	sld [smem:$0x0];
	_ =	sdelay $0x2  }
0xb8: {  	s31 =	sshll.u32 s1, $0xD;
	s1 =	sshrl.u32 s1, $0x2  }
0xb9: {  	s3 =	sand.u32 $0x4000, s31;
	s1 =	sadd.s32 s1, s30  }
0xba: {  	s0 =	sor.u32 s3, s0;
	s1 =	sshll.u32 s1, $0x11  }
0xbb: {  	s0 =	sor.u32 s1, s0  }
0xbc: {  	s0 =	sadd.s32 $0x8F2B, s0  }
0xbd: {  	[sflag:s0] =	ssyncadd.remote.s32 $0x1  }
0xbe: {  	_ =	sfence.sel $0xFFFF  }
0xbf: {  	[dreg:$0x0] =	wrdreg $0xFFFFFFFF;
	(pc) =	sbr.abs _section_cstart, $3  }
0xc0: {  	[dreg:$0x1] =	wrdreg $0xFFFFFFFF  }
0xc1: {  	_ =	task.clear_ibuf [dreg:s6], $0x2FFFF;
	_ =	strace $0x9FFFFFFF  }
0xc2: {  	(tm) =	ssettm $0x7FFFFFFF  }
0xc3: {  	_ =	shalt  }
tec
execute0_lowered:
.L_overlay_start_1:
0x0: {  	(tag) =	ssettag $0x1  }
0x1: {  	s0 =	srdreg.scid;
	s20 =	stileid.u32  }
0x2: {  	s1 =	rddreg [dreg:$0x0];
	s8 =	smul.u32 $0xA000, s20  }
0x3: {  	s2 =	rddreg [dreg:$0x1];
	s0 =	sand.u32 $0x1, s0;
	s10 =	smul.u32 $0x2800, s20  }
0x4: {  	s28 =	simm.s32 $0x50;
	s9 =	sor.u32 $0x10, s20;
	s7 =	smul.u32 $0x138800, s0  }
0x5: {  	s29 =	simm.s32 $0x1;
	s11 =	sor.u32 $0x20, s20;
	s12 =	smul.u32 $0x2800, s9  }
0x6: {  	s30 =	simm.s32 $0x1C00;
	s13 =	sor.u32 $0x30, s20;
	s14 =	smul.u32 $0x2800, s11  }
0x7: {  	s31 =	simm.s32 $0x4;
	s16 =	sor.u32 $0x40, s20;
	s17 =	smul.u32 $0x2800, s13  }
0x8: {  	s5 =	sadd.s32 $0x2E000, s1;
	s19 =	sor.u32 $0x60, s20;
	s18 =	smul.u32 $0x2800, s16  }
0x9: {  	s6 =	sadd.s32 $0x6000, s1;
	s25 =	sor.u32 $0x70, s20;
	s23 =	smul.u32 $0x2800, s19  }
0xa: {  	s3 =	sshll.u32 s0, $0x4;
	s0 =	ssub.s32 $0x2, s0;
	s24 =	smul.u32 $0x2800, s25  }
0xb: {  	s11 =	smul.u32 $0xA000, s11;
	p0 =	sgt.u32 s25, $0x7C;
	s4 =	sor.u32 s20, s3  }
0xc: {  	s3 =	simm.s32 $0x0;
	s15 =	sshrl.u32 s0, $0x1;
	s8 =	sshrl.u32 s8, $0x2  }
0xd: {  	s4 =	smul.u32 $0x5000, s4;
	[smem:$0x7FF] =	sst s3;
	s0 =	ssub.s32 s0, s15  }
0xe: {  	s15 =	sor.u32 $0x50, s20;
	s21 =	sadd.s32 s7, s10;
	s22 =	sadd.s32 s7, s12  }
0xf: {  	s14 =	sadd.s32 s7, s14;
	s17 =	sadd.s32 s7, s17;
	s18 =	sadd.s32 s7, s18  }
0x10: {  	s23 =	sadd.s32 s7, s23;
	s24 =	sadd.s32 s7, s24;
	s12 =	smul.u32 $0xA000, s13  }
0x11: {  	s11 =	sshrl.u32 s11, $0x2;
	_ =	strace $0x8000004D;
	s26 =	smul.u32 $0x2800, s15  }
0x12: {  	s0 =	smax.u32 s0, $0x1;
	s11 =	sadd.s32 s11, s2;
	s14 =	sshrl.u32 s14, $0x3  }
0x13: {  	[dreg:$0x3] =	wrdreg s0;
	s0 =	sshrl.u32 s12, $0x2;
	s20 =	sadd.s32 s7, s26  }
0x14: {  	s7 =	sadd.s32 $0x1A000, s1;
	s26 =	smul.u32 $0xA000, s9;
	s1 =	sadd.s32 $0x55200, s1  }
0x15: {  	s9 =	sadd.s32 s8, s2;
	s12 =	sadd.s32 s0, s2;
	s8 =	smul.u32 $0xA000, s15  }
0x16: {  	s14 =	sadd.s32 s1, s14;
	s13 =	sshrl.u32 s26, $0x2;
	s26 =	smul.u32 $0xA000, s16  }
0x17: {  	s16 =	sshrl.u32 s21, $0x3;
	[dreg:$0x6] =	wrdreg s14;
	s10 =	sadd.s32 s13, s2  }
0x18: {  	s13 =	smul.u32 $0xA000, s19;
	s19 =	sshrl.u32 s22, $0x3;
	s15 =	sadd.s32 s1, s16  }
0x19: {  	s22 =	sshrl.u32 s17, $0x3;
	s17 =	sshrl.u32 s20, $0x3;
	s20 =	smul.u32 $0xA000, s25  }
0x1a: {  	s25 =	simm.s32 $0x2000;
	s0 =	sshrl.u32 s26, $0x2;
	[dreg:$0x4] =	wrdreg s15  }
0x1b: {  	s21 =	sadd.s32 s1, s19;
	s26 =	sshrl.u32 s18, $0x3;
	s14 =	sadd.s32 s1, s22  }
0x1c: {  	s18 =	sshrl.u32 s23, $0x3;
	s19 =	sshrl.u32 s24, $0x3;
	[dreg:$0x5] =	wrdreg s21  }
0x1d: {  	s23 =	sshrl.u32 s8, $0x2;
	[dreg:$0x7] =	wrdreg s14;
	s16 =	sadd.s32 s1, s26  }
0x1e: {  	s14 =	sadd.s32 s1, s17;
	s21 =	sadd.s32 s0, s2;
	s24 =	sshrl.u32 s13, $0x2  }
0x1f: {  	s22 =	sadd.s32 s23, s2;
	s26 =	sshrl.u32 s20, $0x2;
	[dreg:$0x8] =	wrdreg s16  }
0x20: {  	[dreg:$0x9] =	wrdreg s14;
	s14 =	sadd.s32 s1, s18;
	s1 =	sadd.s32 s1, s19  }
0x21: {  	s23 =	sadd.s32 s24, s2;
	s24 =	sadd.s32 s26, s2;
	[dreg:$0xa] =	wrdreg s14  }
0x22: {  	v0 =	vimm.f32 $0.0e+00;
	s26 =	simm.s32 $0x3;
	[dreg:$0xb] =	wrdreg s1;
	s1 =	simm.s32 $0x0  }
.LBB2_1:
0x23: {  	s0 =	sand.u32 $0xFE00, s3  }
0x24: {  	s8 =	sand.u32 $0x70, s3;
	s13 =	sshrl.u32 s0, $0x2  }
0x25: {  	s0 =	simm.s32 $0x40;
	s13 =	sor.u32 s8, s13;
	s8 =	simm.s32 $0x0  }
.LBB2_2:
0x26: {  	p1 =	sne.s32 s0, $0x9FC0  }
0x27: {  	[tilespmem:s13+$0x2000] =	vst v0;
	s8 =	sadd.s32 $0x10, s8;
	s13 =	smov.u32 s0;
	s0 =	sadd.s32 $0x40, s0  }
.Ltmp0:
0x28: {  	(pc) =	sbr.rel @p1 .LBB2_2-.Ltmp0, $4  }
0x29: {  	_ = 	snop  }
0x2a: {  	s13 =	sand.u32 $0xFE00, s13  }
0x2b: {  	s14 =	sand.u32 $0x70, s8;
	s13 =	sshrl.u32 s13, $0x2  }
0x2c: {  	s13 =	sor.u32 s14, s13  }
0x2d: {  	[tilespmem:s13+$0x2000] =	vst v0  }
0x2e: {  	[spmem:s9] =	stream.linear.scatter [tilespmem:s25], [sflag:$0x3], $0x2800, $0x38;
	[tilespmem:$0x1A880] =	vst v63  }
0x2f: {  	_ =	swait.ge [sflag:s26], $0x2800  }
0x30: {  	[sflag:s26] =	ssyncset.done $0x0  }
0x31: {  	[sflag:s26] =	ssyncadd.s32 $0xFFFFD800  }
0x32: {  	[spmem:s10] =	stream.linear.scatter [tilespmem:s25], [sflag:$0x3], $0x2800, $0x38;
	[tilespmem:$0x1A880] =	vst v63  }
0x33: {  	_ =	swait.ge [sflag:s26], $0x2800  }
0x34: {  	[sflag:s26] =	ssyncset.done $0x0  }
0x35: {  	[sflag:s26] =	ssyncadd.s32 $0xFFFFD800  }
0x36: {  	[spmem:s11] =	stream.linear.scatter [tilespmem:s25], [sflag:$0x3], $0x2800, $0x38;
	[tilespmem:$0x1A880] =	vst v63  }
0x37: {  	_ =	swait.ge [sflag:s26], $0x2800  }
0x38: {  	[sflag:s26] =	ssyncset.done $0x0  }
0x39: {  	[sflag:s26] =	ssyncadd.s32 $0xFFFFD800  }
0x3a: {  	[spmem:s12] =	stream.linear.scatter [tilespmem:s25], [sflag:$0x3], $0x2800, $0x38;
	[tilespmem:$0x1A880] =	vst v63  }
0x3b: {  	_ =	swait.ge [sflag:s26], $0x2800  }
0x3c: {  	[sflag:s26] =	ssyncset.done $0x0  }
0x3d: {  	[sflag:s26] =	ssyncadd.s32 $0xFFFFD800  }
0x3e: {  	[spmem:s21] =	stream.linear.scatter [tilespmem:s25], [sflag:$0x3], $0x2800, $0x38;
	[tilespmem:$0x1A880] =	vst v63  }
0x3f: {  	_ =	swait.ge [sflag:s26], $0x2800  }
0x40: {  	[sflag:s26] =	ssyncset.done $0x0  }
0x41: {  	[sflag:s26] =	ssyncadd.s32 $0xFFFFD800  }
0x42: {  	[spmem:s22] =	stream.linear.scatter [tilespmem:s25], [sflag:$0x3], $0x2800, $0x38;
	[tilespmem:$0x1A880] =	vst v63  }
0x43: {  	_ =	swait.ge [sflag:s26], $0x2800  }
0x44: {  	[sflag:s26] =	ssyncset.done $0x0  }
0x45: {  	[sflag:s26] =	ssyncadd.s32 $0xFFFFD800  }
0x46: {  	[spmem:s23] =	stream.linear.scatter [tilespmem:s25], [sflag:$0x3], $0x2800, $0x38;
	[tilespmem:$0x1A880] =	vst v63  }
0x47: {  	_ =	swait.ge [sflag:s26], $0x2800  }
0x48: {  	[sflag:s26] =	ssyncset.done $0x0  }
0x49: {  	s0 =	simm.s32 @!p0 $0x2000;
	[sflag:s26] =	ssyncadd.s32 $0xFFFFD800  }
0x4a: {  	[spmem:s24] =	stream.linear.scatter @!p0 [tilespmem:s0], [sflag:$0x3], $0x2800, $0x38;
	[tilespmem:$0x1A880] =	vst v63  }
0x4b: {  	s0 =	simm.s32 @!p0 $0x3  }
0x4c: {  	_ =	swait.ge @!p0 [sflag:s0], $0x2800  }
0x4d: {  	[sflag:s0] =	ssyncset.done @!p0 $0x0  }
0x4e: {  	[sflag:s0] =	ssyncadd.s32 @!p0 $0xFFFFD800  }
0x4f: {  	s8 =	simm.s32 $0x0;
	s0 =	simm.s32 $0x0;
	[bflag:$0x0] =	sbarrier.arrive $0xFFFF  }
.LBB2_4:
0x50: {  	s13 =	sshll.u32 s8, $0xC  }
0x51: {  	s13 =	sadd.s32 s4, s13  }
0x52: {  	s13 =	sshrl.u32 s13, $0x3  }
0x53: {  	s14 =	sadd.s32 s6, s13  }
0x54: {  	[tilespmem:s0], [sflag:$0x3] =	stream.linear.gather [hbm4b:s14+s0], $0xC80, $0x38;
	[tilespmem:$0x1A880] =	vst v63  }
0x55: {  	_ =	swait.ge [sflag:s26], $0xC80  }
0x56: {  	[sflag:s26] =	ssyncset.done $0x0  }
0x57: {  	s13 =	sadd.s32 s7, s13;
	s14 =	simm.s32 $0x1000;
	[sflag:s26] =	ssyncadd.s32 $0xFFFFF380  }
0x58: {  	[tilespmem:s14], [sflag:$0x3] =	stream.linear.gather [hbm4b:s13+s0], $0xC80, $0x38;
	[tilespmem:$0x1A880] =	vst v63  }
0x59: {  	s19 =	sand.u32 $0x1, s0;
	_ =	swait.ge [sflag:s26], $0xC80  }
0x5a: {  	p1 =	seq.s32 s19, $0x1;
	[sflag:s26] =	ssyncset.done $0x0  }
0x5b: {  	s13 =	simm.s32 @p1 $0x2;
	[sflag:s26] =	ssyncadd.s32 $0xFFFFF380  }
0x5c: {  	[tilespmem:s25], [sflag:$0x1] =	stream.indirect.gather [hbm4b:s5+s28], $0x80, s0, s28, $0xb8;
	[tilespmem:$0x1A880] =	vst v63  }
0x5d: {  	_ =	swait.ge @p1 [sflag:s13], $0x2800  }
0x5e: {  	s16 =	simm.s32 $0x80;
	[sflag:s13] =	ssyncset.done @p1 $0x0  }
0x5f: {  	s15 =	simm.s32 @p1 $0x2000;
	[sflag:s13] =	ssyncadd.s32 @p1 $0xFFFFD800;
	s13 =	simm.s32 @p1 $0x50  }
0x60: {  	[tilespmem:s15], [sflag:$0x1] =	stream.indirect.gather @p1 [hbm4b:s5+s13], $0x80, s16, s13, $0xb8;
	[tilespmem:$0x1A880] =	vst v63  }
0x61: {  	s17 =	simm.s32 @!p1 $0x1;
	s15 =	simm.s32 @p1 $0x4800  }
0x62: {  	[spmem:s2] =	stream.indirect.scatter.add.f32 @p1 [tilespmem:s15], [sflag:$0x3], $0x80, s14, s13, $0xb8;
	[tilespmem:$0x1A880] =	vst v63  }
0x63: {  	_ =	swait.ge @!p1 [sflag:s17], $0x2800  }
0x64: {  	s15 =	simm.s32 @!p1 $0x4;
	[sflag:s17] =	ssyncset.done @!p1 $0x0  }
0x65: {  	s13 =	simm.s32 @!p1 $0x50;
	[sflag:s17] =	ssyncadd.s32 @!p1 $0xFFFFD800;
	s17 =	simm.s32 @!p1 $0x4800  }
0x66: {  	[tilespmem:s17], [sflag:$0x2] =	stream.indirect.gather @!p1 [hbm4b:s5+s13], $0x80, s16, s13, $0xb8;
	[tilespmem:$0x1A880] =	vst v63  }
0x67: {  	s20 =	simm.s32 $0x1;
	s15 =	simm.s32 @p1 $0x3;
	s16 =	simm.s32 @!p1 $0x2000  }
0x68: {  	[spmem:s2] =	stream.indirect.scatter.add.f32 @!p1 [tilespmem:s16], [sflag:$0x4], $0x80, s14, s13, $0xb8;
	[tilespmem:$0x1A880] =	vst v63  }
0x69: {  	s17 =	sand.u32 $0x1, s20;
	s16 =	simm.s32 $0x2;
	_ =	swait.ge [sflag:s15], $0x2800  }
0x6a: {  	s13 =	simm.s32 $0x100;
	s14 =	simm.s32 $0x1080;
	[sflag:s15] =	ssyncset.done $0x0  }
.LBB2_5:
0x6b: {  	p2 =	seq.s32 s17, $0x1  }
0x6c: {  	[sflag:s15] =	ssyncadd.s32 $0xFFFFD800;
	s17 =	smov.u32 s16;
	s16 =	sadd.s32 $0x1, s16  }
0x6d: {  	p1 =	sne.s32 s16, $0x18;
	s18 =	simm.s32 @p2 $0x2;
	s15 =	simm.s32 @!p2 $0x4  }
0x6e: {  	_ =	swait.ge @p2 [sflag:s18], $0x2800  }
0x6f: {  	[sflag:s18] =	ssyncset.done @p2 $0x0  }
0x70: {  	s19 =	simm.s32 @p2 $0x2000;
	[sflag:s18] =	ssyncadd.s32 @p2 $0xFFFFD800;
	s18 =	simm.s32 @p2 $0x50  }
0x71: {  	[tilespmem:s19], [sflag:$0x1] =	stream.indirect.gather @p2 [hbm4b:s5+s18], $0x80, s13, s18, $0xb8;
	[tilespmem:$0x1A880] =	vst v63  }
0x72: {  	s20 =	simm.s32 @!p2 $0x1;
	s19 =	simm.s32 @p2 $0x4800  }
0x73: {  	[spmem:s2] =	stream.indirect.scatter.add.f32 @p2 [tilespmem:s19], [sflag:$0x3], $0x80, s14, s18, $0xb8;
	[tilespmem:$0x1A880] =	vst v63  }
0x74: {  	_ =	swait.ge @!p2 [sflag:s20], $0x2800  }
0x75: {  	[sflag:s20] =	ssyncset.done @!p2 $0x0  }
0x76: {  	s18 =	simm.s32 @!p2 $0x50;
	s19 =	simm.s32 @!p2 $0x4800;
	[sflag:s20] =	ssyncadd.s32 @!p2 $0xFFFFD800  }
0x77: {  	[tilespmem:s19], [sflag:$0x2] =	stream.indirect.gather @!p2 [hbm4b:s5+s18], $0x80, s13, s18, $0xb8;
	[tilespmem:$0x1A880] =	vst v63  }
.Ltmp1:
0x78: {  	_ = 	snop;
	(pc) =	sbr.rel @p1 .LBB2_5-.Ltmp1, $4  }
0x79: {  	s15 =	simm.s32 @p2 $0x3;
	s19 =	simm.s32 @!p2 $0x2000  }
0x7a: {  	[spmem:s2] =	stream.indirect.scatter.add.f32 @!p2 [tilespmem:s19], [sflag:$0x4], $0x80, s14, s18, $0xb8;
	[tilespmem:$0x1A880] =	vst v63  }
0x7b: {  	s13 =	sadd.s32 $0x80, s13;
	_ =	swait.ge [sflag:s15], $0x2800  }
0x7c: {  	s17 =	sand.u32 $0x1, s17;
	s14 =	sadd.s32 $0x80, s14;
	[sflag:s15] =	ssyncset.done $0x0  }
0x7d: {  	p1 =	seq.s32 s17, $0x1  }
0x7e: {  	[sflag:s15] =	ssyncadd.s32 $0xFFFFD800;
	s15 =	simm.s32 @p1 $0x2  }
0x7f: {  	_ =	swait.ge @p1 [sflag:s15], $0x2800  }
0x80: {  	[sflag:s15] =	ssyncset.done @p1 $0x0  }
0x81: {  	s16 =	simm.s32 @p1 $0x2000;
	[sflag:s15] =	ssyncadd.s32 @p1 $0xFFFFD800;
	s15 =	simm.s32 @p1 $0x50  }
0x82: {  	[tilespmem:s16], [sflag:$0x1] =	stream.indirect.gather @p1 [hbm4b:s5+s15], $0x80, s13, s15, $0xb8;
	[tilespmem:$0x1A880] =	vst v63  }
0x83: {  	s17 =	simm.s32 @!p1 $0x1;
	s16 =	simm.s32 @p1 $0x4800  }
0x84: {  	[spmem:s2] =	stream.indirect.scatter.add.f32 @p1 [tilespmem:s16], [sflag:$0x3], $0x80, s14, s15, $0xb8;
	[tilespmem:$0x1A880] =	vst v63  }
0x85: {  	_ =	swait.ge @!p1 [sflag:s17], $0x2800  }
0x86: {  	s15 =	simm.s32 @!p1 $0x4;
	[sflag:s17] =	ssyncset.done @!p1 $0x0  }
0x87: {  	s16 =	simm.s32 @!p1 $0x50;
	[sflag:s17] =	ssyncadd.s32 @!p1 $0xFFFFD800;
	s17 =	simm.s32 @!p1 $0x4800  }
0x88: {  	[tilespmem:s17], [sflag:$0x2] =	stream.indirect.gather @!p1 [hbm4b:s5+s16], $0x80, s13, s16, $0xb8;
	[tilespmem:$0x1A880] =	vst v63  }
0x89: {  	s15 =	simm.s32 @p1 $0x3;
	s13 =	simm.s32 @!p1 $0x2000  }
0x8a: {  	[spmem:s2] =	stream.indirect.scatter.add.f32 @!p1 [tilespmem:s13], [sflag:$0x4], $0x80, s14, s16, $0xb8;
	[tilespmem:$0x1A880] =	vst v63  }
0x8b: {  	_ =	swait.ge [sflag:s15], $0x2800  }
0x8c: {  	[sflag:s15] =	ssyncset.done $0x0  }
0x8d: {  	[sflag:s15] =	ssyncadd.s32 $0xFFFFD800  }
0x8e: {  	s8 =	sadd.s32 $0x1, s8;
	_ =	swait.ge [sflag:s29], $0x2800  }
0x8f: {  	p1 =	sne.s32 s8, $0x5;
	[sflag:s29] =	ssyncset.done $0x0  }
.Ltmp2:
0x90: {  	[sflag:s29] =	ssyncadd.s32 $0xFFFFD800;
	(pc) =	sbr.rel @p1 .LBB2_4-.Ltmp2, $4  }
0x91: {  	[spmem:s2] =	stream.indirect.scatter.add.f32 [tilespmem:s25], [sflag:$0x4], $0x80, s30, s28, $0xb8;
	[tilespmem:$0x1A880] =	vst v63  }
0x92: {  	_ =	swait.ge [sflag:s31], $0x2800  }
0x93: {  	[sflag:s31] =	ssyncset.done $0x0  }
0x94: {  	[sflag:s31] =	ssyncadd.s32 $0xFFFFD800  }
0x95: {  	[bflag:$0x0] =	sbarrier.arrive $0xFFFF  }
0x96: {  	[tilespmem:s25], [sflag:$0x4] =	stream.linear.gather [spmem:s9], $0x2800, $0x38;
	[tilespmem:$0x1A880] =	vst v63  }
0x97: {  	_ =	swait.ge [sflag:s31], $0x2800  }
0x98: {  	[sflag:s31] =	ssyncset.done $0x0  }
0x99: {  	s0 =	rddreg [dreg:$0x4];
	[sflag:s31] =	ssyncadd.s32 $0xFFFFD800  }
0x9a: {  	[hbm4b:s0+s3] =	stream.linear.scatter [tilespmem:s25], [sflag:$0x3], $0x2800, $0x38;
	[tilespmem:$0x1A880] =	vst v63  }
0x9b: {  	_ =	swait.ge [sflag:s26], $0x2800  }
0x9c: {  	[sflag:s26] =	ssyncset.done $0x0  }
0x9d: {  	[sflag:s26] =	ssyncadd.s32 $0xFFFFD800  }
0x9e: {  	[tilespmem:s25], [sflag:$0x4] =	stream.linear.gather [spmem:s10], $0x2800, $0x38;
	[tilespmem:$0x1A880] =	vst v63  }
0x9f: {  	_ =	swait.ge [sflag:s31], $0x2800  }
0xa0: {  	[sflag:s31] =	ssyncset.done $0x0  }
0xa1: {  	s14 =	rddreg [dreg:$0x5];
	[sflag:s31] =	ssyncadd.s32 $0xFFFFD800  }
0xa2: {  	[hbm4b:s14+s3] =	stream.linear.scatter [tilespmem:s25], [sflag:$0x3], $0x2800, $0x38;
	[tilespmem:$0x1A880] =	vst v63  }
0xa3: {  	_ =	swait.ge [sflag:s26], $0x2800  }
0xa4: {  	[sflag:s26] =	ssyncset.done $0x0  }
0xa5: {  	[sflag:s26] =	ssyncadd.s32 $0xFFFFD800  }
0xa6: {  	[tilespmem:s25], [sflag:$0x4] =	stream.linear.gather [spmem:s11], $0x2800, $0x38;
	[tilespmem:$0x1A880] =	vst v63  }
0xa7: {  	_ =	swait.ge [sflag:s31], $0x2800  }
0xa8: {  	[sflag:s31] =	ssyncset.done $0x0  }
0xa9: {  	s15 =	rddreg [dreg:$0x6];
	[sflag:s31] =	ssyncadd.s32 $0xFFFFD800  }
0xaa: {  	[hbm4b:s15+s3] =	stream.linear.scatter [tilespmem:s25], [sflag:$0x3], $0x2800, $0x38;
	[tilespmem:$0x1A880] =	vst v63  }
0xab: {  	_ =	swait.ge [sflag:s26], $0x2800  }
0xac: {  	[sflag:s26] =	ssyncset.done $0x0  }
0xad: {  	[sflag:s26] =	ssyncadd.s32 $0xFFFFD800  }
0xae: {  	[tilespmem:s25], [sflag:$0x4] =	stream.linear.gather [spmem:s12], $0x2800, $0x38;
	[tilespmem:$0x1A880] =	vst v63  }
0xaf: {  	_ =	swait.ge [sflag:s31], $0x2800  }
0xb0: {  	[sflag:s31] =	ssyncset.done $0x0  }
0xb1: {  	s16 =	rddreg [dreg:$0x7];
	[sflag:s31] =	ssyncadd.s32 $0xFFFFD800  }
0xb2: {  	[hbm4b:s16+s3] =	stream.linear.scatter [tilespmem:s25], [sflag:$0x3], $0x2800, $0x38;
	[tilespmem:$0x1A880] =	vst v63  }
0xb3: {  	_ =	swait.ge [sflag:s26], $0x2800  }
0xb4: {  	[sflag:s26] =	ssyncset.done $0x0  }
0xb5: {  	[sflag:s26] =	ssyncadd.s32 $0xFFFFD800  }
0xb6: {  	[tilespmem:s25], [sflag:$0x4] =	stream.linear.gather [spmem:s21], $0x2800, $0x38;
	[tilespmem:$0x1A880] =	vst v63  }
0xb7: {  	_ =	swait.ge [sflag:s31], $0x2800  }
0xb8: {  	[sflag:s31] =	ssyncset.done $0x0  }
0xb9: {  	s17 =	rddreg [dreg:$0x8];
	[sflag:s31] =	ssyncadd.s32 $0xFFFFD800  }
0xba: {  	[hbm4b:s17+s3] =	stream.linear.scatter [tilespmem:s25], [sflag:$0x3], $0x2800, $0x38;
	[tilespmem:$0x1A880] =	vst v63  }
0xbb: {  	_ =	swait.ge [sflag:s26], $0x2800  }
0xbc: {  	[sflag:s26] =	ssyncset.done $0x0  }
0xbd: {  	[sflag:s26] =	ssyncadd.s32 $0xFFFFD800  }
0xbe: {  	[tilespmem:s25], [sflag:$0x4] =	stream.linear.gather [spmem:s22], $0x2800, $0x38;
	[tilespmem:$0x1A880] =	vst v63  }
0xbf: {  	_ =	swait.ge [sflag:s31], $0x2800  }
0xc0: {  	[sflag:s31] =	ssyncset.done $0x0  }
0xc1: {  	s18 =	rddreg [dreg:$0x9];
	[sflag:s31] =	ssyncadd.s32 $0xFFFFD800  }
0xc2: {  	[hbm4b:s18+s3] =	stream.linear.scatter [tilespmem:s25], [sflag:$0x3], $0x2800, $0x38;
	[tilespmem:$0x1A880] =	vst v63  }
0xc3: {  	_ =	swait.ge [sflag:s26], $0x2800  }
0xc4: {  	[sflag:s26] =	ssyncset.done $0x0  }
0xc5: {  	[sflag:s26] =	ssyncadd.s32 $0xFFFFD800  }
0xc6: {  	[tilespmem:s25], [sflag:$0x4] =	stream.linear.gather [spmem:s23], $0x2800, $0x38;
	[tilespmem:$0x1A880] =	vst v63  }
0xc7: {  	_ =	swait.ge [sflag:s31], $0x2800  }
0xc8: {  	[sflag:s31] =	ssyncset.done $0x0  }
0xc9: {  	s19 =	rddreg [dreg:$0xa];
	[sflag:s31] =	ssyncadd.s32 $0xFFFFD800  }
0xca: {  	[hbm4b:s19+s3] =	stream.linear.scatter [tilespmem:s25], [sflag:$0x3], $0x2800, $0x38;
	[tilespmem:$0x1A880] =	vst v63  }
0xcb: {  	_ =	swait.ge [sflag:s26], $0x2800  }
0xcc: {  	[sflag:s26] =	ssyncset.done $0x0  }
0xcd: {  	s8 =	simm.s32 @!p0 $0x4;
	s0 =	simm.s32 @!p0 $0x2000;
	[sflag:s26] =	ssyncadd.s32 $0xFFFFD800  }
0xce: {  	[tilespmem:s0], [sflag:$0x4] =	stream.linear.gather @!p0 [spmem:s24], $0x2800, $0x38;
	[tilespmem:$0x1A880] =	vst v63  }
0xcf: {  	_ =	swait.ge @!p0 [sflag:s8], $0x2800  }
0xd0: {  	[sflag:s8] =	ssyncset.done @!p0 $0x0  }
0xd1: {  	s13 =	rddreg [dreg:$0xb];
	[sflag:s8] =	ssyncadd.s32 @!p0 $0xFFFFD800;
	s8 =	simm.s32 @!p0 $0x0  }
0xd2: {  	[hbm4b:s13+s8] =	stream.linear.scatter @!p0 [tilespmem:s0], [sflag:$0x3], $0x2800, $0x38;
	[tilespmem:$0x1A880] =	vst v63  }
0xd3: {  	s0 =	simm.s32 @!p0 $0x3  }
0xd4: {  	_ =	swait.ge @!p0 [sflag:s0], $0x2800  }
0xd5: {  	s1 =	sadd.s32 $0x1, s1;
	s20 =	rddreg [dreg:$0x3]  }
0xd6: {  	p1 =	sne.s32 s1, s20  }
.Ltmp3:
0xd7: {  	_ = 	snop;
	(pc) =	sbr.rel @p1 .LBB2_1-.Ltmp3, $3  }
0xd8: {  	_ =	sdelay $0x1  }
0xd9: {  	[sflag:s0] =	ssyncset.done @!p0 $0x0  }
0xda: {  	[sflag:s0] =	ssyncadd.s32 @!p0 $0xFFFFD800  }
0xdb: {  	_ =	sfence.sel $0x180000  }
0xdc: {  	[bflag:$0x0] =	sbarrier.arrive $0xFFFF  }
0xdd: {  	_ =	strace $0x9000004D  }
0xde: {  	s0 =	stileid.u32;
	[bflag:$0x2] =	sbarrier.arrive $0xFFFF  }
0xdf: {  	p0 =	sne.s32 s0, $0x0;
	s0 =	rddreg [dreg:$0x2]  }
0xe0: {  	s0 =	sadd.s32 @!p0 $0x100000, s0  }
0xe1: {  	[sflag:s0] =	ssyncadd.tile.s32 @!p0 $0x1;
	_ =	shalt  }
.Lfunc_end2:
_tile_overlayer_lowered:
.L_overlay_start_2:
0xe2: {  	(tag) =	ssettag $0x2  }
0xe3: {  	s0 =	rddreg [dreg:$0x0];
	s2 =	stileid.u32  }
0xe4: {  	s1 =	rddreg [dreg:$0x1];
	p0 =	sne.s32 s2, $0x0  }
0xe5: {  	s3 =	rddreg [dreg:$0x2];
	[bflag:$0x3] =	sbarrier.arrive $0xFFFF;
	s2 =	simm.s32 @!p0 $0x1C03  }
0xe6: {  	[timem:s3], [sflag:s2] =	dma.local @!p0 [hbm:s0], s1  }
0xe7: {  	s0 =	simm.s32 @!p0 $0x3  }
0xe8: {  	_ =	swait.ge @!p0 [sflag:s0], s1  }
0xe9: {  	s1 =	ssub.s32 @!p0 $0x0, s1;
	[sflag:s0] =	ssyncset.done @!p0 $0x0  }
0xea: {  	[sflag:s0] =	ssyncadd.s32 @!p0 s1  }
0xeb: {  	[bflag:$0x3] =	sbarrier.arrive $0xFFFF  }
0xec: {  	_ =	shalt  }

</sc_bundles>
